<compile_context>
chip_gen: v7x
topology: tpu7x:2x2x1
jax: 0.10.2.dev20260603
libtpu: 0.0.44.dev20260713+nightly
codegen_flags: <defaults>
</compile_context>

<pallas_src>
import functools

import jax
import jax.numpy as jnp
from jax import lax
from jax.experimental import pallas as pl
from jax.experimental.pallas import tpu as pltpu
from jax.experimental.pallas import tpu_sc as plsc

N_NODES = 10000
N_EDGES = 320000
D = 128

NC = 2
NS = 16
NW = NC * NS
E_PAD = 327680
EDGES_PER_WORKER = E_PAD // NW
CHUNK = 80
NCHUNKS = EDGES_PER_WORKER // CHUNK
PAD_CHUNK0 = (N_EDGES - (NW - 1) * EDGES_PER_WORKER) // CHUNK
N_Y = 11000

ROW_BLK = 1000
GRID = N_NODES // ROW_BLK
GRID_Y = GRID + 1

_mesh = plsc.VectorSubcoreMesh(
    core_axis_name="c", subcore_axis_name="s", num_cores=NC, num_subcores=NS
)



NB = 3


def _sc_agg_body(with_deg, *refs):
    if with_deg:
        (y_hbm, pk_hbm, zrow_hbm, zdeg_hbm,
         agg_out, deg_out,
         pk_v, sb0, sb1, sb2, db0, db1, db2, r0, r1, r2, ones_v, degstg_v,
         agg_sh, deg_sh, g0, g1, g2, s0, s1, s2) = refs
    else:
        (y_hbm, pk_hbm, zrow_hbm,
         agg_out,
         pk_v, sb0, sb1, sb2, db0, db1, db2, r0, r1, r2,
         agg_sh, g0, g1, g2, s0, s1, s2) = refs
    srcb = (sb0, sb1, sb2)
    dstb = (db0, db1, db2)
    rows = (r0, r1, r2)
    gsem = (g0, g1, g2)
    ssem = (s0, s1, s2)

    c = lax.axis_index("c")
    s = lax.axis_index("s")
    wid = c * NS + s

    @pl.when(s < 10)
    def _zero():
        pltpu.sync_copy(zrow_hbm, agg_sh.at[pl.ds(s * 1000, 1000)])
        if with_deg:
            pltpu.sync_copy(zdeg_hbm, degstg_v)
            pltpu.sync_copy(degstg_v, deg_sh.at[pl.ds(s * 1000, 1000)])

    if with_deg:
        for i in range(CHUNK // 16):
            ones_v[pl.ds(i * 16, 16)] = jnp.ones((16,), jnp.float32)

    off = pl.multiple_of(wid * EDGES_PER_WORKER, 8)
    pltpu.sync_copy(pk_hbm.at[pl.ds(off, EDGES_PER_WORKER)], pk_v)

    plsc.subcore_barrier()

    def unpack(chunk, b):
        base = chunk * CHUNK
        for k in range(CHUNK // 16):
            p = pk_v[pl.ds(base + 16 * k, 16)]
            srcb[b][pl.ds(16 * k, 16)] = p & 0xFFFF
            dstb[b][pl.ds(16 * k, 16)] = lax.shift_right_logical(p, 16)

    def fire_gather(chunk, b):
        unpack(chunk, b)
        pltpu.async_copy(y_hbm.at[srcb[b]], rows[b], gsem[b])

    def wait_gather(b):
        pltpu.make_async_copy(y_hbm.at[pl.ds(0, CHUNK)], rows[b],
                              gsem[b]).wait()

    is_last = wid == (NW - 1)

    def fire_scatter(chunk, b):
        pltpu.async_copy(rows[b], agg_sh.at[dstb[b]], ssem[b], add=True)
        if with_deg:
            @pl.when(jnp.logical_not(is_last & (chunk >= PAD_CHUNK0)))
            def _():
                pltpu.async_copy(ones_v, deg_sh.at[dstb[b]], ssem[b],
                                 add=True)

    def wait_scatter(chunk, b):
        pltpu.make_async_copy(y_hbm.at[pl.ds(0, CHUNK)], rows[b],
                              ssem[b]).wait()
        if with_deg:
            @pl.when(jnp.logical_not(is_last & (chunk >= PAD_CHUNK0)))
            def _():
                pltpu.make_async_copy(zrow_hbm.at[0, pl.ds(0, CHUNK)],
                                      ones_v, ssem[b]).wait()

    assert NCHUNKS % NB == 2
    fire_gather(0, 0)

    def body(j, carry):
        for b in range(NB):
            i = NB * j + b
            b1 = (b + 1) % NB

            @pl.when(i >= 2)
            def _w():
                wait_scatter(i - 2, b1)

            fire_gather(i + 1, b1)
            wait_gather(b)
            fire_scatter(i, b)
        return carry

    lax.fori_loop(0, NCHUNKS // NB, body, 0)
    wait_scatter(NCHUNKS - 4, 1)
    fire_gather(NCHUNKS - 1, 1)
    wait_gather(0)
    fire_scatter(NCHUNKS - 2, 0)
    wait_gather(1)
    fire_scatter(NCHUNKS - 1, 1)
    wait_scatter(NCHUNKS - 3, 2)
    wait_scatter(NCHUNKS - 2, 0)
    wait_scatter(NCHUNKS - 1, 1)

    plsc.subcore_barrier()

    @pl.when(s < 10)
    def _writeback():
        pltpu.sync_copy(agg_sh.at[pl.ds(s * 1000, 1000)],
                        agg_out.at[c, pl.ds(s * 1000, 1000)])
        if with_deg:
            off = pl.multiple_of(c * N_NODES + s * 1000, 8)
            pltpu.sync_copy(deg_sh.at[pl.ds(s * 1000, 1000)], degstg_v)
            pltpu.sync_copy(degstg_v, deg_out.at[pl.ds(off, 1000)])


_sc_agg_deg = pl.kernel(
    functools.partial(_sc_agg_body, True),
    out_type=(
        jax.ShapeDtypeStruct((NC, N_NODES, D), jnp.float32),
        jax.ShapeDtypeStruct((NC * N_NODES,), jnp.float32),
    ),
    mesh=_mesh,
    scratch_types=(
        pltpu.VMEM((EDGES_PER_WORKER,), jnp.int32),
        pltpu.VMEM((CHUNK,), jnp.int32),
        pltpu.VMEM((CHUNK,), jnp.int32),
        pltpu.VMEM((CHUNK,), jnp.int32),
        pltpu.VMEM((CHUNK,), jnp.int32),
        pltpu.VMEM((CHUNK,), jnp.int32),
        pltpu.VMEM((CHUNK,), jnp.int32),
        pltpu.VMEM((CHUNK, D), jnp.float32),
        pltpu.VMEM((CHUNK, D), jnp.float32),
        pltpu.VMEM((CHUNK, D), jnp.float32),
        pltpu.VMEM((CHUNK,), jnp.float32),
        pltpu.VMEM((1000,), jnp.float32),
        pltpu.VMEM_SHARED((N_NODES, D), jnp.float32),
        pltpu.VMEM_SHARED((N_NODES,), jnp.float32),
        pltpu.SemaphoreType.DMA,
        pltpu.SemaphoreType.DMA,
        pltpu.SemaphoreType.DMA,
        pltpu.SemaphoreType.DMA,
        pltpu.SemaphoreType.DMA,
        pltpu.SemaphoreType.DMA,
    ),
)

_sc_agg = pl.kernel(
    functools.partial(_sc_agg_body, False),
    out_type=jax.ShapeDtypeStruct((NC, N_NODES, D), jnp.float32),
    mesh=_mesh,
    scratch_types=(
        pltpu.VMEM((EDGES_PER_WORKER,), jnp.int32),
        pltpu.VMEM((CHUNK,), jnp.int32),
        pltpu.VMEM((CHUNK,), jnp.int32),
        pltpu.VMEM((CHUNK,), jnp.int32),
        pltpu.VMEM((CHUNK,), jnp.int32),
        pltpu.VMEM((CHUNK,), jnp.int32),
        pltpu.VMEM((CHUNK,), jnp.int32),
        pltpu.VMEM((CHUNK, D), jnp.float32),
        pltpu.VMEM((CHUNK, D), jnp.float32),
        pltpu.VMEM((CHUNK, D), jnp.float32),
        pltpu.VMEM_SHARED((N_NODES, D), jnp.float32),
        pltpu.SemaphoreType.DMA,
        pltpu.SemaphoreType.DMA,
        pltpu.SemaphoreType.DMA,
        pltpu.SemaphoreType.DMA,
        pltpu.SemaphoreType.DMA,
        pltpu.SemaphoreType.DMA,
    ),
)



def _tc1_body(x_ref, wl_ref, wr_ref, b_ref, ei_ref, y_ref, z_ref, pk_ref):
    pid = pl.program_id(0)

    @pl.when(pid < GRID)
    def _compute():
        xb = x_ref[...]
        y_ref[...] = jnp.dot(xb, wl_ref[...],
                             preferred_element_type=jnp.float32)
        z_ref[...] = (
            jnp.dot(xb, wr_ref[...], preferred_element_type=jnp.float32)
            + b_ref[...]
        )

    @pl.when(pid == GRID)
    def _zero_row_block():
        y_ref[...] = jnp.zeros((ROW_BLK, D), jnp.float32)

    gi0 = jnp.minimum(pid, GRID - 1) * _E_BLK
    pos = gi0 + lax.broadcasted_iota(jnp.int32, (1, _E_BLK), 1)
    sv = ei_ref[0:1, :]
    dv = ei_ref[1:2, :]
    r = jnp.maximum(pos - N_EDGES, 0)
    pad_pk = (N_NODES + r % (N_Y - N_NODES)) | (r << 16)
    pkv = jnp.where(pos < N_EDGES, sv | (dv << 16), pad_pk)
    pk_ref[...] = jnp.reshape(pkv, (_E_BLK,))


def _tc2_body(agg_ref, deg_ref, z_ref, wl_ref, wr_ref, b_ref, y2_ref, z2_ref):
    pid = pl.program_id(0)

    @pl.when(pid < GRID)
    def _compute():
        agg = agg_ref[0] + agg_ref[1]
        dl = (deg_ref[0, pl.ds(pid, 1), :]
              + deg_ref[1, pl.ds(pid, 1), :])
        deg = jnp.maximum(jnp.transpose(dl, (1, 0)), 1.0)
        h = jnp.maximum(agg / deg + z_ref[...], 0.0)
        y2_ref[...] = jnp.dot(h, wl_ref[...],
                              preferred_element_type=jnp.float32)
        z2_ref[...] = (
            jnp.dot(h, wr_ref[...], preferred_element_type=jnp.float32)
            + b_ref[...]
        )

    @pl.when(pid == GRID)
    def _zero_row_block():
        y2_ref[...] = jnp.zeros((ROW_BLK, D), jnp.float32)


def _tc3_body(agg_ref, deg_ref, z_ref, o_ref):
    pid = pl.program_id(0)
    agg = agg_ref[0] + agg_ref[1]
    dl = deg_ref[0, pl.ds(pid, 1), :] + deg_ref[1, pl.ds(pid, 1), :]
    deg = jnp.maximum(jnp.transpose(dl, (1, 0)), 1.0)
    h = agg / deg + z_ref[...]
    m = jnp.max(h, axis=-1, keepdims=True)
    e = jnp.exp(h - m)
    lse = jnp.log(jnp.sum(e, axis=-1, keepdims=True)) + m
    o_ref[...] = h - lse


_row_spec = pl.BlockSpec((ROW_BLK, D), lambda i: (i, 0))
_row_clamp = pl.BlockSpec((ROW_BLK, D), lambda i: (jnp.minimum(i, GRID - 1), 0))
_w_spec = pl.BlockSpec((D, D), lambda i: (0, 0))
_b_spec = pl.BlockSpec((1, D), lambda i: (0, 0))
_agg_spec = pl.BlockSpec((NC, ROW_BLK, D), lambda i: (0, i, 0))
_agg_clamp = pl.BlockSpec((NC, ROW_BLK, D),
                          lambda i: (0, jnp.minimum(i, GRID - 1), 0))
_deg_spec = pl.BlockSpec((NC, GRID, ROW_BLK), lambda i: (0, 0, 0))
_deg_clamp = _deg_spec

_E_BLK = E_PAD // GRID
_tc1 = pl.pallas_call(
    _tc1_body,
    grid=(GRID_Y,),
    in_specs=[_row_clamp, _w_spec, _w_spec, _b_spec,
              pl.BlockSpec((2, _E_BLK),
                           lambda i: (0, jnp.minimum(i, GRID - 1)))],
    out_specs=[_row_spec, _row_spec,
               pl.BlockSpec((_E_BLK,),
                            lambda i: (jnp.minimum(i, GRID - 1),))],
    out_shape=[
        jax.ShapeDtypeStruct((N_Y, D), jnp.float32),
        jax.ShapeDtypeStruct((N_Y, D), jnp.float32),
        jax.ShapeDtypeStruct((E_PAD,), jnp.int32),
    ],
)

_tc2 = pl.pallas_call(
    _tc2_body,
    grid=(GRID_Y,),
    in_specs=[_agg_clamp, _deg_clamp, _row_clamp, _w_spec, _w_spec, _b_spec],
    out_specs=[_row_spec, _row_spec],
    out_shape=[
        jax.ShapeDtypeStruct((N_Y, D), jnp.float32),
        jax.ShapeDtypeStruct((N_Y, D), jnp.float32),
    ],
)

_tc3 = pl.pallas_call(
    _tc3_body,
    grid=(GRID,),
    in_specs=[_agg_spec, _deg_spec, _row_spec],
    out_specs=_row_spec,
    out_shape=jax.ShapeDtypeStruct((N_NODES, D), jnp.float32),
)


def kernel(x, edge_index, W1_l, W1_r, b1, W2_l, W2_r, b2):
    ei = edge_index.astype(jnp.int32)
    zrow = jnp.zeros((1000, D), jnp.float32)
    zdeg = jnp.zeros((1000,), jnp.float32)
    b1r = b1.reshape(1, D)
    b2r = b2.reshape(1, D)

    y1, z1, pk = _tc1(x, W1_l, W1_r, b1r, ei)
    agg1, deg = _sc_agg_deg(y1, pk, zrow, zdeg)
    deg3 = deg.reshape(NC, GRID, ROW_BLK)
    y2, z2 = _tc2(agg1, deg3, z1, W2_l, W2_r, b2r)
    agg2 = _sc_agg(y2, pk, zrow)
    out = _tc3(agg2, deg3, z2)
    return out

# --- scband reference (transcript-rebuilt; emitter-appended) ---
"""Pipeline reference for scband-graph-sagewith-hidden-32968168964351 (READ-ONLY COPY).

The authoritative reference and input builder live on the scoring server;
editing this copy changes nothing except your own understanding.
"""

import jax, jax.numpy as jnp
import numpy as np

N_NODES = 10000
N_EDGES = 320000
D_IN = 128
D_HID = 128
D_OUT = 128


def setup_inputs(seed: int = 0) -> dict:
    key = jax.random.key(seed)
    ks = jax.random.split(key, 9)
    x = jax.random.normal(ks[0], (N_NODES, D_IN), dtype=jnp.float32)
    edge_index = jax.random.randint(ks[1], (2, N_EDGES), 0, N_NODES, dtype=jnp.int64 if jax.config.jax_enable_x64 else jnp.int32)
    # SAGEConv layer 1 params: lin_l (applied to aggregated neighbors, has bias), lin_r (applied to root, no bias)
    s1 = 1.0 / np.sqrt(D_IN)
    W1_l = jax.random.uniform(ks[2], (D_IN, D_HID), minval=-s1, maxval=s1, dtype=jnp.float32)
    W1_r = jax.random.uniform(ks[3], (D_IN, D_HID), minval=-s1, maxval=s1, dtype=jnp.float32)
    b1 = jax.random.uniform(ks[4], (D_HID,), minval=-s1, maxval=s1, dtype=jnp.float32)
    s2 = 1.0 / np.sqrt(D_HID)
    W2_l = jax.random.uniform(ks[5], (D_HID, D_OUT), minval=-s2, maxval=s2, dtype=jnp.float32)
    W2_r = jax.random.uniform(ks[6], (D_HID, D_OUT), minval=-s2, maxval=s2, dtype=jnp.float32)
    b2 = jax.random.uniform(ks[7], (D_OUT,), minval=-s2, maxval=s2, dtype=jnp.float32)
    return {"x": x, "edge_index": edge_index, "W1_l": W1_l, "W1_r": W1_r, "b1": b1, "W2_l": W2_l, "W2_r": W2_r, "b2": b2}


def _sage_conv(x, edge_index, W_l, W_r, b):
    # PyG SAGEConv (mean aggregation): out = lin_l(mean_{j in N(i)} x_j) + lin_r(x_i)
    src = edge_index[0]
    dst = edge_index[1]
    msgs = jnp.take(x, src, axis=0)                                   # gather [E, d]
    agg = jax.ops.segment_sum(msgs, dst, num_segments=N_NODES)        # scatter-add [N, d]
    deg = jax.ops.segment_sum(jnp.ones((msgs.shape[0],), dtype=x.dtype), dst, num_segments=N_NODES)
    mean = agg / jnp.clip(deg, 1.0, None)[:, None]
    return mean @ W_l + x @ W_r + b


def reference(x, edge_index, W1_l, W1_r, b1, W2_l, W2_r, b2):
    h1 = _sage_conv(x, edge_index, W1_l, W1_r, b1)
    h1 = jax.nn.relu(h1)
    h2 = _sage_conv(h1, edge_index, W2_l, W2_r, b2)
    out = jax.nn.log_softmax(h2, axis=-1)
    return out

if __name__ == "__main__":
    import jax
    _d = setup_inputs()
    print(jax.jit(kernel)(*tuple(_d.values())))

</pallas_src>

<mosaic_0001>
#map = affine_map<(d0, d1) -> (0, 0)>
#map1 = affine_map<(d0, d1) -> (0)>
#map2 = affine_map<(d0, d1) -> (0, 0, 0)>
module attributes {stable_mosaic.version = 14 : i64} {
  func.func @_sc_agg_body(%arg0: i32, %arg1: i32, %arg2: memref<11000x128xf32, #tpu.memory_space<hbm>>, %arg3: memref<327680xi32, #tpu.memory_space<hbm>>, %arg4: memref<1000x128xf32, #tpu.memory_space<hbm>>, %arg5: memref<1000xf32, #tpu.memory_space<hbm>>, %arg6: memref<2x10000x128xf32, #tpu.memory_space<hbm>>, %arg7: memref<20000xf32, #tpu.memory_space<hbm>>, %arg8: memref<10240xi32, #tpu.memory_space<vmem>>, %arg9: memref<80xi32, #tpu.memory_space<vmem>>, %arg10: memref<80xi32, #tpu.memory_space<vmem>>, %arg11: memref<80xi32, #tpu.memory_space<vmem>>, %arg12: memref<80xi32, #tpu.memory_space<vmem>>, %arg13: memref<80xi32, #tpu.memory_space<vmem>>, %arg14: memref<80xi32, #tpu.memory_space<vmem>>, %arg15: memref<80x128xf32, #tpu.memory_space<vmem>>, %arg16: memref<80x128xf32, #tpu.memory_space<vmem>>, %arg17: memref<80x128xf32, #tpu.memory_space<vmem>>, %arg18: memref<80xf32, #tpu.memory_space<vmem>>, %arg19: memref<1000xf32, #tpu.memory_space<vmem>>, %arg20: memref<10000x128xf32, #tpu.memory_space<vmem_shared>>, %arg21: memref<10000xf32, #tpu.memory_space<vmem_shared>>, %arg22: memref<!tpu.dma_semaphore, #tpu.memory_space<semaphore_mem>>, %arg23: memref<!tpu.dma_semaphore, #tpu.memory_space<semaphore_mem>>, %arg24: memref<!tpu.dma_semaphore, #tpu.memory_space<semaphore_mem>>, %arg25: memref<!tpu.dma_semaphore, #tpu.memory_space<semaphore_mem>>, %arg26: memref<!tpu.dma_semaphore, #tpu.memory_space<semaphore_mem>>, %arg27: memref<!tpu.dma_semaphore, #tpu.memory_space<semaphore_mem>>) attributes {dimension_semantics = [#tpu.dimension_semantics<core_parallel>, #tpu.dimension_semantics<subcore_parallel>], iteration_bounds = array<i64: 2, 16>, scalar_prefetch = 0 : i64, scratch_operands = 20 : i64, tpu.core_type = #tpu.core_type<sc_vector_subcore>, window_params = [{transform_indices = #map}, {transform_indices = #map1}, {transform_indices = #map}, {transform_indices = #map1}, {transform_indices = #map2}, {transform_indices = #map1}]} {
    %mul3A = arith.constant 16 : i32
    %mul3A_0 = arith.muli %arg0, %mul3A : i32
    %add3A = arith.addi %mul3A_0, %arg1 : i32
    %lt3A = arith.constant 10 : i32
    %lt3A_1 = arith.cmpi slt, %arg1, %lt3A : i32
    %convert_element_type3A = arith.extui %lt3A_1 : i1 to i32
    %cond3A = arith.constant 0 : i32
    %cond3A_2 = arith.cmpi ne, %convert_element_type3A, %cond3A : i32
    scf.if %cond3A_2 {
      %mul3A_299 = arith.constant 1000 : i32
      %mul3A_300 = arith.muli %arg1, %mul3A_299 : i32
      "tpu.region"() ({
        %run_scoped3A = tpu.sem_alloc : memref<!tpu.dma_semaphore, #tpu.memory_space<semaphore_mem>>
        %dma_start3A_303 = arith.constant 0 : i32
        %dma_start3A_304 = tpu.memref_slice %arg20[%mul3A_300, %dma_start3A_303] : memref<10000x128xf32, #tpu.memory_space<vmem_shared>> -> memref<1000x128xf32, #tpu.memory_space<vmem_shared>>
        tpu.enqueue_dma source(%arg4 : memref<1000x128xf32, #tpu.memory_space<hbm>>) target(%dma_start3A_304 : memref<1000x128xf32, #tpu.memory_space<vmem_shared>>) target_semaphore(%run_scoped3A : memref<!tpu.dma_semaphore, #tpu.memory_space<semaphore_mem>>)
        %dma_wait3A_305 = arith.constant 0 : i32
        %dma_wait3A_306 = tpu.memref_slice %arg20[%mul3A_300, %dma_wait3A_305] : memref<10000x128xf32, #tpu.memory_space<vmem_shared>> -> memref<1000x128xf32, #tpu.memory_space<vmem_shared>>
        tpu.wait_dma2 semaphore(%run_scoped3A : memref<!tpu.dma_semaphore, #tpu.memory_space<semaphore_mem>>) src(%arg4 : memref<1000x128xf32, #tpu.memory_space<hbm>>) dst(%dma_wait3A_306 : memref<1000x128xf32, #tpu.memory_space<vmem_shared>>)
        tpu.yield
      }) : () -> ()
      "tpu.region"() ({
        %run_scoped3A = tpu.sem_alloc : memref<!tpu.dma_semaphore, #tpu.memory_space<semaphore_mem>>
        tpu.enqueue_dma source(%arg5 : memref<1000xf32, #tpu.memory_space<hbm>>) target(%arg19 : memref<1000xf32, #tpu.memory_space<vmem>>) target_semaphore(%run_scoped3A : memref<!tpu.dma_semaphore, #tpu.memory_space<semaphore_mem>>)
        tpu.wait_dma2 semaphore(%run_scoped3A : memref<!tpu.dma_semaphore, #tpu.memory_space<semaphore_mem>>) src(%arg5 : memref<1000xf32, #tpu.memory_space<hbm>>) dst(%arg19 : memref<1000xf32, #tpu.memory_space<vmem>>)
        tpu.yield
      }) : () -> ()
      %mul3A_301 = arith.constant 1000 : i32
      %mul3A_302 = arith.muli %arg1, %mul3A_301 : i32
      "tpu.region"() ({
        %run_scoped3A = tpu.sem_alloc : memref<!tpu.dma_semaphore, #tpu.memory_space<semaphore_mem>>
        %dma_start3A_303 = tpu.memref_slice %arg21[%mul3A_302] : memref<10000xf32, #tpu.memory_space<vmem_shared>> -> memref<1000xf32, #tpu.memory_space<vmem_shared>>
        %dma_start3A_304 = tpu.memref_slice %arg21[%mul3A_302] : memref<10000xf32, #tpu.memory_space<vmem_shared>> -> memref<1000xf32, #tpu.memory_space<vmem_shared>>
        tpu.enqueue_dma source(%arg19 : memref<1000xf32, #tpu.memory_space<vmem>>) target(%dma_start3A_304 : memref<1000xf32, #tpu.memory_space<vmem_shared>>) target_semaphore(%run_scoped3A : memref<!tpu.dma_semaphore, #tpu.memory_space<semaphore_mem>>)
        %dma_wait3A_305 = tpu.memref_slice %arg21[%mul3A_302] : memref<10000xf32, #tpu.memory_space<vmem_shared>> -> memref<1000xf32, #tpu.memory_space<vmem_shared>>
        %dma_wait3A_306 = tpu.memref_slice %arg21[%mul3A_302] : memref<10000xf32, #tpu.memory_space<vmem_shared>> -> memref<1000xf32, #tpu.memory_space<vmem_shared>>
        tpu.wait_dma2 semaphore(%run_scoped3A : memref<!tpu.dma_semaphore, #tpu.memory_space<semaphore_mem>>) src(%arg19 : memref<1000xf32, #tpu.memory_space<vmem>>) dst(%dma_wait3A_306 : memref<1000xf32, #tpu.memory_space<vmem_shared>>)
        tpu.yield
      }) : () -> ()
    } else {
    }
    %broadcast_in_dim3A = arith.constant 1.000000e+00 : f32
    %broadcast_in_dim3A_3 = vector.broadcast %broadcast_in_dim3A : f32 to vector<16xf32>
    %swap3A = arith.constant 0 : index
    %swap3A_4 = tpu.vector_load %arg18[%swap3A] {strides = array<i32>} : memref<80xf32, #tpu.memory_space<vmem>>, vector<16xf32>,
    %swap3A_5 = vector.shape_cast %swap3A_4 : vector<16xf32> to vector<16xf32>
    %swap3A_6 = vector.shape_cast %broadcast_in_dim3A_3 : vector<16xf32> to vector<16xf32>
    tpu.vector_store %arg18[%swap3A], %swap3A_6 {strides = array<i32>} : memref<80xf32, #tpu.memory_space<vmem>>, vector<16xf32>,
    %broadcast_in_dim3A_7 = arith.constant 1.000000e+00 : f32
    %broadcast_in_dim3A_8 = vector.broadcast %broadcast_in_dim3A_7 : f32 to vector<16xf32>
    %swap3A_9 = arith.constant 16 : index
    %swap3A_10 = tpu.vector_load %arg18[%swap3A_9] {strides = array<i32>} : memref<80xf32, #tpu.memory_space<vmem>>, vector<16xf32>,
    %swap3A_11 = vector.shape_cast %swap3A_10 : vector<16xf32> to vector<16xf32>
    %swap3A_12 = vector.shape_cast %broadcast_in_dim3A_8 : vector<16xf32> to vector<16xf32>
    tpu.vector_store %arg18[%swap3A_9], %swap3A_12 {strides = array<i32>} : memref<80xf32, #tpu.memory_space<vmem>>, vector<16xf32>,
    %broadcast_in_dim3A_13 = arith.constant 1.000000e+00 : f32
    %broadcast_in_dim3A_14 = vector.broadcast %broadcast_in_dim3A_13 : f32 to vector<16xf32>
    %swap3A_15 = arith.constant 32 : index
    %swap3A_16 = tpu.vector_load %arg18[%swap3A_15] {strides = array<i32>} : memref<80xf32, #tpu.memory_space<vmem>>, vector<16xf32>,
    %swap3A_17 = vector.shape_cast %swap3A_16 : vector<16xf32> to vector<16xf32>
    %swap3A_18 = vector.shape_cast %broadcast_in_dim3A_14 : vector<16xf32> to vector<16xf32>
    tpu.vector_store %arg18[%swap3A_15], %swap3A_18 {strides = array<i32>} : memref<80xf32, #tpu.memory_space<vmem>>, vector<16xf32>,
    %broadcast_in_dim3A_19 = arith.constant 1.000000e+00 : f32
    %broadcast_in_dim3A_20 = vector.broadcast %broadcast_in_dim3A_19 : f32 to vector<16xf32>
    %swap3A_21 = arith.constant 48 : index
    %swap3A_22 = tpu.vector_load %arg18[%swap3A_21] {strides = array<i32>} : memref<80xf32, #tpu.memory_space<vmem>>, vector<16xf32>,
    %swap3A_23 = vector.shape_cast %swap3A_22 : vector<16xf32> to vector<16xf32>
    %swap3A_24 = vector.shape_cast %broadcast_in_dim3A_20 : vector<16xf32> to vector<16xf32>
    tpu.vector_store %arg18[%swap3A_21], %swap3A_24 {strides = array<i32>} : memref<80xf32, #tpu.memory_space<vmem>>, vector<16xf32>,
    %broadcast_in_dim3A_25 = arith.constant 1.000000e+00 : f32
    %broadcast_in_dim3A_26 = vector.broadcast %broadcast_in_dim3A_25 : f32 to vector<16xf32>
    %swap3A_27 = arith.constant 64 : index
    %swap3A_28 = tpu.vector_load %arg18[%swap3A_27] {strides = array<i32>} : memref<80xf32, #tpu.memory_space<vmem>>, vector<16xf32>,
    %swap3A_29 = vector.shape_cast %swap3A_28 : vector<16xf32> to vector<16xf32>
    %swap3A_30 = vector.shape_cast %broadcast_in_dim3A_26 : vector<16xf32> to vector<16xf32>
    tpu.vector_store %arg18[%swap3A_27], %swap3A_30 {strides = array<i32>} : memref<80xf32, #tpu.memory_space<vmem>>, vector<16xf32>,
    %mul3A_31 = arith.constant 10240 : i32
    %mul3A_32 = arith.muli %add3A, %mul3A_31 : i32
    %multiple_of3A = tpu.assume_multiple %mul3A_32, 8 : i32
    "tpu.region"() ({
      %run_scoped3A = tpu.sem_alloc : memref<!tpu.dma_semaphore, #tpu.memory_space<semaphore_mem>>
      %dma_start3A_299 = tpu.memref_slice %arg3[%multiple_of3A] : memref<327680xi32, #tpu.memory_space<hbm>> -> memref<10240xi32, #tpu.memory_space<hbm>>
      %dma_start3A_300 = tpu.memref_slice %arg3[%multiple_of3A] : memref<327680xi32, #tpu.memory_space<hbm>> -> memref<10240xi32, #tpu.memory_space<hbm>>
      tpu.enqueue_dma source(%dma_start3A_300 : memref<10240xi32, #tpu.memory_space<hbm>>) target(%arg8 : memref<10240xi32, #tpu.memory_space<vmem>>) target_semaphore(%run_scoped3A : memref<!tpu.dma_semaphore, #tpu.memory_space<semaphore_mem>>)
      %dma_wait3A_301 = tpu.memref_slice %arg3[%multiple_of3A] : memref<327680xi32, #tpu.memory_space<hbm>> -> memref<10240xi32, #tpu.memory_space<hbm>>
      %dma_wait3A_302 = tpu.memref_slice %arg3[%multiple_of3A] : memref<327680xi32, #tpu.memory_space<hbm>> -> memref<10240xi32, #tpu.memory_space<hbm>>
      tpu.wait_dma2 semaphore(%run_scoped3A : memref<!tpu.dma_semaphore, #tpu.memory_space<semaphore_mem>>) src(%dma_wait3A_302 : memref<10240xi32, #tpu.memory_space<hbm>>) dst(%arg8 : memref<10240xi32, #tpu.memory_space<vmem>>)
      tpu.yield
    }) : () -> ()
    %barrier3A = arith.constant 0 : index
    tpu.barrier barrier_id(%barrier3A)
    %eq3A = arith.constant 31 : i32
    %eq3A_33 = arith.cmpi eq, %add3A, %eq3A : i32
    %get3A = arith.constant 0 : index
    %get3A_34 = tpu.vector_load %arg8[%get3A] {strides = array<i32>} : memref<10240xi32, #tpu.memory_space<vmem>>, vector<16xi32>,
    %get3A_35 = vector.shape_cast %get3A_34 : vector<16xi32> to vector<16xi32>
    %and3A = arith.constant 65535 : i32
    %and3A_36 = vector.broadcast %and3A : i32 to vector<16xi32>
    %and3A_37 = arith.andi %get3A_35, %and3A_36 : vector<16xi32>
    %swap3A_38 = arith.constant 0 : index
    %swap3A_39 = tpu.vector_load %arg9[%swap3A_38] {strides = array<i32>} : memref<80xi32, #tpu.memory_space<vmem>>, vector<16xi32>,
    %swap3A_40 = vector.shape_cast %swap3A_39 : vector<16xi32> to vector<16xi32>
    %swap3A_41 = vector.shape_cast %and3A_37 : vector<16xi32> to vector<16xi32>
    tpu.vector_store %arg9[%swap3A_38], %swap3A_41 {strides = array<i32>} : memref<80xi32, #tpu.memory_space<vmem>>, vector<16xi32>,
    %shift_right_logical3A = arith.constant 16 : i32
    %shift_right_logical3A_42 = vector.broadcast %shift_right_logical3A : i32 to vector<16xi32>
    %shift_right_logical3A_43 = arith.shrui %get3A_35, %shift_right_logical3A_42 : vector<16xi32>
    %swap3A_44 = arith.constant 0 : index
    %swap3A_45 = tpu.vector_load %arg12[%swap3A_44] {strides = array<i32>} : memref<80xi32, #tpu.memory_space<vmem>>, vector<16xi32>,
    %swap3A_46 = vector.shape_cast %swap3A_45 : vector<16xi32> to vector<16xi32>
    %swap3A_47 = vector.shape_cast %shift_right_logical3A_43 : vector<16xi32> to vector<16xi32>
    tpu.vector_store %arg12[%swap3A_44], %swap3A_47 {strides = array<i32>} : memref<80xi32, #tpu.memory_space<vmem>>, vector<16xi32>,
    %get3A_48 = arith.constant 16 : index
    %get3A_49 = tpu.vector_load %arg8[%get3A_48] {strides = array<i32>} : memref<10240xi32, #tpu.memory_space<vmem>>, vector<16xi32>,
    %get3A_50 = vector.shape_cast %get3A_49 : vector<16xi32> to vector<16xi32>
    %and3A_51 = arith.constant 65535 : i32
    %and3A_52 = vector.broadcast %and3A_51 : i32 to vector<16xi32>
    %and3A_53 = arith.andi %get3A_50, %and3A_52 : vector<16xi32>
    %swap3A_54 = arith.constant 16 : index
    %swap3A_55 = tpu.vector_load %arg9[%swap3A_54] {strides = array<i32>} : memref<80xi32, #tpu.memory_space<vmem>>, vector<16xi32>,
    %swap3A_56 = vector.shape_cast %swap3A_55 : vector<16xi32> to vector<16xi32>
    %swap3A_57 = vector.shape_cast %and3A_53 : vector<16xi32> to vector<16xi32>
    tpu.vector_store %arg9[%swap3A_54], %swap3A_57 {strides = array<i32>} : memref<80xi32, #tpu.memory_space<vmem>>, vector<16xi32>,
    %shift_right_logical3A_58 = arith.constant 16 : i32
    %shift_right_logical3A_59 = vector.broadcast %shift_right_logical3A_58 : i32 to vector<16xi32>
    %shift_right_logical3A_60 = arith.shrui %get3A_50, %shift_right_logical3A_59 : vector<16xi32>
    %swap3A_61 = arith.constant 16 : index
    %swap3A_62 = tpu.vector_load %arg12[%swap3A_61] {strides = array<i32>} : memref<80xi32, #tpu.memory_space<vmem>>, vector<16xi32>,
    %swap3A_63 = vector.shape_cast %swap3A_62 : vector<16xi32> to vector<16xi32>
    %swap3A_64 = vector.shape_cast %shift_right_logical3A_60 : vector<16xi32> to vector<16xi32>
    tpu.vector_store %arg12[%swap3A_61], %swap3A_64 {strides = array<i32>} : memref<80xi32, #tpu.memory_space<vmem>>, vector<16xi32>,
    %get3A_65 = arith.constant 32 : index
    %get3A_66 = tpu.vector_load %arg8[%get3A_65] {strides = array<i32>} : memref<10240xi32, #tpu.memory_space<vmem>>, vector<16xi32>,
    %get3A_67 = vector.shape_cast %get3A_66 : vector<16xi32> to vector<16xi32>
    %and3A_68 = arith.constant 65535 : i32
    %and3A_69 = vector.broadcast %and3A_68 : i32 to vector<16xi32>
    %and3A_70 = arith.andi %get3A_67, %and3A_69 : vector<16xi32>
    %swap3A_71 = arith.constant 32 : index
    %swap3A_72 = tpu.vector_load %arg9[%swap3A_71] {strides = array<i32>} : memref<80xi32, #tpu.memory_space<vmem>>, vector<16xi32>,
    %swap3A_73 = vector.shape_cast %swap3A_72 : vector<16xi32> to vector<16xi32>
    %swap3A_74 = vector.shape_cast %and3A_70 : vector<16xi32> to vector<16xi32>
    tpu.vector_store %arg9[%swap3A_71], %swap3A_74 {strides = array<i32>} : memref<80xi32, #tpu.memory_space<vmem>>, vector<16xi32>,
    %shift_right_logical3A_75 = arith.constant 16 : i32
    %shift_right_logical3A_76 = vector.broadcast %shift_right_logical3A_75 : i32 to vector<16xi32>
    %shift_right_logical3A_77 = arith.shrui %get3A_67, %shift_right_logical3A_76 : vector<16xi32>
    %swap3A_78 = arith.constant 32 : index
    %swap3A_79 = tpu.vector_load %arg12[%swap3A_78] {strides = array<i32>} : memref<80xi32, #tpu.memory_space<vmem>>, vector<16xi32>,
    %swap3A_80 = vector.shape_cast %swap3A_79 : vector<16xi32> to vector<16xi32>
    %swap3A_81 = vector.shape_cast %shift_right_logical3A_77 : vector<16xi32> to vector<16xi32>
    tpu.vector_store %arg12[%swap3A_78], %swap3A_81 {strides = array<i32>} : memref<80xi32, #tpu.memory_space<vmem>>, vector<16xi32>,
    %get3A_82 = arith.constant 48 : index
    %get3A_83 = tpu.vector_load %arg8[%get3A_82] {strides = array<i32>} : memref<10240xi32, #tpu.memory_space<vmem>>, vector<16xi32>,
    %get3A_84 = vector.shape_cast %get3A_83 : vector<16xi32> to vector<16xi32>
    %and3A_85 = arith.constant 65535 : i32
    %and3A_86 = vector.broadcast %and3A_85 : i32 to vector<16xi32>
    %and3A_87 = arith.andi %get3A_84, %and3A_86 : vector<16xi32>
    %swap3A_88 = arith.constant 48 : index
    %swap3A_89 = tpu.vector_load %arg9[%swap3A_88] {strides = array<i32>} : memref<80xi32, #tpu.memory_space<vmem>>, vector<16xi32>,
    %swap3A_90 = vector.shape_cast %swap3A_89 : vector<16xi32> to vector<16xi32>
    %swap3A_91 = vector.shape_cast %and3A_87 : vector<16xi32> to vector<16xi32>
    tpu.vector_store %arg9[%swap3A_88], %swap3A_91 {strides = array<i32>} : memref<80xi32, #tpu.memory_space<vmem>>, vector<16xi32>,
    %shift_right_logical3A_92 = arith.constant 16 : i32
    %shift_right_logical3A_93 = vector.broadcast %shift_right_logical3A_92 : i32 to vector<16xi32>
    %shift_right_logical3A_94 = arith.shrui %get3A_84, %shift_right_logical3A_93 : vector<16xi32>
    %swap3A_95 = arith.constant 48 : index
    %swap3A_96 = tpu.vector_load %arg12[%swap3A_95] {strides = array<i32>} : memref<80xi32, #tpu.memory_space<vmem>>, vector<16xi32>,
    %swap3A_97 = vector.shape_cast %swap3A_96 : vector<16xi32> to vector<16xi32>
    %swap3A_98 = vector.shape_cast %shift_right_logical3A_94 : vector<16xi32> to vector<16xi32>
    tpu.vector_store %arg12[%swap3A_95], %swap3A_98 {strides = array<i32>} : memref<80xi32, #tpu.memory_space<vmem>>, vector<16xi32>,
    %get3A_99 = arith.constant 64 : index
    %get3A_100 = tpu.vector_load %arg8[%get3A_99] {strides = array<i32>} : memref<10240xi32, #tpu.memory_space<vmem>>, vector<16xi32>,
    %get3A_101 = vector.shape_cast %get3A_100 : vector<16xi32> to vector<16xi32>
    %and3A_102 = arith.constant 65535 : i32
    %and3A_103 = vector.broadcast %and3A_102 : i32 to vector<16xi32>
    %and3A_104 = arith.andi %get3A_101, %and3A_103 : vector<16xi32>
    %swap3A_105 = arith.constant 64 : index
    %swap3A_106 = tpu.vector_load %arg9[%swap3A_105] {strides = array<i32>} : memref<80xi32, #tpu.memory_space<vmem>>, vector<16xi32>,
    %swap3A_107 = vector.shape_cast %swap3A_106 : vector<16xi32> to vector<16xi32>
    %swap3A_108 = vector.shape_cast %and3A_104 : vector<16xi32> to vector<16xi32>
    tpu.vector_store %arg9[%swap3A_105], %swap3A_108 {strides = array<i32>} : memref<80xi32, #tpu.memory_space<vmem>>, vector<16xi32>,
    %shift_right_logical3A_109 = arith.constant 16 : i32
    %shift_right_logical3A_110 = vector.broadcast %shift_right_logical3A_109 : i32 to vector<16xi32>
    %shift_right_logical3A_111 = arith.shrui %get3A_101, %shift_right_logical3A_110 : vector<16xi32>
    %swap3A_112 = arith.constant 64 : index
    %swap3A_113 = tpu.vector_load %arg12[%swap3A_112] {strides = array<i32>} : memref<80xi32, #tpu.memory_space<vmem>>, vector<16xi32>,
    %swap3A_114 = vector.shape_cast %swap3A_113 : vector<16xi32> to vector<16xi32>
    %swap3A_115 = vector.shape_cast %shift_right_logical3A_111 : vector<16xi32> to vector<16xi32>
    tpu.vector_store %arg12[%swap3A_112], %swap3A_115 {strides = array<i32>} : memref<80xi32, #tpu.memory_space<vmem>>, vector<16xi32>,
    %dma_start3A = arith.constant 0 : i32
    %dma_start3A_116 = arith.constant 0 : i32
    %dma_start3A_117 = tpu.memref_slice %arg2[%dma_start3A, %dma_start3A_116] : memref<11000x128xf32, #tpu.memory_space<hbm>> -> memref<11000x128xf32, #tpu.memory_space<hbm>>
    tpu.enqueue_indirect_dma source(%dma_start3A_117 : memref<11000x128xf32, #tpu.memory_space<hbm>>) target(%arg15 : memref<80x128xf32, #tpu.memory_space<vmem>>) offsets(%arg9 : memref<80xi32, #tpu.memory_space<vmem>>) semaphore(%arg22 : memref<!tpu.dma_semaphore, #tpu.memory_space<semaphore_mem>>)
    %scan3A = arith.constant 0 : i32
    %scan3A_118 = arith.constant 0 : i32
    %scan3A_119 = arith.constant 42 : i32
    %scan3A_120 = arith.addi %scan3A_118, %scan3A_119 : i32
    %scan3A_121 = arith.constant 1 : i32
    scf.for %scan3A_299 = %scan3A_118 to %scan3A_120 step %scan3A_121  : i32 {
      %mul3A_300 = arith.constant 3 : i32
      %mul3A_301 = arith.muli %mul3A_300, %scan3A_299 : i32
      %add3A_302 = arith.constant 0 : i32
      %add3A_303 = arith.addi %mul3A_301, %add3A_302 : i32
      %ge3A = arith.constant 2 : i32
      %ge3A_304 = arith.cmpi sge, %add3A_303, %ge3A : i32
      %convert_element_type3A_305 = arith.extui %ge3A_304 : i1 to i32
      %cond3A_306 = arith.constant 0 : i32
      %cond3A_307 = arith.cmpi ne, %convert_element_type3A_305, %cond3A_306 : i32
      scf.if %cond3A_307 {
        %sub3A = arith.constant 2 : i32
        %sub3A_683 = arith.subi %add3A_303, %sub3A : i32
        %dma_wait3A_684 = arith.constant 0 : i32
        %dma_wait3A_685 = arith.constant 0 : i32
        %dma_wait3A_686 = tpu.memref_slice %arg2[%dma_wait3A_684, %dma_wait3A_685] : memref<11000x128xf32, #tpu.memory_space<hbm>> -> memref<80x128xf32, #tpu.memory_space<hbm>>
        %dma_wait3A_687 = arith.constant 0 : i32
        %dma_wait3A_688 = arith.constant 0 : i32
        %dma_wait3A_689 = tpu.memref_slice %arg2[%dma_wait3A_687, %dma_wait3A_688] : memref<11000x128xf32, #tpu.memory_space<hbm>> -> memref<80x128xf32, #tpu.memory_space<hbm>>
        tpu.wait_dma2 semaphore(%arg26 : memref<!tpu.dma_semaphore, #tpu.memory_space<semaphore_mem>>) src(%dma_wait3A_689 : memref<80x128xf32, #tpu.memory_space<hbm>>) dst(%arg16 : memref<80x128xf32, #tpu.memory_space<vmem>>)
        %ge3A_690 = arith.constant 32 : i32
        %ge3A_691 = arith.cmpi sge, %sub3A_683, %ge3A_690 : i32
        %and3A_692 = arith.andi %eq3A_33, %ge3A_691 : i1
        %not3A_693 = arith.constant true
        %not3A_694 = arith.xori %and3A_692, %not3A_693 : i1
        %convert_element_type3A_695 = arith.extui %not3A_694 : i1 to i32
        %cond3A_696 = arith.constant 0 : i32
        %cond3A_697 = arith.cmpi ne, %convert_element_type3A_695, %cond3A_696 : i32
        scf.if %cond3A_697 {
          %dma_wait3A_698 = arith.constant 0 : i32
          %dma_wait3A_699 = arith.constant 0 : i32
          %dma_wait3A_700 = tpu.memref_slice %arg4[%dma_wait3A_698, %dma_wait3A_699] : memref<1000x128xf32, #tpu.memory_space<hbm>> -> memref<1x80xf32, #tpu.memory_space<hbm>>
          %dma_wait3A_701 = tpu.memref_squeeze %dma_wait3A_700 : memref<1x80xf32, #tpu.memory_space<hbm>> -> memref<80xf32, #tpu.memory_space<hbm>>
          %dma_wait3A_702 = arith.constant 0 : i32
          %dma_wait3A_703 = tpu.memref_slice %arg4[%dma_wait3A_698, %dma_wait3A_702] : memref<1000x128xf32, #tpu.memory_space<hbm>> -> memref<1x80xf32, #tpu.memory_space<hbm>>
          %dma_wait3A_704 = tpu.memref_squeeze %dma_wait3A_703 : memref<1x80xf32, #tpu.memory_space<hbm>> -> memref<80xf32, #tpu.memory_space<hbm>>
          tpu.wait_dma2 semaphore(%arg26 : memref<!tpu.dma_semaphore, #tpu.memory_space<semaphore_mem>>) src(%dma_wait3A_704 : memref<80xf32, #tpu.memory_space<hbm>>) dst(%arg18 : memref<80xf32, #tpu.memory_space<vmem>>)
        } else {
        }
      } else {
      }
      %add3A_308 = arith.constant 1 : i32
      %add3A_309 = arith.addi %add3A_303, %add3A_308 : i32
      %mul3A_310 = arith.constant 80 : i32
      %mul3A_311 = arith.muli %add3A_309, %mul3A_310 : i32
      %add3A_312 = arith.constant 0 : i32
      %add3A_313 = arith.addi %mul3A_311, %add3A_312 : i32
      %get3A_314 = arith.index_cast %add3A_313 : i32 to index
      %get3A_315 = tpu.vector_load %arg8[%get3A_314] {strides = array<i32>} : memref<10240xi32, #tpu.memory_space<vmem>>, vector<16xi32>,
      %get3A_316 = vector.shape_cast %get3A_315 : vector<16xi32> to vector<16xi32>
      %and3A_317 = arith.constant 65535 : i32
      %and3A_318 = vector.broadcast %and3A_317 : i32 to vector<16xi32>
      %and3A_319 = arith.andi %get3A_316, %and3A_318 : vector<16xi32>
      %swap3A_320 = arith.constant 0 : index
      %swap3A_321 = tpu.vector_load %arg10[%swap3A_320] {strides = array<i32>} : memref<80xi32, #tpu.memory_space<vmem>>, vector<16xi32>,
      %swap3A_322 = vector.shape_cast %swap3A_321 : vector<16xi32> to vector<16xi32>
      %swap3A_323 = vector.shape_cast %and3A_319 : vector<16xi32> to vector<16xi32>
      tpu.vector_store %arg10[%swap3A_320], %swap3A_323 {strides = array<i32>} : memref<80xi32, #tpu.memory_space<vmem>>, vector<16xi32>,
      %shift_right_logical3A_324 = arith.constant 16 : i32
      %shift_right_logical3A_325 = vector.broadcast %shift_right_logical3A_324 : i32 to vector<16xi32>
      %shift_right_logical3A_326 = arith.shrui %get3A_316, %shift_right_logical3A_325 : vector<16xi32>
      %swap3A_327 = arith.constant 0 : index
      %swap3A_328 = tpu.vector_load %arg13[%swap3A_327] {strides = array<i32>} : memref<80xi32, #tpu.memory_space<vmem>>, vector<16xi32>,
      %swap3A_329 = vector.shape_cast %swap3A_328 : vector<16xi32> to vector<16xi32>
      %swap3A_330 = vector.shape_cast %shift_right_logical3A_326 : vector<16xi32> to vector<16xi32>
      tpu.vector_store %arg13[%swap3A_327], %swap3A_330 {strides = array<i32>} : memref<80xi32, #tpu.memory_space<vmem>>, vector<16xi32>,
      %add3A_331 = arith.constant 16 : i32
      %add3A_332 = arith.addi %mul3A_311, %add3A_331 : i32
      %get3A_333 = arith.index_cast %add3A_332 : i32 to index
      %get3A_334 = tpu.vector_load %arg8[%get3A_333] {strides = array<i32>} : memref<10240xi32, #tpu.memory_space<vmem>>, vector<16xi32>,
      %get3A_335 = vector.shape_cast %get3A_334 : vector<16xi32> to vector<16xi32>
      %and3A_336 = arith.constant 65535 : i32
      %and3A_337 = vector.broadcast %and3A_336 : i32 to vector<16xi32>
      %and3A_338 = arith.andi %get3A_335, %and3A_337 : vector<16xi32>
      %swap3A_339 = arith.constant 16 : index
      %swap3A_340 = tpu.vector_load %arg10[%swap3A_339] {strides = array<i32>} : memref<80xi32, #tpu.memory_space<vmem>>, vector<16xi32>,
      %swap3A_341 = vector.shape_cast %swap3A_340 : vector<16xi32> to vector<16xi32>
      %swap3A_342 = vector.shape_cast %and3A_338 : vector<16xi32> to vector<16xi32>
      tpu.vector_store %arg10[%swap3A_339], %swap3A_342 {strides = array<i32>} : memref<80xi32, #tpu.memory_space<vmem>>, vector<16xi32>,
      %shift_right_logical3A_343 = arith.constant 16 : i32
      %shift_right_logical3A_344 = vector.broadcast %shift_right_logical3A_343 : i32 to vector<16xi32>
      %shift_right_logical3A_345 = arith.shrui %get3A_335, %shift_right_logical3A_344 : vector<16xi32>
      %swap3A_346 = arith.constant 16 : index
      %swap3A_347 = tpu.vector_load %arg13[%swap3A_346] {strides = array<i32>} : memref<80xi32, #tpu.memory_space<vmem>>, vector<16xi32>,
      %swap3A_348 = vector.shape_cast %swap3A_347 : vector<16xi32> to vector<16xi32>
      %swap3A_349 = vector.shape_cast %shift_right_logical3A_345 : vector<16xi32> to vector<16xi32>
      tpu.vector_store %arg13[%swap3A_346], %swap3A_349 {strides = array<i32>} : memref<80xi32, #tpu.memory_space<vmem>>, vector<16xi32>,
      %add3A_350 = arith.constant 32 : i32
      %add3A_351 = arith.addi %mul3A_311, %add3A_350 : i32
      %get3A_352 = arith.index_cast %add3A_351 : i32 to index
      %get3A_353 = tpu.vector_load %arg8[%get3A_352] {strides = array<i32>} : memref<10240xi32, #tpu.memory_space<vmem>>, vector<16xi32>,
      %get3A_354 = vector.shape_cast %get3A_353 : vector<16xi32> to vector<16xi32>
      %and3A_355 = arith.constant 65535 : i32
      %and3A_356 = vector.broadcast %and3A_355 : i32 to vector<16xi32>
      %and3A_357 = arith.andi %get3A_354, %and3A_356 : vector<16xi32>
      %swap3A_358 = arith.constant 32 : index
      %swap3A_359 = tpu.vector_load %arg10[%swap3A_358] {strides = array<i32>} : memref<80xi32, #tpu.memory_space<vmem>>, vector<16xi32>,
      %swap3A_360 = vector.shape_cast %swap3A_359 : vector<16xi32> to vector<16xi32>
      %swap3A_361 = vector.shape_cast %and3A_357 : vector<16xi32> to vector<16xi32>
      tpu.vector_store %arg10[%swap3A_358], %swap3A_361 {strides = array<i32>} : memref<80xi32, #tpu.memory_space<vmem>>, vector<16xi32>,
      %shift_right_logical3A_362 = arith.constant 16 : i32
      %shift_right_logical3A_363 = vector.broadcast %shift_right_logical3A_362 : i32 to vector<16xi32>
      %shift_right_logical3A_364 = arith.shrui %get3A_354, %shift_right_logical3A_363 : vector<16xi32>
      %swap3A_365 = arith.constant 32 : index
      %swap3A_366 = tpu.vector_load %arg13[%swap3A_365] {strides = array<i32>} : memref<80xi32, #tpu.memory_space<vmem>>, vector<16xi32>,
      %swap3A_367 = vector.shape_cast %swap3A_366 : vector<16xi32> to vector<16xi32>
      %swap3A_368 = vector.shape_cast %shift_right_logical3A_364 : vector<16xi32> to vector<16xi32>
      tpu.vector_store %arg13[%swap3A_365], %swap3A_368 {strides = array<i32>} : memref<80xi32, #tpu.memory_space<vmem>>, vector<16xi32>,
      %add3A_369 = arith.constant 48 : i32
      %add3A_370 = arith.addi %mul3A_311, %add3A_369 : i32
      %get3A_371 = arith.index_cast %add3A_370 : i32 to index
      %get3A_372 = tpu.vector_load %arg8[%get3A_371] {strides = array<i32>} : memref<10240xi32, #tpu.memory_space<vmem>>, vector<16xi32>,
      %get3A_373 = vector.shape_cast %get3A_372 : vector<16xi32> to vector<16xi32>
      %and3A_374 = arith.constant 65535 : i32
      %and3A_375 = vector.broadcast %and3A_374 : i32 to vector<16xi32>
      %and3A_376 = arith.andi %get3A_373, %and3A_375 : vector<16xi32>
      %swap3A_377 = arith.constant 48 : index
      %swap3A_378 = tpu.vector_load %arg10[%swap3A_377] {strides = array<i32>} : memref<80xi32, #tpu.memory_space<vmem>>, vector<16xi32>,
      %swap3A_379 = vector.shape_cast %swap3A_378 : vector<16xi32> to vector<16xi32>
      %swap3A_380 = vector.shape_cast %and3A_376 : vector<16xi32> to vector<16xi32>
      tpu.vector_store %arg10[%swap3A_377], %swap3A_380 {strides = array<i32>} : memref<80xi32, #tpu.memory_space<vmem>>, vector<16xi32>,
      %shift_right_logical3A_381 = arith.constant 16 : i32
      %shift_right_logical3A_382 = vector.broadcast %shift_right_logical3A_381 : i32 to vector<16xi32>
      %shift_right_logical3A_383 = arith.shrui %get3A_373, %shift_right_logical3A_382 : vector<16xi32>
      %swap3A_384 = arith.constant 48 : index
      %swap3A_385 = tpu.vector_load %arg13[%swap3A_384] {strides = array<i32>} : memref<80xi32, #tpu.memory_space<vmem>>, vector<16xi32>,
      %swap3A_386 = vector.shape_cast %swap3A_385 : vector<16xi32> to vector<16xi32>
      %swap3A_387 = vector.shape_cast %shift_right_logical3A_383 : vector<16xi32> to vector<16xi32>
      tpu.vector_store %arg13[%swap3A_384], %swap3A_387 {strides = array<i32>} : memref<80xi32, #tpu.memory_space<vmem>>, vector<16xi32>,
      %add3A_388 = arith.constant 64 : i32
      %add3A_389 = arith.addi %mul3A_311, %add3A_388 : i32
      %get3A_390 = arith.index_cast %add3A_389 : i32 to index
      %get3A_391 = tpu.vector_load %arg8[%get3A_390] {strides = array<i32>} : memref<10240xi32, #tpu.memory_space<vmem>>, vector<16xi32>,
      %get3A_392 = vector.shape_cast %get3A_391 : vector<16xi32> to vector<16xi32>
      %and3A_393 = arith.constant 65535 : i32
      %and3A_394 = vector.broadcast %and3A_393 : i32 to vector<16xi32>
      %and3A_395 = arith.andi %get3A_392, %and3A_394 : vector<16xi32>
      %swap3A_396 = arith.constant 64 : index
      %swap3A_397 = tpu.vector_load %arg10[%swap3A_396] {strides = array<i32>} : memref<80xi32, #tpu.memory_space<vmem>>, vector<16xi32>,
      %swap3A_398 = vector.shape_cast %swap3A_397 : vector<16xi32> to vector<16xi32>
      %swap3A_399 = vector.shape_cast %and3A_395 : vector<16xi32> to vector<16xi32>
      tpu.vector_store %arg10[%swap3A_396], %swap3A_399 {strides = array<i32>} : memref<80xi32, #tpu.memory_space<vmem>>, vector<16xi32>,
      %shift_right_logical3A_400 = arith.constant 16 : i32
      %shift_right_logical3A_401 = vector.broadcast %shift_right_logical3A_400 : i32 to vector<16xi32>
      %shift_right_logical3A_402 = arith.shrui %get3A_392, %shift_right_logical3A_401 : vector<16xi32>
      %swap3A_403 = arith.constant 64 : index
      %swap3A_404 = tpu.vector_load %arg13[%swap3A_403] {strides = array<i32>} : memref<80xi32, #tpu.memory_space<vmem>>, vector<16xi32>,
      %swap3A_405 = vector.shape_cast %swap3A_404 : vector<16xi32> to vector<16xi32>
      %swap3A_406 = vector.shape_cast %shift_right_logical3A_402 : vector<16xi32> to vector<16xi32>
      tpu.vector_store %arg13[%swap3A_403], %swap3A_406 {strides = array<i32>} : memref<80xi32, #tpu.memory_space<vmem>>, vector<16xi32>,
      %dma_start3A_407 = arith.constant 0 : i32
      %dma_start3A_408 = arith.constant 0 : i32
      %dma_start3A_409 = tpu.memref_slice %arg2[%dma_start3A_407, %dma_start3A_408] : memref<11000x128xf32, #tpu.memory_space<hbm>> -> memref<11000x128xf32, #tpu.memory_space<hbm>>
      tpu.enqueue_indirect_dma source(%dma_start3A_409 : memref<11000x128xf32, #tpu.memory_space<hbm>>) target(%arg16 : memref<80x128xf32, #tpu.memory_space<vmem>>) offsets(%arg10 : memref<80xi32, #tpu.memory_space<vmem>>) semaphore(%arg23 : memref<!tpu.dma_semaphore, #tpu.memory_space<semaphore_mem>>)
      %dma_wait3A_410 = arith.constant 0 : i32
      %dma_wait3A_411 = arith.constant 0 : i32
      %dma_wait3A_412 = tpu.memref_slice %arg2[%dma_wait3A_410, %dma_wait3A_411] : memref<11000x128xf32, #tpu.memory_space<hbm>> -> memref<80x128xf32, #tpu.memory_space<hbm>>
      %dma_wait3A_413 = arith.constant 0 : i32
      %dma_wait3A_414 = arith.constant 0 : i32
      %dma_wait3A_415 = tpu.memref_slice %arg2[%dma_wait3A_413, %dma_wait3A_414] : memref<11000x128xf32, #tpu.memory_space<hbm>> -> memref<80x128xf32, #tpu.memory_space<hbm>>
      tpu.wait_dma2 semaphore(%arg22 : memref<!tpu.dma_semaphore, #tpu.memory_space<semaphore_mem>>) src(%dma_wait3A_415 : memref<80x128xf32, #tpu.memory_space<hbm>>) dst(%arg15 : memref<80x128xf32, #tpu.memory_space<vmem>>)
      %dma_start3A_416 = arith.constant 0 : i32
      %dma_start3A_417 = arith.constant 0 : i32
      %dma_start3A_418 = tpu.memref_slice %arg20[%dma_start3A_416, %dma_start3A_417] : memref<10000x128xf32, #tpu.memory_space<vmem_shared>> -> memref<10000x128xf32, #tpu.memory_space<vmem_shared>>
      tpu.enqueue_indirect_dma source(%arg15 : memref<80x128xf32, #tpu.memory_space<vmem>>) target(%dma_start3A_418 : memref<10000x128xf32, #tpu.memory_space<vmem_shared>>) offsets(%arg12 : memref<80xi32, #tpu.memory_space<vmem>>) semaphore(%arg25 : memref<!tpu.dma_semaphore, #tpu.memory_space<semaphore_mem>>) {add = true}
      %ge3A_419 = arith.constant 32 : i32
      %ge3A_420 = arith.cmpi sge, %add3A_303, %ge3A_419 : i32
      %and3A_421 = arith.andi %eq3A_33, %ge3A_420 : i1
      %not3A_422 = arith.constant true
      %not3A_423 = arith.xori %and3A_421, %not3A_422 : i1
      %convert_element_type3A_424 = arith.extui %not3A_423 : i1 to i32
      %cond3A_425 = arith.constant 0 : i32
      %cond3A_426 = arith.cmpi ne, %convert_element_type3A_424, %cond3A_425 : i32
      scf.if %cond3A_426 {
        %dma_start3A_683 = arith.constant 0 : i32
        %dma_start3A_684 = tpu.memref_slice %arg21[%dma_start3A_683] : memref<10000xf32, #tpu.memory_space<vmem_shared>> -> memref<10000xf32, #tpu.memory_space<vmem_shared>>
        tpu.enqueue_indirect_dma source(%arg18 : memref<80xf32, #tpu.memory_space<vmem>>) target(%dma_start3A_684 : memref<10000xf32, #tpu.memory_space<vmem_shared>>) offsets(%arg12 : memref<80xi32, #tpu.memory_space<vmem>>) semaphore(%arg25 : memref<!tpu.dma_semaphore, #tpu.memory_space<semaphore_mem>>) {add = true}
      } else {
      }
      %mul3A_427 = arith.constant 3 : i32
      %mul3A_428 = arith.muli %mul3A_427, %scan3A_299 : i32
      %add3A_429 = arith.constant 1 : i32
      %add3A_430 = arith.addi %mul3A_428, %add3A_429 : i32
      %ge3A_431 = arith.constant 2 : i32
      %ge3A_432 = arith.cmpi sge, %add3A_430, %ge3A_431 : i32
      %convert_element_type3A_433 = arith.extui %ge3A_432 : i1 to i32
      %cond3A_434 = arith.constant 0 : i32
      %cond3A_435 = arith.cmpi ne, %convert_element_type3A_433, %cond3A_434 : i32
      scf.if %cond3A_435 {
        %sub3A = arith.constant 2 : i32
        %sub3A_683 = arith.subi %add3A_430, %sub3A : i32
        %dma_wait3A_684 = arith.constant 0 : i32
        %dma_wait3A_685 = arith.constant 0 : i32
        %dma_wait3A_686 = tpu.memref_slice %arg2[%dma_wait3A_684, %dma_wait3A_685] : memref<11000x128xf32, #tpu.memory_space<hbm>> -> memref<80x128xf32, #tpu.memory_space<hbm>>
        %dma_wait3A_687 = arith.constant 0 : i32
        %dma_wait3A_688 = arith.constant 0 : i32
        %dma_wait3A_689 = tpu.memref_slice %arg2[%dma_wait3A_687, %dma_wait3A_688] : memref<11000x128xf32, #tpu.memory_space<hbm>> -> memref<80x128xf32, #tpu.memory_space<hbm>>
        tpu.wait_dma2 semaphore(%arg27 : memref<!tpu.dma_semaphore, #tpu.memory_space<semaphore_mem>>) src(%dma_wait3A_689 : memref<80x128xf32, #tpu.memory_space<hbm>>) dst(%arg17 : memref<80x128xf32, #tpu.memory_space<vmem>>)
        %ge3A_690 = arith.constant 32 : i32
        %ge3A_691 = arith.cmpi sge, %sub3A_683, %ge3A_690 : i32
        %and3A_692 = arith.andi %eq3A_33, %ge3A_691 : i1
        %not3A_693 = arith.constant true
        %not3A_694 = arith.xori %and3A_692, %not3A_693 : i1
        %convert_element_type3A_695 = arith.extui %not3A_694 : i1 to i32
        %cond3A_696 = arith.constant 0 : i32
        %cond3A_697 = arith.cmpi ne, %convert_element_type3A_695, %cond3A_696 : i32
        scf.if %cond3A_697 {
          %dma_wait3A_698 = arith.constant 0 : i32
          %dma_wait3A_699 = arith.constant 0 : i32
          %dma_wait3A_700 = tpu.memref_slice %arg4[%dma_wait3A_698, %dma_wait3A_699] : memref<1000x128xf32, #tpu.memory_space<hbm>> -> memref<1x80xf32, #tpu.memory_space<hbm>>
          %dma_wait3A_701 = tpu.memref_squeeze %dma_wait3A_700 : memref<1x80xf32, #tpu.memory_space<hbm>> -> memref<80xf32, #tpu.memory_space<hbm>>
          %dma_wait3A_702 = arith.constant 0 : i32
          %dma_wait3A_703 = tpu.memref_slice %arg4[%dma_wait3A_698, %dma_wait3A_702] : memref<1000x128xf32, #tpu.memory_space<hbm>> -> memref<1x80xf32, #tpu.memory_space<hbm>>
          %dma_wait3A_704 = tpu.memref_squeeze %dma_wait3A_703 : memref<1x80xf32, #tpu.memory_space<hbm>> -> memref<80xf32, #tpu.memory_space<hbm>>
          tpu.wait_dma2 semaphore(%arg27 : memref<!tpu.dma_semaphore, #tpu.memory_space<semaphore_mem>>) src(%dma_wait3A_704 : memref<80xf32, #tpu.memory_space<hbm>>) dst(%arg18 : memref<80xf32, #tpu.memory_space<vmem>>)
        } else {
        }
      } else {
      }
      %add3A_436 = arith.constant 1 : i32
      %add3A_437 = arith.addi %add3A_430, %add3A_436 : i32
      %mul3A_438 = arith.constant 80 : i32
      %mul3A_439 = arith.muli %add3A_437, %mul3A_438 : i32
      %add3A_440 = arith.constant 0 : i32
      %add3A_441 = arith.addi %mul3A_439, %add3A_440 : i32
      %get3A_442 = arith.index_cast %add3A_441 : i32 to index
      %get3A_443 = tpu.vector_load %arg8[%get3A_442] {strides = array<i32>} : memref<10240xi32, #tpu.memory_space<vmem>>, vector<16xi32>,
      %get3A_444 = vector.shape_cast %get3A_443 : vector<16xi32> to vector<16xi32>
      %and3A_445 = arith.constant 65535 : i32
      %and3A_446 = vector.broadcast %and3A_445 : i32 to vector<16xi32>
      %and3A_447 = arith.andi %get3A_444, %and3A_446 : vector<16xi32>
      %swap3A_448 = arith.constant 0 : index
      %swap3A_449 = tpu.vector_load %arg11[%swap3A_448] {strides = array<i32>} : memref<80xi32, #tpu.memory_space<vmem>>, vector<16xi32>,
      %swap3A_450 = vector.shape_cast %swap3A_449 : vector<16xi32> to vector<16xi32>
      %swap3A_451 = vector.shape_cast %and3A_447 : vector<16xi32> to vector<16xi32>
      tpu.vector_store %arg11[%swap3A_448], %swap3A_451 {strides = array<i32>} : memref<80xi32, #tpu.memory_space<vmem>>, vector<16xi32>,
      %shift_right_logical3A_452 = arith.constant 16 : i32
      %shift_right_logical3A_453 = vector.broadcast %shift_right_logical3A_452 : i32 to vector<16xi32>
      %shift_right_logical3A_454 = arith.shrui %get3A_444, %shift_right_logical3A_453 : vector<16xi32>
      %swap3A_455 = arith.constant 0 : index
      %swap3A_456 = tpu.vector_load %arg14[%swap3A_455] {strides = array<i32>} : memref<80xi32, #tpu.memory_space<vmem>>, vector<16xi32>,
      %swap3A_457 = vector.shape_cast %swap3A_456 : vector<16xi32> to vector<16xi32>
      %swap3A_458 = vector.shape_cast %shift_right_logical3A_454 : vector<16xi32> to vector<16xi32>
      tpu.vector_store %arg14[%swap3A_455], %swap3A_458 {strides = array<i32>} : memref<80xi32, #tpu.memory_space<vmem>>, vector<16xi32>,
      %add3A_459 = arith.constant 16 : i32
      %add3A_460 = arith.addi %mul3A_439, %add3A_459 : i32
      %get3A_461 = arith.index_cast %add3A_460 : i32 to index
      %get3A_462 = tpu.vector_load %arg8[%get3A_461] {strides = array<i32>} : memref<10240xi32, #tpu.memory_space<vmem>>, vector<16xi32>,
      %get3A_463 = vector.shape_cast %get3A_462 : vector<16xi32> to vector<16xi32>
      %and3A_464 = arith.constant 65535 : i32
      %and3A_465 = vector.broadcast %and3A_464 : i32 to vector<16xi32>
      %and3A_466 = arith.andi %get3A_463, %and3A_465 : vector<16xi32>
      %swap3A_467 = arith.constant 16 : index
      %swap3A_468 = tpu.vector_load %arg11[%swap3A_467] {strides = array<i32>} : memref<80xi32, #tpu.memory_space<vmem>>, vector<16xi32>,
      %swap3A_469 = vector.shape_cast %swap3A_468 : vector<16xi32> to vector<16xi32>
      %swap3A_470 = vector.shape_cast %and3A_466 : vector<16xi32> to vector<16xi32>
      tpu.vector_store %arg11[%swap3A_467], %swap3A_470 {strides = array<i32>} : memref<80xi32, #tpu.memory_space<vmem>>, vector<16xi32>,
      %shift_right_logical3A_471 = arith.constant 16 : i32
      %shift_right_logical3A_472 = vector.broadcast %shift_right_logical3A_471 : i32 to vector<16xi32>
      %shift_right_logical3A_473 = arith.shrui %get3A_463, %shift_right_logical3A_472 : vector<16xi32>
      %swap3A_474 = arith.constant 16 : index
      %swap3A_475 = tpu.vector_load %arg14[%swap3A_474] {strides = array<i32>} : memref<80xi32, #tpu.memory_space<vmem>>, vector<16xi32>,
      %swap3A_476 = vector.shape_cast %swap3A_475 : vector<16xi32> to vector<16xi32>
      %swap3A_477 = vector.shape_cast %shift_right_logical3A_473 : vector<16xi32> to vector<16xi32>
      tpu.vector_store %arg14[%swap3A_474], %swap3A_477 {strides = array<i32>} : memref<80xi32, #tpu.memory_space<vmem>>, vector<16xi32>,
      %add3A_478 = arith.constant 32 : i32
      %add3A_479 = arith.addi %mul3A_439, %add3A_478 : i32
      %get3A_480 = arith.index_cast %add3A_479 : i32 to index
      %get3A_481 = tpu.vector_load %arg8[%get3A_480] {strides = array<i32>} : memref<10240xi32, #tpu.memory_space<vmem>>, vector<16xi32>,
      %get3A_482 = vector.shape_cast %get3A_481 : vector<16xi32> to vector<16xi32>
      %and3A_483 = arith.constant 65535 : i32
      %and3A_484 = vector.broadcast %and3A_483 : i32 to vector<16xi32>
      %and3A_485 = arith.andi %get3A_482, %and3A_484 : vector<16xi32>
      %swap3A_486 = arith.constant 32 : index
      %swap3A_487 = tpu.vector_load %arg11[%swap3A_486] {strides = array<i32>} : memref<80xi32, #tpu.memory_space<vmem>>, vector<16xi32>,
      %swap3A_488 = vector.shape_cast %swap3A_487 : vector<16xi32> to vector<16xi32>
      %swap3A_489 = vector.shape_cast %and3A_485 : vector<16xi32> to vector<16xi32>
      tpu.vector_store %arg11[%swap3A_486], %swap3A_489 {strides = array<i32>} : memref<80xi32, #tpu.memory_space<vmem>>, vector<16xi32>,
      %shift_right_logical3A_490 = arith.constant 16 : i32
      %shift_right_logical3A_491 = vector.broadcast %shift_right_logical3A_490 : i32 to vector<16xi32>
      %shift_right_logical3A_492 = arith.shrui %get3A_482, %shift_right_logical3A_491 : vector<16xi32>
      %swap3A_493 = arith.constant 32 : index
      %swap3A_494 = tpu.vector_load %arg14[%swap3A_493] {strides = array<i32>} : memref<80xi32, #tpu.memory_space<vmem>>, vector<16xi32>,
      %swap3A_495 = vector.shape_cast %swap3A_494 : vector<16xi32> to vector<16xi32>
      %swap3A_496 = vector.shape_cast %shift_right_logical3A_492 : vector<16xi32> to vector<16xi32>
      tpu.vector_store %arg14[%swap3A_493], %swap3A_496 {strides = array<i32>} : memref<80xi32, #tpu.memory_space<vmem>>, vector<16xi32>,
      %add3A_497 = arith.constant 48 : i32
      %add3A_498 = arith.addi %mul3A_439, %add3A_497 : i32
      %get3A_499 = arith.index_cast %add3A_498 : i32 to index
      %get3A_500 = tpu.vector_load %arg8[%get3A_499] {strides = array<i32>} : memref<10240xi32, #tpu.memory_space<vmem>>, vector<16xi32>,
      %get3A_501 = vector.shape_cast %get3A_500 : vector<16xi32> to vector<16xi32>
      %and3A_502 = arith.constant 65535 : i32
      %and3A_503 = vector.broadcast %and3A_502 : i32 to vector<16xi32>
      %and3A_504 = arith.andi %get3A_501, %and3A_503 : vector<16xi32>
      %swap3A_505 = arith.constant 48 : index
      %swap3A_506 = tpu.vector_load %arg11[%swap3A_505] {strides = array<i32>} : memref<80xi32, #tpu.memory_space<vmem>>, vector<16xi32>,
      %swap3A_507 = vector.shape_cast %swap3A_506 : vector<16xi32> to vector<16xi32>
      %swap3A_508 = vector.shape_cast %and3A_504 : vector<16xi32> to vector<16xi32>
      tpu.vector_store %arg11[%swap3A_505], %swap3A_508 {strides = array<i32>} : memref<80xi32, #tpu.memory_space<vmem>>, vector<16xi32>,
      %shift_right_logical3A_509 = arith.constant 16 : i32
      %shift_right_logical3A_510 = vector.broadcast %shift_right_logical3A_509 : i32 to vector<16xi32>
      %shift_right_logical3A_511 = arith.shrui %get3A_501, %shift_right_logical3A_510 : vector<16xi32>
      %swap3A_512 = arith.constant 48 : index
      %swap3A_513 = tpu.vector_load %arg14[%swap3A_512] {strides = array<i32>} : memref<80xi32, #tpu.memory_space<vmem>>, vector<16xi32>,
      %swap3A_514 = vector.shape_cast %swap3A_513 : vector<16xi32> to vector<16xi32>
      %swap3A_515 = vector.shape_cast %shift_right_logical3A_511 : vector<16xi32> to vector<16xi32>
      tpu.vector_store %arg14[%swap3A_512], %swap3A_515 {strides = array<i32>} : memref<80xi32, #tpu.memory_space<vmem>>, vector<16xi32>,
      %add3A_516 = arith.constant 64 : i32
      %add3A_517 = arith.addi %mul3A_439, %add3A_516 : i32
      %get3A_518 = arith.index_cast %add3A_517 : i32 to index
      %get3A_519 = tpu.vector_load %arg8[%get3A_518] {strides = array<i32>} : memref<10240xi32, #tpu.memory_space<vmem>>, vector<16xi32>,
      %get3A_520 = vector.shape_cast %get3A_519 : vector<16xi32> to vector<16xi32>
      %and3A_521 = arith.constant 65535 : i32
      %and3A_522 = vector.broadcast %and3A_521 : i32 to vector<16xi32>
      %and3A_523 = arith.andi %get3A_520, %and3A_522 : vector<16xi32>
      %swap3A_524 = arith.constant 64 : index
      %swap3A_525 = tpu.vector_load %arg11[%swap3A_524] {strides = array<i32>} : memref<80xi32, #tpu.memory_space<vmem>>, vector<16xi32>,
      %swap3A_526 = vector.shape_cast %swap3A_525 : vector<16xi32> to vector<16xi32>
      %swap3A_527 = vector.shape_cast %and3A_523 : vector<16xi32> to vector<16xi32>
      tpu.vector_store %arg11[%swap3A_524], %swap3A_527 {strides = array<i32>} : memref<80xi32, #tpu.memory_space<vmem>>, vector<16xi32>,
      %shift_right_logical3A_528 = arith.constant 16 : i32
      %shift_right_logical3A_529 = vector.broadcast %shift_right_logical3A_528 : i32 to vector<16xi32>
      %shift_right_logical3A_530 = arith.shrui %get3A_520, %shift_right_logical3A_529 : vector<16xi32>
      %swap3A_531 = arith.constant 64 : index
      %swap3A_532 = tpu.vector_load %arg14[%swap3A_531] {strides = array<i32>} : memref<80xi32, #tpu.memory_space<vmem>>, vector<16xi32>,
      %swap3A_533 = vector.shape_cast %swap3A_532 : vector<16xi32> to vector<16xi32>
      %swap3A_534 = vector.shape_cast %shift_right_logical3A_530 : vector<16xi32> to vector<16xi32>
      tpu.vector_store %arg14[%swap3A_531], %swap3A_534 {strides = array<i32>} : memref<80xi32, #tpu.memory_space<vmem>>, vector<16xi32>,
      %dma_start3A_535 = arith.constant 0 : i32
      %dma_start3A_536 = arith.constant 0 : i32
      %dma_start3A_537 = tpu.memref_slice %arg2[%dma_start3A_535, %dma_start3A_536] : memref<11000x128xf32, #tpu.memory_space<hbm>> -> memref<11000x128xf32, #tpu.memory_space<hbm>>
      tpu.enqueue_indirect_dma source(%dma_start3A_537 : memref<11000x128xf32, #tpu.memory_space<hbm>>) target(%arg17 : memref<80x128xf32, #tpu.memory_space<vmem>>) offsets(%arg11 : memref<80xi32, #tpu.memory_space<vmem>>) semaphore(%arg24 : memref<!tpu.dma_semaphore, #tpu.memory_space<semaphore_mem>>)
      %dma_wait3A_538 = arith.constant 0 : i32
      %dma_wait3A_539 = arith.constant 0 : i32
      %dma_wait3A_540 = tpu.memref_slice %arg2[%dma_wait3A_538, %dma_wait3A_539] : memref<11000x128xf32, #tpu.memory_space<hbm>> -> memref<80x128xf32, #tpu.memory_space<hbm>>
      %dma_wait3A_541 = arith.constant 0 : i32
      %dma_wait3A_542 = arith.constant 0 : i32
      %dma_wait3A_543 = tpu.memref_slice %arg2[%dma_wait3A_541, %dma_wait3A_542] : memref<11000x128xf32, #tpu.memory_space<hbm>> -> memref<80x128xf32, #tpu.memory_space<hbm>>
      tpu.wait_dma2 semaphore(%arg23 : memref<!tpu.dma_semaphore, #tpu.memory_space<semaphore_mem>>) src(%dma_wait3A_543 : memref<80x128xf32, #tpu.memory_space<hbm>>) dst(%arg16 : memref<80x128xf32, #tpu.memory_space<vmem>>)
      %dma_start3A_544 = arith.constant 0 : i32
      %dma_start3A_545 = arith.constant 0 : i32
      %dma_start3A_546 = tpu.memref_slice %arg20[%dma_start3A_544, %dma_start3A_545] : memref<10000x128xf32, #tpu.memory_space<vmem_shared>> -> memref<10000x128xf32, #tpu.memory_space<vmem_shared>>
      tpu.enqueue_indirect_dma source(%arg16 : memref<80x128xf32, #tpu.memory_space<vmem>>) target(%dma_start3A_546 : memref<10000x128xf32, #tpu.memory_space<vmem_shared>>) offsets(%arg13 : memref<80xi32, #tpu.memory_space<vmem>>) semaphore(%arg26 : memref<!tpu.dma_semaphore, #tpu.memory_space<semaphore_mem>>) {add = true}
      %ge3A_547 = arith.constant 32 : i32
      %ge3A_548 = arith.cmpi sge, %add3A_430, %ge3A_547 : i32
      %and3A_549 = arith.andi %eq3A_33, %ge3A_548 : i1
      %not3A_550 = arith.constant true
      %not3A_551 = arith.xori %and3A_549, %not3A_550 : i1
      %convert_element_type3A_552 = arith.extui %not3A_551 : i1 to i32
      %cond3A_553 = arith.constant 0 : i32
      %cond3A_554 = arith.cmpi ne, %convert_element_type3A_552, %cond3A_553 : i32
      scf.if %cond3A_554 {
        %dma_start3A_683 = arith.constant 0 : i32
        %dma_start3A_684 = tpu.memref_slice %arg21[%dma_start3A_683] : memref<10000xf32, #tpu.memory_space<vmem_shared>> -> memref<10000xf32, #tpu.memory_space<vmem_shared>>
        tpu.enqueue_indirect_dma source(%arg18 : memref<80xf32, #tpu.memory_space<vmem>>) target(%dma_start3A_684 : memref<10000xf32, #tpu.memory_space<vmem_shared>>) offsets(%arg13 : memref<80xi32, #tpu.memory_space<vmem>>) semaphore(%arg26 : memref<!tpu.dma_semaphore, #tpu.memory_space<semaphore_mem>>) {add = true}
      } else {
      }
      %mul3A_555 = arith.constant 3 : i32
      %mul3A_556 = arith.muli %mul3A_555, %scan3A_299 : i32
      %add3A_557 = arith.constant 2 : i32
      %add3A_558 = arith.addi %mul3A_556, %add3A_557 : i32
      %ge3A_559 = arith.constant 2 : i32
      %ge3A_560 = arith.cmpi sge, %add3A_558, %ge3A_559 : i32
      %convert_element_type3A_561 = arith.extui %ge3A_560 : i1 to i32
      %cond3A_562 = arith.constant 0 : i32
      %cond3A_563 = arith.cmpi ne, %convert_element_type3A_561, %cond3A_562 : i32
      scf.if %cond3A_563 {
        %sub3A = arith.constant 2 : i32
        %sub3A_683 = arith.subi %add3A_558, %sub3A : i32
        %dma_wait3A_684 = arith.constant 0 : i32
        %dma_wait3A_685 = arith.constant 0 : i32
        %dma_wait3A_686 = tpu.memref_slice %arg2[%dma_wait3A_684, %dma_wait3A_685] : memref<11000x128xf32, #tpu.memory_space<hbm>> -> memref<80x128xf32, #tpu.memory_space<hbm>>
        %dma_wait3A_687 = arith.constant 0 : i32
        %dma_wait3A_688 = arith.constant 0 : i32
        %dma_wait3A_689 = tpu.memref_slice %arg2[%dma_wait3A_687, %dma_wait3A_688] : memref<11000x128xf32, #tpu.memory_space<hbm>> -> memref<80x128xf32, #tpu.memory_space<hbm>>
        tpu.wait_dma2 semaphore(%arg25 : memref<!tpu.dma_semaphore, #tpu.memory_space<semaphore_mem>>) src(%dma_wait3A_689 : memref<80x128xf32, #tpu.memory_space<hbm>>) dst(%arg15 : memref<80x128xf32, #tpu.memory_space<vmem>>)
        %ge3A_690 = arith.constant 32 : i32
        %ge3A_691 = arith.cmpi sge, %sub3A_683, %ge3A_690 : i32
        %and3A_692 = arith.andi %eq3A_33, %ge3A_691 : i1
        %not3A_693 = arith.constant true
        %not3A_694 = arith.xori %and3A_692, %not3A_693 : i1
        %convert_element_type3A_695 = arith.extui %not3A_694 : i1 to i32
        %cond3A_696 = arith.constant 0 : i32
        %cond3A_697 = arith.cmpi ne, %convert_element_type3A_695, %cond3A_696 : i32
        scf.if %cond3A_697 {
          %dma_wait3A_698 = arith.constant 0 : i32
          %dma_wait3A_699 = arith.constant 0 : i32
          %dma_wait3A_700 = tpu.memref_slice %arg4[%dma_wait3A_698, %dma_wait3A_699] : memref<1000x128xf32, #tpu.memory_space<hbm>> -> memref<1x80xf32, #tpu.memory_space<hbm>>
          %dma_wait3A_701 = tpu.memref_squeeze %dma_wait3A_700 : memref<1x80xf32, #tpu.memory_space<hbm>> -> memref<80xf32, #tpu.memory_space<hbm>>
          %dma_wait3A_702 = arith.constant 0 : i32
          %dma_wait3A_703 = tpu.memref_slice %arg4[%dma_wait3A_698, %dma_wait3A_702] : memref<1000x128xf32, #tpu.memory_space<hbm>> -> memref<1x80xf32, #tpu.memory_space<hbm>>
          %dma_wait3A_704 = tpu.memref_squeeze %dma_wait3A_703 : memref<1x80xf32, #tpu.memory_space<hbm>> -> memref<80xf32, #tpu.memory_space<hbm>>
          tpu.wait_dma2 semaphore(%arg25 : memref<!tpu.dma_semaphore, #tpu.memory_space<semaphore_mem>>) src(%dma_wait3A_704 : memref<80xf32, #tpu.memory_space<hbm>>) dst(%arg18 : memref<80xf32, #tpu.memory_space<vmem>>)
        } else {
        }
      } else {
      }
      %add3A_564 = arith.constant 1 : i32
      %add3A_565 = arith.addi %add3A_558, %add3A_564 : i32
      %mul3A_566 = arith.constant 80 : i32
      %mul3A_567 = arith.muli %add3A_565, %mul3A_566 : i32
      %add3A_568 = arith.constant 0 : i32
      %add3A_569 = arith.addi %mul3A_567, %add3A_568 : i32
      %get3A_570 = arith.index_cast %add3A_569 : i32 to index
      %get3A_571 = tpu.vector_load %arg8[%get3A_570] {strides = array<i32>} : memref<10240xi32, #tpu.memory_space<vmem>>, vector<16xi32>,
      %get3A_572 = vector.shape_cast %get3A_571 : vector<16xi32> to vector<16xi32>
      %and3A_573 = arith.constant 65535 : i32
      %and3A_574 = vector.broadcast %and3A_573 : i32 to vector<16xi32>
      %and3A_575 = arith.andi %get3A_572, %and3A_574 : vector<16xi32>
      %swap3A_576 = arith.constant 0 : index
      %swap3A_577 = tpu.vector_load %arg9[%swap3A_576] {strides = array<i32>} : memref<80xi32, #tpu.memory_space<vmem>>, vector<16xi32>,
      %swap3A_578 = vector.shape_cast %swap3A_577 : vector<16xi32> to vector<16xi32>
      %swap3A_579 = vector.shape_cast %and3A_575 : vector<16xi32> to vector<16xi32>
      tpu.vector_store %arg9[%swap3A_576], %swap3A_579 {strides = array<i32>} : memref<80xi32, #tpu.memory_space<vmem>>, vector<16xi32>,
      %shift_right_logical3A_580 = arith.constant 16 : i32
      %shift_right_logical3A_581 = vector.broadcast %shift_right_logical3A_580 : i32 to vector<16xi32>
      %shift_right_logical3A_582 = arith.shrui %get3A_572, %shift_right_logical3A_581 : vector<16xi32>
      %swap3A_583 = arith.constant 0 : index
      %swap3A_584 = tpu.vector_load %arg12[%swap3A_583] {strides = array<i32>} : memref<80xi32, #tpu.memory_space<vmem>>, vector<16xi32>,
      %swap3A_585 = vector.shape_cast %swap3A_584 : vector<16xi32> to vector<16xi32>
      %swap3A_586 = vector.shape_cast %shift_right_logical3A_582 : vector<16xi32> to vector<16xi32>
      tpu.vector_store %arg12[%swap3A_583], %swap3A_586 {strides = array<i32>} : memref<80xi32, #tpu.memory_space<vmem>>, vector<16xi32>,
      %add3A_587 = arith.constant 16 : i32
      %add3A_588 = arith.addi %mul3A_567, %add3A_587 : i32
      %get3A_589 = arith.index_cast %add3A_588 : i32 to index
      %get3A_590 = tpu.vector_load %arg8[%get3A_589] {strides = array<i32>} : memref<10240xi32, #tpu.memory_space<vmem>>, vector<16xi32>,
      %get3A_591 = vector.shape_cast %get3A_590 : vector<16xi32> to vector<16xi32>
      %and3A_592 = arith.constant 65535 : i32
      %and3A_593 = vector.broadcast %and3A_592 : i32 to vector<16xi32>
      %and3A_594 = arith.andi %get3A_591, %and3A_593 : vector<16xi32>
      %swap3A_595 = arith.constant 16 : index
      %swap3A_596 = tpu.vector_load %arg9[%swap3A_595] {strides = array<i32>} : memref<80xi32, #tpu.memory_space<vmem>>, vector<16xi32>,
      %swap3A_597 = vector.shape_cast %swap3A_596 : vector<16xi32> to vector<16xi32>
      %swap3A_598 = vector.shape_cast %and3A_594 : vector<16xi32> to vector<16xi32>
      tpu.vector_store %arg9[%swap3A_595], %swap3A_598 {strides = array<i32>} : memref<80xi32, #tpu.memory_space<vmem>>, vector<16xi32>,
      %shift_right_logical3A_599 = arith.constant 16 : i32
      %shift_right_logical3A_600 = vector.broadcast %shift_right_logical3A_599 : i32 to vector<16xi32>
      %shift_right_logical3A_601 = arith.shrui %get3A_591, %shift_right_logical3A_600 : vector<16xi32>
      %swap3A_602 = arith.constant 16 : index
      %swap3A_603 = tpu.vector_load %arg12[%swap3A_602] {strides = array<i32>} : memref<80xi32, #tpu.memory_space<vmem>>, vector<16xi32>,
      %swap3A_604 = vector.shape_cast %swap3A_603 : vector<16xi32> to vector<16xi32>
      %swap3A_605 = vector.shape_cast %shift_right_logical3A_601 : vector<16xi32> to vector<16xi32>
      tpu.vector_store %arg12[%swap3A_602], %swap3A_605 {strides = array<i32>} : memref<80xi32, #tpu.memory_space<vmem>>, vector<16xi32>,
      %add3A_606 = arith.constant 32 : i32
      %add3A_607 = arith.addi %mul3A_567, %add3A_606 : i32
      %get3A_608 = arith.index_cast %add3A_607 : i32 to index
      %get3A_609 = tpu.vector_load %arg8[%get3A_608] {strides = array<i32>} : memref<10240xi32, #tpu.memory_space<vmem>>, vector<16xi32>,
      %get3A_610 = vector.shape_cast %get3A_609 : vector<16xi32> to vector<16xi32>
      %and3A_611 = arith.constant 65535 : i32
      %and3A_612 = vector.broadcast %and3A_611 : i32 to vector<16xi32>
      %and3A_613 = arith.andi %get3A_610, %and3A_612 : vector<16xi32>
      %swap3A_614 = arith.constant 32 : index
      %swap3A_615 = tpu.vector_load %arg9[%swap3A_614] {strides = array<i32>} : memref<80xi32, #tpu.memory_space<vmem>>, vector<16xi32>,
      %swap3A_616 = vector.shape_cast %swap3A_615 : vector<16xi32> to vector<16xi32>
      %swap3A_617 = vector.shape_cast %and3A_613 : vector<16xi32> to vector<16xi32>
      tpu.vector_store %arg9[%swap3A_614], %swap3A_617 {strides = array<i32>} : memref<80xi32, #tpu.memory_space<vmem>>, vector<16xi32>,
      %shift_right_logical3A_618 = arith.constant 16 : i32
      %shift_right_logical3A_619 = vector.broadcast %shift_right_logical3A_618 : i32 to vector<16xi32>
      %shift_right_logical3A_620 = arith.shrui %get3A_610, %shift_right_logical3A_619 : vector<16xi32>
      %swap3A_621 = arith.constant 32 : index
      %swap3A_622 = tpu.vector_load %arg12[%swap3A_621] {strides = array<i32>} : memref<80xi32, #tpu.memory_space<vmem>>, vector<16xi32>,
      %swap3A_623 = vector.shape_cast %swap3A_622 : vector<16xi32> to vector<16xi32>
      %swap3A_624 = vector.shape_cast %shift_right_logical3A_620 : vector<16xi32> to vector<16xi32>
      tpu.vector_store %arg12[%swap3A_621], %swap3A_624 {strides = array<i32>} : memref<80xi32, #tpu.memory_space<vmem>>, vector<16xi32>,
      %add3A_625 = arith.constant 48 : i32
      %add3A_626 = arith.addi %mul3A_567, %add3A_625 : i32
      %get3A_627 = arith.index_cast %add3A_626 : i32 to index
      %get3A_628 = tpu.vector_load %arg8[%get3A_627] {strides = array<i32>} : memref<10240xi32, #tpu.memory_space<vmem>>, vector<16xi32>,
      %get3A_629 = vector.shape_cast %get3A_628 : vector<16xi32> to vector<16xi32>
      %and3A_630 = arith.constant 65535 : i32
      %and3A_631 = vector.broadcast %and3A_630 : i32 to vector<16xi32>
      %and3A_632 = arith.andi %get3A_629, %and3A_631 : vector<16xi32>
      %swap3A_633 = arith.constant 48 : index
      %swap3A_634 = tpu.vector_load %arg9[%swap3A_633] {strides = array<i32>} : memref<80xi32, #tpu.memory_space<vmem>>, vector<16xi32>,
      %swap3A_635 = vector.shape_cast %swap3A_634 : vector<16xi32> to vector<16xi32>
      %swap3A_636 = vector.shape_cast %and3A_632 : vector<16xi32> to vector<16xi32>
      tpu.vector_store %arg9[%swap3A_633], %swap3A_636 {strides = array<i32>} : memref<80xi32, #tpu.memory_space<vmem>>, vector<16xi32>,
      %shift_right_logical3A_637 = arith.constant 16 : i32
      %shift_right_logical3A_638 = vector.broadcast %shift_right_logical3A_637 : i32 to vector<16xi32>
      %shift_right_logical3A_639 = arith.shrui %get3A_629, %shift_right_logical3A_638 : vector<16xi32>
      %swap3A_640 = arith.constant 48 : index
      %swap3A_641 = tpu.vector_load %arg12[%swap3A_640] {strides = array<i32>} : memref<80xi32, #tpu.memory_space<vmem>>, vector<16xi32>,
      %swap3A_642 = vector.shape_cast %swap3A_641 : vector<16xi32> to vector<16xi32>
      %swap3A_643 = vector.shape_cast %shift_right_logical3A_639 : vector<16xi32> to vector<16xi32>
      tpu.vector_store %arg12[%swap3A_640], %swap3A_643 {strides = array<i32>} : memref<80xi32, #tpu.memory_space<vmem>>, vector<16xi32>,
      %add3A_644 = arith.constant 64 : i32
      %add3A_645 = arith.addi %mul3A_567, %add3A_644 : i32
      %get3A_646 = arith.index_cast %add3A_645 : i32 to index
      %get3A_647 = tpu.vector_load %arg8[%get3A_646] {strides = array<i32>} : memref<10240xi32, #tpu.memory_space<vmem>>, vector<16xi32>,
      %get3A_648 = vector.shape_cast %get3A_647 : vector<16xi32> to vector<16xi32>
      %and3A_649 = arith.constant 65535 : i32
      %and3A_650 = vector.broadcast %and3A_649 : i32 to vector<16xi32>
      %and3A_651 = arith.andi %get3A_648, %and3A_650 : vector<16xi32>
      %swap3A_652 = arith.constant 64 : index
      %swap3A_653 = tpu.vector_load %arg9[%swap3A_652] {strides = array<i32>} : memref<80xi32, #tpu.memory_space<vmem>>, vector<16xi32>,
      %swap3A_654 = vector.shape_cast %swap3A_653 : vector<16xi32> to vector<16xi32>
      %swap3A_655 = vector.shape_cast %and3A_651 : vector<16xi32> to vector<16xi32>
      tpu.vector_store %arg9[%swap3A_652], %swap3A_655 {strides = array<i32>} : memref<80xi32, #tpu.memory_space<vmem>>, vector<16xi32>,
      %shift_right_logical3A_656 = arith.constant 16 : i32
      %shift_right_logical3A_657 = vector.broadcast %shift_right_logical3A_656 : i32 to vector<16xi32>
      %shift_right_logical3A_658 = arith.shrui %get3A_648, %shift_right_logical3A_657 : vector<16xi32>
      %swap3A_659 = arith.constant 64 : index
      %swap3A_660 = tpu.vector_load %arg12[%swap3A_659] {strides = array<i32>} : memref<80xi32, #tpu.memory_space<vmem>>, vector<16xi32>,
      %swap3A_661 = vector.shape_cast %swap3A_660 : vector<16xi32> to vector<16xi32>
      %swap3A_662 = vector.shape_cast %shift_right_logical3A_658 : vector<16xi32> to vector<16xi32>
      tpu.vector_store %arg12[%swap3A_659], %swap3A_662 {strides = array<i32>} : memref<80xi32, #tpu.memory_space<vmem>>, vector<16xi32>,
      %dma_start3A_663 = arith.constant 0 : i32
      %dma_start3A_664 = arith.constant 0 : i32
      %dma_start3A_665 = tpu.memref_slice %arg2[%dma_start3A_663, %dma_start3A_664] : memref<11000x128xf32, #tpu.memory_space<hbm>> -> memref<11000x128xf32, #tpu.memory_space<hbm>>
      tpu.enqueue_indirect_dma source(%dma_start3A_665 : memref<11000x128xf32, #tpu.memory_space<hbm>>) target(%arg15 : memref<80x128xf32, #tpu.memory_space<vmem>>) offsets(%arg9 : memref<80xi32, #tpu.memory_space<vmem>>) semaphore(%arg22 : memref<!tpu.dma_semaphore, #tpu.memory_space<semaphore_mem>>)
      %dma_wait3A_666 = arith.constant 0 : i32
      %dma_wait3A_667 = arith.constant 0 : i32
      %dma_wait3A_668 = tpu.memref_slice %arg2[%dma_wait3A_666, %dma_wait3A_667] : memref<11000x128xf32, #tpu.memory_space<hbm>> -> memref<80x128xf32, #tpu.memory_space<hbm>>
      %dma_wait3A_669 = arith.constant 0 : i32
      %dma_wait3A_670 = arith.constant 0 : i32
      %dma_wait3A_671 = tpu.memref_slice %arg2[%dma_wait3A_669, %dma_wait3A_670] : memref<11000x128xf32, #tpu.memory_space<hbm>> -> memref<80x128xf32, #tpu.memory_space<hbm>>
      tpu.wait_dma2 semaphore(%arg24 : memref<!tpu.dma_semaphore, #tpu.memory_space<semaphore_mem>>) src(%dma_wait3A_671 : memref<80x128xf32, #tpu.memory_space<hbm>>) dst(%arg17 : memref<80x128xf32, #tpu.memory_space<vmem>>)
      %dma_start3A_672 = arith.constant 0 : i32
      %dma_start3A_673 = arith.constant 0 : i32
      %dma_start3A_674 = tpu.memref_slice %arg20[%dma_start3A_672, %dma_start3A_673] : memref<10000x128xf32, #tpu.memory_space<vmem_shared>> -> memref<10000x128xf32, #tpu.memory_space<vmem_shared>>
      tpu.enqueue_indirect_dma source(%arg17 : memref<80x128xf32, #tpu.memory_space<vmem>>) target(%dma_start3A_674 : memref<10000x128xf32, #tpu.memory_space<vmem_shared>>) offsets(%arg14 : memref<80xi32, #tpu.memory_space<vmem>>) semaphore(%arg27 : memref<!tpu.dma_semaphore, #tpu.memory_space<semaphore_mem>>) {add = true}
      %ge3A_675 = arith.constant 32 : i32
      %ge3A_676 = arith.cmpi sge, %add3A_558, %ge3A_675 : i32
      %and3A_677 = arith.andi %eq3A_33, %ge3A_676 : i1
      %not3A_678 = arith.constant true
      %not3A_679 = arith.xori %and3A_677, %not3A_678 : i1
      %convert_element_type3A_680 = arith.extui %not3A_679 : i1 to i32
      %cond3A_681 = arith.constant 0 : i32
      %cond3A_682 = arith.cmpi ne, %convert_element_type3A_680, %cond3A_681 : i32
      scf.if %cond3A_682 {
        %dma_start3A_683 = arith.constant 0 : i32
        %dma_start3A_684 = tpu.memref_slice %arg21[%dma_start3A_683] : memref<10000xf32, #tpu.memory_space<vmem_shared>> -> memref<10000xf32, #tpu.memory_space<vmem_shared>>
        tpu.enqueue_indirect_dma source(%arg18 : memref<80xf32, #tpu.memory_space<vmem>>) target(%dma_start3A_684 : memref<10000xf32, #tpu.memory_space<vmem_shared>>) offsets(%arg14 : memref<80xi32, #tpu.memory_space<vmem>>) semaphore(%arg27 : memref<!tpu.dma_semaphore, #tpu.memory_space<semaphore_mem>>) {add = true}
      } else {
      }
    }
    %scan3A_122 = arith.constant 42 : i32
    %dma_wait3A = arith.constant 0 : i32
    %dma_wait3A_123 = arith.constant 0 : i32
    %dma_wait3A_124 = tpu.memref_slice %arg2[%dma_wait3A, %dma_wait3A_123] : memref<11000x128xf32, #tpu.memory_space<hbm>> -> memref<80x128xf32, #tpu.memory_space<hbm>>
    %dma_wait3A_125 = arith.constant 0 : i32
    %dma_wait3A_126 = arith.constant 0 : i32
    %dma_wait3A_127 = tpu.memref_slice %arg2[%dma_wait3A_125, %dma_wait3A_126] : memref<11000x128xf32, #tpu.memory_space<hbm>> -> memref<80x128xf32, #tpu.memory_space<hbm>>
    tpu.wait_dma2 semaphore(%arg26 : memref<!tpu.dma_semaphore, #tpu.memory_space<semaphore_mem>>) src(%dma_wait3A_127 : memref<80x128xf32, #tpu.memory_space<hbm>>) dst(%arg16 : memref<80x128xf32, #tpu.memory_space<vmem>>)
    %and3A_128 = arith.constant true
    %and3A_129 = arith.andi %eq3A_33, %and3A_128 : i1
    %not3A = arith.constant true
    %not3A_130 = arith.xori %and3A_129, %not3A : i1
    %convert_element_type3A_131 = arith.extui %not3A_130 : i1 to i32
    %cond3A_132 = arith.constant 0 : i32
    %cond3A_133 = arith.cmpi ne, %convert_element_type3A_131, %cond3A_132 : i32
    scf.if %cond3A_133 {
      %dma_wait3A_299 = arith.constant 0 : i32
      %dma_wait3A_300 = arith.constant 0 : i32
      %dma_wait3A_301 = tpu.memref_slice %arg4[%dma_wait3A_299, %dma_wait3A_300] : memref<1000x128xf32, #tpu.memory_space<hbm>> -> memref<1x80xf32, #tpu.memory_space<hbm>>
      %dma_wait3A_302 = tpu.memref_squeeze %dma_wait3A_301 : memref<1x80xf32, #tpu.memory_space<hbm>> -> memref<80xf32, #tpu.memory_space<hbm>>
      %dma_wait3A_303 = arith.constant 0 : i32
      %dma_wait3A_304 = tpu.memref_slice %arg4[%dma_wait3A_299, %dma_wait3A_303] : memref<1000x128xf32, #tpu.memory_space<hbm>> -> memref<1x80xf32, #tpu.memory_space<hbm>>
      %dma_wait3A_305 = tpu.memref_squeeze %dma_wait3A_304 : memref<1x80xf32, #tpu.memory_space<hbm>> -> memref<80xf32, #tpu.memory_space<hbm>>
      tpu.wait_dma2 semaphore(%arg26 : memref<!tpu.dma_semaphore, #tpu.memory_space<semaphore_mem>>) src(%dma_wait3A_305 : memref<80xf32, #tpu.memory_space<hbm>>) dst(%arg18 : memref<80xf32, #tpu.memory_space<vmem>>)
    } else {
    }
    %get3A_134 = arith.constant 10160 : index
    %get3A_135 = tpu.vector_load %arg8[%get3A_134] {strides = array<i32>} : memref<10240xi32, #tpu.memory_space<vmem>>, vector<16xi32>,
    %get3A_136 = vector.shape_cast %get3A_135 : vector<16xi32> to vector<16xi32>
    %and3A_137 = arith.constant 65535 : i32
    %and3A_138 = vector.broadcast %and3A_137 : i32 to vector<16xi32>
    %and3A_139 = arith.andi %get3A_136, %and3A_138 : vector<16xi32>
    %swap3A_140 = arith.constant 0 : index
    %swap3A_141 = tpu.vector_load %arg10[%swap3A_140] {strides = array<i32>} : memref<80xi32, #tpu.memory_space<vmem>>, vector<16xi32>,
    %swap3A_142 = vector.shape_cast %swap3A_141 : vector<16xi32> to vector<16xi32>
    %swap3A_143 = vector.shape_cast %and3A_139 : vector<16xi32> to vector<16xi32>
    tpu.vector_store %arg10[%swap3A_140], %swap3A_143 {strides = array<i32>} : memref<80xi32, #tpu.memory_space<vmem>>, vector<16xi32>,
    %shift_right_logical3A_144 = arith.constant 16 : i32
    %shift_right_logical3A_145 = vector.broadcast %shift_right_logical3A_144 : i32 to vector<16xi32>
    %shift_right_logical3A_146 = arith.shrui %get3A_136, %shift_right_logical3A_145 : vector<16xi32>
    %swap3A_147 = arith.constant 0 : index
    %swap3A_148 = tpu.vector_load %arg13[%swap3A_147] {strides = array<i32>} : memref<80xi32, #tpu.memory_space<vmem>>, vector<16xi32>,
    %swap3A_149 = vector.shape_cast %swap3A_148 : vector<16xi32> to vector<16xi32>
    %swap3A_150 = vector.shape_cast %shift_right_logical3A_146 : vector<16xi32> to vector<16xi32>
    tpu.vector_store %arg13[%swap3A_147], %swap3A_150 {strides = array<i32>} : memref<80xi32, #tpu.memory_space<vmem>>, vector<16xi32>,
    %get3A_151 = arith.constant 10176 : index
    %get3A_152 = tpu.vector_load %arg8[%get3A_151] {strides = array<i32>} : memref<10240xi32, #tpu.memory_space<vmem>>, vector<16xi32>,
    %get3A_153 = vector.shape_cast %get3A_152 : vector<16xi32> to vector<16xi32>
    %and3A_154 = arith.constant 65535 : i32
    %and3A_155 = vector.broadcast %and3A_154 : i32 to vector<16xi32>
    %and3A_156 = arith.andi %get3A_153, %and3A_155 : vector<16xi32>
    %swap3A_157 = arith.constant 16 : index
    %swap3A_158 = tpu.vector_load %arg10[%swap3A_157] {strides = array<i32>} : memref<80xi32, #tpu.memory_space<vmem>>, vector<16xi32>,
    %swap3A_159 = vector.shape_cast %swap3A_158 : vector<16xi32> to vector<16xi32>
    %swap3A_160 = vector.shape_cast %and3A_156 : vector<16xi32> to vector<16xi32>
    tpu.vector_store %arg10[%swap3A_157], %swap3A_160 {strides = array<i32>} : memref<80xi32, #tpu.memory_space<vmem>>, vector<16xi32>,
    %shift_right_logical3A_161 = arith.constant 16 : i32
    %shift_right_logical3A_162 = vector.broadcast %shift_right_logical3A_161 : i32 to vector<16xi32>
    %shift_right_logical3A_163 = arith.shrui %get3A_153, %shift_right_logical3A_162 : vector<16xi32>
    %swap3A_164 = arith.constant 16 : index
    %swap3A_165 = tpu.vector_load %arg13[%swap3A_164] {strides = array<i32>} : memref<80xi32, #tpu.memory_space<vmem>>, vector<16xi32>,
    %swap3A_166 = vector.shape_cast %swap3A_165 : vector<16xi32> to vector<16xi32>
    %swap3A_167 = vector.shape_cast %shift_right_logical3A_163 : vector<16xi32> to vector<16xi32>
    tpu.vector_store %arg13[%swap3A_164], %swap3A_167 {strides = array<i32>} : memref<80xi32, #tpu.memory_space<vmem>>, vector<16xi32>,
    %get3A_168 = arith.constant 10192 : index
    %get3A_169 = tpu.vector_load %arg8[%get3A_168] {strides = array<i32>} : memref<10240xi32, #tpu.memory_space<vmem>>, vector<16xi32>,
    %get3A_170 = vector.shape_cast %get3A_169 : vector<16xi32> to vector<16xi32>
    %and3A_171 = arith.constant 65535 : i32
    %and3A_172 = vector.broadcast %and3A_171 : i32 to vector<16xi32>
    %and3A_173 = arith.andi %get3A_170, %and3A_172 : vector<16xi32>
    %swap3A_174 = arith.constant 32 : index
    %swap3A_175 = tpu.vector_load %arg10[%swap3A_174] {strides = array<i32>} : memref<80xi32, #tpu.memory_space<vmem>>, vector<16xi32>,
    %swap3A_176 = vector.shape_cast %swap3A_175 : vector<16xi32> to vector<16xi32>
    %swap3A_177 = vector.shape_cast %and3A_173 : vector<16xi32> to vector<16xi32>
    tpu.vector_store %arg10[%swap3A_174], %swap3A_177 {strides = array<i32>} : memref<80xi32, #tpu.memory_space<vmem>>, vector<16xi32>,
    %shift_right_logical3A_178 = arith.constant 16 : i32
    %shift_right_logical3A_179 = vector.broadcast %shift_right_logical3A_178 : i32 to vector<16xi32>
    %shift_right_logical3A_180 = arith.shrui %get3A_170, %shift_right_logical3A_179 : vector<16xi32>
    %swap3A_181 = arith.constant 32 : index
    %swap3A_182 = tpu.vector_load %arg13[%swap3A_181] {strides = array<i32>} : memref<80xi32, #tpu.memory_space<vmem>>, vector<16xi32>,
    %swap3A_183 = vector.shape_cast %swap3A_182 : vector<16xi32> to vector<16xi32>
    %swap3A_184 = vector.shape_cast %shift_right_logical3A_180 : vector<16xi32> to vector<16xi32>
    tpu.vector_store %arg13[%swap3A_181], %swap3A_184 {strides = array<i32>} : memref<80xi32, #tpu.memory_space<vmem>>, vector<16xi32>,
    %get3A_185 = arith.constant 10208 : index
    %get3A_186 = tpu.vector_load %arg8[%get3A_185] {strides = array<i32>} : memref<10240xi32, #tpu.memory_space<vmem>>, vector<16xi32>,
    %get3A_187 = vector.shape_cast %get3A_186 : vector<16xi32> to vector<16xi32>
    %and3A_188 = arith.constant 65535 : i32
    %and3A_189 = vector.broadcast %and3A_188 : i32 to vector<16xi32>
    %and3A_190 = arith.andi %get3A_187, %and3A_189 : vector<16xi32>
    %swap3A_191 = arith.constant 48 : index
    %swap3A_192 = tpu.vector_load %arg10[%swap3A_191] {strides = array<i32>} : memref<80xi32, #tpu.memory_space<vmem>>, vector<16xi32>,
    %swap3A_193 = vector.shape_cast %swap3A_192 : vector<16xi32> to vector<16xi32>
    %swap3A_194 = vector.shape_cast %and3A_190 : vector<16xi32> to vector<16xi32>
    tpu.vector_store %arg10[%swap3A_191], %swap3A_194 {strides = array<i32>} : memref<80xi32, #tpu.memory_space<vmem>>, vector<16xi32>,
    %shift_right_logical3A_195 = arith.constant 16 : i32
    %shift_right_logical3A_196 = vector.broadcast %shift_right_logical3A_195 : i32 to vector<16xi32>
    %shift_right_logical3A_197 = arith.shrui %get3A_187, %shift_right_logical3A_196 : vector<16xi32>
    %swap3A_198 = arith.constant 48 : index
    %swap3A_199 = tpu.vector_load %arg13[%swap3A_198] {strides = array<i32>} : memref<80xi32, #tpu.memory_space<vmem>>, vector<16xi32>,
    %swap3A_200 = vector.shape_cast %swap3A_199 : vector<16xi32> to vector<16xi32>
    %swap3A_201 = vector.shape_cast %shift_right_logical3A_197 : vector<16xi32> to vector<16xi32>
    tpu.vector_store %arg13[%swap3A_198], %swap3A_201 {strides = array<i32>} : memref<80xi32, #tpu.memory_space<vmem>>, vector<16xi32>,
    %get3A_202 = arith.constant 10224 : index
    %get3A_203 = tpu.vector_load %arg8[%get3A_202] {strides = array<i32>} : memref<10240xi32, #tpu.memory_space<vmem>>, vector<16xi32>,
    %get3A_204 = vector.shape_cast %get3A_203 : vector<16xi32> to vector<16xi32>
    %and3A_205 = arith.constant 65535 : i32
    %and3A_206 = vector.broadcast %and3A_205 : i32 to vector<16xi32>
    %and3A_207 = arith.andi %get3A_204, %and3A_206 : vector<16xi32>
    %swap3A_208 = arith.constant 64 : index
    %swap3A_209 = tpu.vector_load %arg10[%swap3A_208] {strides = array<i32>} : memref<80xi32, #tpu.memory_space<vmem>>, vector<16xi32>,
    %swap3A_210 = vector.shape_cast %swap3A_209 : vector<16xi32> to vector<16xi32>
    %swap3A_211 = vector.shape_cast %and3A_207 : vector<16xi32> to vector<16xi32>
    tpu.vector_store %arg10[%swap3A_208], %swap3A_211 {strides = array<i32>} : memref<80xi32, #tpu.memory_space<vmem>>, vector<16xi32>,
    %shift_right_logical3A_212 = arith.constant 16 : i32
    %shift_right_logical3A_213 = vector.broadcast %shift_right_logical3A_212 : i32 to vector<16xi32>
    %shift_right_logical3A_214 = arith.shrui %get3A_204, %shift_right_logical3A_213 : vector<16xi32>
    %swap3A_215 = arith.constant 64 : index
    %swap3A_216 = tpu.vector_load %arg13[%swap3A_215] {strides = array<i32>} : memref<80xi32, #tpu.memory_space<vmem>>, vector<16xi32>,
    %swap3A_217 = vector.shape_cast %swap3A_216 : vector<16xi32> to vector<16xi32>
    %swap3A_218 = vector.shape_cast %shift_right_logical3A_214 : vector<16xi32> to vector<16xi32>
    tpu.vector_store %arg13[%swap3A_215], %swap3A_218 {strides = array<i32>} : memref<80xi32, #tpu.memory_space<vmem>>, vector<16xi32>,
    %dma_start3A_219 = arith.constant 0 : i32
    %dma_start3A_220 = arith.constant 0 : i32
    %dma_start3A_221 = tpu.memref_slice %arg2[%dma_start3A_219, %dma_start3A_220] : memref<11000x128xf32, #tpu.memory_space<hbm>> -> memref<11000x128xf32, #tpu.memory_space<hbm>>
    tpu.enqueue_indirect_dma source(%dma_start3A_221 : memref<11000x128xf32, #tpu.memory_space<hbm>>) target(%arg16 : memref<80x128xf32, #tpu.memory_space<vmem>>) offsets(%arg10 : memref<80xi32, #tpu.memory_space<vmem>>) semaphore(%arg23 : memref<!tpu.dma_semaphore, #tpu.memory_space<semaphore_mem>>)
    %dma_wait3A_222 = arith.constant 0 : i32
    %dma_wait3A_223 = arith.constant 0 : i32
    %dma_wait3A_224 = tpu.memref_slice %arg2[%dma_wait3A_222, %dma_wait3A_223] : memref<11000x128xf32, #tpu.memory_space<hbm>> -> memref<80x128xf32, #tpu.memory_space<hbm>>
    %dma_wait3A_225 = arith.constant 0 : i32
    %dma_wait3A_226 = arith.constant 0 : i32
    %dma_wait3A_227 = tpu.memref_slice %arg2[%dma_wait3A_225, %dma_wait3A_226] : memref<11000x128xf32, #tpu.memory_space<hbm>> -> memref<80x128xf32, #tpu.memory_space<hbm>>
    tpu.wait_dma2 semaphore(%arg22 : memref<!tpu.dma_semaphore, #tpu.memory_space<semaphore_mem>>) src(%dma_wait3A_227 : memref<80x128xf32, #tpu.memory_space<hbm>>) dst(%arg15 : memref<80x128xf32, #tpu.memory_space<vmem>>)
    %dma_start3A_228 = arith.constant 0 : i32
    %dma_start3A_229 = arith.constant 0 : i32
    %dma_start3A_230 = tpu.memref_slice %arg20[%dma_start3A_228, %dma_start3A_229] : memref<10000x128xf32, #tpu.memory_space<vmem_shared>> -> memref<10000x128xf32, #tpu.memory_space<vmem_shared>>
    tpu.enqueue_indirect_dma source(%arg15 : memref<80x128xf32, #tpu.memory_space<vmem>>) target(%dma_start3A_230 : memref<10000x128xf32, #tpu.memory_space<vmem_shared>>) offsets(%arg12 : memref<80xi32, #tpu.memory_space<vmem>>) semaphore(%arg25 : memref<!tpu.dma_semaphore, #tpu.memory_space<semaphore_mem>>) {add = true}
    %and3A_231 = arith.constant true
    %and3A_232 = arith.andi %eq3A_33, %and3A_231 : i1
    %not3A_233 = arith.constant true
    %not3A_234 = arith.xori %and3A_232, %not3A_233 : i1
    %convert_element_type3A_235 = arith.extui %not3A_234 : i1 to i32
    %cond3A_236 = arith.constant 0 : i32
    %cond3A_237 = arith.cmpi ne, %convert_element_type3A_235, %cond3A_236 : i32
    scf.if %cond3A_237 {
      %dma_start3A_299 = arith.constant 0 : i32
      %dma_start3A_300 = tpu.memref_slice %arg21[%dma_start3A_299] : memref<10000xf32, #tpu.memory_space<vmem_shared>> -> memref<10000xf32, #tpu.memory_space<vmem_shared>>
      tpu.enqueue_indirect_dma source(%arg18 : memref<80xf32, #tpu.memory_space<vmem>>) target(%dma_start3A_300 : memref<10000xf32, #tpu.memory_space<vmem_shared>>) offsets(%arg12 : memref<80xi32, #tpu.memory_space<vmem>>) semaphore(%arg25 : memref<!tpu.dma_semaphore, #tpu.memory_space<semaphore_mem>>) {add = true}
    } else {
    }
    %dma_wait3A_238 = arith.constant 0 : i32
    %dma_wait3A_239 = arith.constant 0 : i32
    %dma_wait3A_240 = tpu.memref_slice %arg2[%dma_wait3A_238, %dma_wait3A_239] : memref<11000x128xf32, #tpu.memory_space<hbm>> -> memref<80x128xf32, #tpu.memory_space<hbm>>
    %dma_wait3A_241 = arith.constant 0 : i32
    %dma_wait3A_242 = arith.constant 0 : i32
    %dma_wait3A_243 = tpu.memref_slice %arg2[%dma_wait3A_241, %dma_wait3A_242] : memref<11000x128xf32, #tpu.memory_space<hbm>> -> memref<80x128xf32, #tpu.memory_space<hbm>>
    tpu.wait_dma2 semaphore(%arg23 : memref<!tpu.dma_semaphore, #tpu.memory_space<semaphore_mem>>) src(%dma_wait3A_243 : memref<80x128xf32, #tpu.memory_space<hbm>>) dst(%arg16 : memref<80x128xf32, #tpu.memory_space<vmem>>)
    %dma_start3A_244 = arith.constant 0 : i32
    %dma_start3A_245 = arith.constant 0 : i32
    %dma_start3A_246 = tpu.memref_slice %arg20[%dma_start3A_244, %dma_start3A_245] : memref<10000x128xf32, #tpu.memory_space<vmem_shared>> -> memref<10000x128xf32, #tpu.memory_space<vmem_shared>>
    tpu.enqueue_indirect_dma source(%arg16 : memref<80x128xf32, #tpu.memory_space<vmem>>) target(%dma_start3A_246 : memref<10000x128xf32, #tpu.memory_space<vmem_shared>>) offsets(%arg13 : memref<80xi32, #tpu.memory_space<vmem>>) semaphore(%arg26 : memref<!tpu.dma_semaphore, #tpu.memory_space<semaphore_mem>>) {add = true}
    %and3A_247 = arith.constant true
    %and3A_248 = arith.andi %eq3A_33, %and3A_247 : i1
    %not3A_249 = arith.constant true
    %not3A_250 = arith.xori %and3A_248, %not3A_249 : i1
    %convert_element_type3A_251 = arith.extui %not3A_250 : i1 to i32
    %cond3A_252 = arith.constant 0 : i32
    %cond3A_253 = arith.cmpi ne, %convert_element_type3A_251, %cond3A_252 : i32
    scf.if %cond3A_253 {
      %dma_start3A_299 = arith.constant 0 : i32
      %dma_start3A_300 = tpu.memref_slice %arg21[%dma_start3A_299] : memref<10000xf32, #tpu.memory_space<vmem_shared>> -> memref<10000xf32, #tpu.memory_space<vmem_shared>>
      tpu.enqueue_indirect_dma source(%arg18 : memref<80xf32, #tpu.memory_space<vmem>>) target(%dma_start3A_300 : memref<10000xf32, #tpu.memory_space<vmem_shared>>) offsets(%arg13 : memref<80xi32, #tpu.memory_space<vmem>>) semaphore(%arg26 : memref<!tpu.dma_semaphore, #tpu.memory_space<semaphore_mem>>) {add = true}
    } else {
    }
    %dma_wait3A_254 = arith.constant 0 : i32
    %dma_wait3A_255 = arith.constant 0 : i32
    %dma_wait3A_256 = tpu.memref_slice %arg2[%dma_wait3A_254, %dma_wait3A_255] : memref<11000x128xf32, #tpu.memory_space<hbm>> -> memref<80x128xf32, #tpu.memory_space<hbm>>
    %dma_wait3A_257 = arith.constant 0 : i32
    %dma_wait3A_258 = arith.constant 0 : i32
    %dma_wait3A_259 = tpu.memref_slice %arg2[%dma_wait3A_257, %dma_wait3A_258] : memref<11000x128xf32, #tpu.memory_space<hbm>> -> memref<80x128xf32, #tpu.memory_space<hbm>>
    tpu.wait_dma2 semaphore(%arg27 : memref<!tpu.dma_semaphore, #tpu.memory_space<semaphore_mem>>) src(%dma_wait3A_259 : memref<80x128xf32, #tpu.memory_space<hbm>>) dst(%arg17 : memref<80x128xf32, #tpu.memory_space<vmem>>)
    %and3A_260 = arith.constant true
    %and3A_261 = arith.andi %eq3A_33, %and3A_260 : i1
    %not3A_262 = arith.constant true
    %not3A_263 = arith.xori %and3A_261, %not3A_262 : i1
    %convert_element_type3A_264 = arith.extui %not3A_263 : i1 to i32
    %cond3A_265 = arith.constant 0 : i32
    %cond3A_266 = arith.cmpi ne, %convert_element_type3A_264, %cond3A_265 : i32
    scf.if %cond3A_266 {
      %dma_wait3A_299 = arith.constant 0 : i32
      %dma_wait3A_300 = arith.constant 0 : i32
      %dma_wait3A_301 = tpu.memref_slice %arg4[%dma_wait3A_299, %dma_wait3A_300] : memref<1000x128xf32, #tpu.memory_space<hbm>> -> memref<1x80xf32, #tpu.memory_space<hbm>>
      %dma_wait3A_302 = tpu.memref_squeeze %dma_wait3A_301 : memref<1x80xf32, #tpu.memory_space<hbm>> -> memref<80xf32, #tpu.memory_space<hbm>>
      %dma_wait3A_303 = arith.constant 0 : i32
      %dma_wait3A_304 = tpu.memref_slice %arg4[%dma_wait3A_299, %dma_wait3A_303] : memref<1000x128xf32, #tpu.memory_space<hbm>> -> memref<1x80xf32, #tpu.memory_space<hbm>>
      %dma_wait3A_305 = tpu.memref_squeeze %dma_wait3A_304 : memref<1x80xf32, #tpu.memory_space<hbm>> -> memref<80xf32, #tpu.memory_space<hbm>>
      tpu.wait_dma2 semaphore(%arg27 : memref<!tpu.dma_semaphore, #tpu.memory_space<semaphore_mem>>) src(%dma_wait3A_305 : memref<80xf32, #tpu.memory_space<hbm>>) dst(%arg18 : memref<80xf32, #tpu.memory_space<vmem>>)
    } else {
    }
    %dma_wait3A_267 = arith.constant 0 : i32
    %dma_wait3A_268 = arith.constant 0 : i32
    %dma_wait3A_269 = tpu.memref_slice %arg2[%dma_wait3A_267, %dma_wait3A_268] : memref<11000x128xf32, #tpu.memory_space<hbm>> -> memref<80x128xf32, #tpu.memory_space<hbm>>
    %dma_wait3A_270 = arith.constant 0 : i32
    %dma_wait3A_271 = arith.constant 0 : i32
    %dma_wait3A_272 = tpu.memref_slice %arg2[%dma_wait3A_270, %dma_wait3A_271] : memref<11000x128xf32, #tpu.memory_space<hbm>> -> memref<80x128xf32, #tpu.memory_space<hbm>>
    tpu.wait_dma2 semaphore(%arg25 : memref<!tpu.dma_semaphore, #tpu.memory_space<semaphore_mem>>) src(%dma_wait3A_272 : memref<80x128xf32, #tpu.memory_space<hbm>>) dst(%arg15 : memref<80x128xf32, #tpu.memory_space<vmem>>)
    %and3A_273 = arith.constant true
    %and3A_274 = arith.andi %eq3A_33, %and3A_273 : i1
    %not3A_275 = arith.constant true
    %not3A_276 = arith.xori %and3A_274, %not3A_275 : i1
    %convert_element_type3A_277 = arith.extui %not3A_276 : i1 to i32
    %cond3A_278 = arith.constant 0 : i32
    %cond3A_279 = arith.cmpi ne, %convert_element_type3A_277, %cond3A_278 : i32
    scf.if %cond3A_279 {
      %dma_wait3A_299 = arith.constant 0 : i32
      %dma_wait3A_300 = arith.constant 0 : i32
      %dma_wait3A_301 = tpu.memref_slice %arg4[%dma_wait3A_299, %dma_wait3A_300] : memref<1000x128xf32, #tpu.memory_space<hbm>> -> memref<1x80xf32, #tpu.memory_space<hbm>>
      %dma_wait3A_302 = tpu.memref_squeeze %dma_wait3A_301 : memref<1x80xf32, #tpu.memory_space<hbm>> -> memref<80xf32, #tpu.memory_space<hbm>>
      %dma_wait3A_303 = arith.constant 0 : i32
      %dma_wait3A_304 = tpu.memref_slice %arg4[%dma_wait3A_299, %dma_wait3A_303] : memref<1000x128xf32, #tpu.memory_space<hbm>> -> memref<1x80xf32, #tpu.memory_space<hbm>>
      %dma_wait3A_305 = tpu.memref_squeeze %dma_wait3A_304 : memref<1x80xf32, #tpu.memory_space<hbm>> -> memref<80xf32, #tpu.memory_space<hbm>>
      tpu.wait_dma2 semaphore(%arg25 : memref<!tpu.dma_semaphore, #tpu.memory_space<semaphore_mem>>) src(%dma_wait3A_305 : memref<80xf32, #tpu.memory_space<hbm>>) dst(%arg18 : memref<80xf32, #tpu.memory_space<vmem>>)
    } else {
    }
    %dma_wait3A_280 = arith.constant 0 : i32
    %dma_wait3A_281 = arith.constant 0 : i32
    %dma_wait3A_282 = tpu.memref_slice %arg2[%dma_wait3A_280, %dma_wait3A_281] : memref<11000x128xf32, #tpu.memory_space<hbm>> -> memref<80x128xf32, #tpu.memory_space<hbm>>
    %dma_wait3A_283 = arith.constant 0 : i32
    %dma_wait3A_284 = arith.constant 0 : i32
    %dma_wait3A_285 = tpu.memref_slice %arg2[%dma_wait3A_283, %dma_wait3A_284] : memref<11000x128xf32, #tpu.memory_space<hbm>> -> memref<80x128xf32, #tpu.memory_space<hbm>>
    tpu.wait_dma2 semaphore(%arg26 : memref<!tpu.dma_semaphore, #tpu.memory_space<semaphore_mem>>) src(%dma_wait3A_285 : memref<80x128xf32, #tpu.memory_space<hbm>>) dst(%arg16 : memref<80x128xf32, #tpu.memory_space<vmem>>)
    %and3A_286 = arith.constant true
    %and3A_287 = arith.andi %eq3A_33, %and3A_286 : i1
    %not3A_288 = arith.constant true
    %not3A_289 = arith.xori %and3A_287, %not3A_288 : i1
    %convert_element_type3A_290 = arith.extui %not3A_289 : i1 to i32
    %cond3A_291 = arith.constant 0 : i32
    %cond3A_292 = arith.cmpi ne, %convert_element_type3A_290, %cond3A_291 : i32
    scf.if %cond3A_292 {
      %dma_wait3A_299 = arith.constant 0 : i32
      %dma_wait3A_300 = arith.constant 0 : i32
      %dma_wait3A_301 = tpu.memref_slice %arg4[%dma_wait3A_299, %dma_wait3A_300] : memref<1000x128xf32, #tpu.memory_space<hbm>> -> memref<1x80xf32, #tpu.memory_space<hbm>>
      %dma_wait3A_302 = tpu.memref_squeeze %dma_wait3A_301 : memref<1x80xf32, #tpu.memory_space<hbm>> -> memref<80xf32, #tpu.memory_space<hbm>>
      %dma_wait3A_303 = arith.constant 0 : i32
      %dma_wait3A_304 = tpu.memref_slice %arg4[%dma_wait3A_299, %dma_wait3A_303] : memref<1000x128xf32, #tpu.memory_space<hbm>> -> memref<1x80xf32, #tpu.memory_space<hbm>>
      %dma_wait3A_305 = tpu.memref_squeeze %dma_wait3A_304 : memref<1x80xf32, #tpu.memory_space<hbm>> -> memref<80xf32, #tpu.memory_space<hbm>>
      tpu.wait_dma2 semaphore(%arg26 : memref<!tpu.dma_semaphore, #tpu.memory_space<semaphore_mem>>) src(%dma_wait3A_305 : memref<80xf32, #tpu.memory_space<hbm>>) dst(%arg18 : memref<80xf32, #tpu.memory_space<vmem>>)
    } else {
    }
    %barrier3A_293 = arith.constant 0 : index
    tpu.barrier barrier_id(%barrier3A_293)
    %lt3A_294 = arith.constant 10 : i32
    %lt3A_295 = arith.cmpi slt, %arg1, %lt3A_294 : i32
    %convert_element_type3A_296 = arith.extui %lt3A_295 : i1 to i32
    %cond3A_297 = arith.constant 0 : i32
    %cond3A_298 = arith.cmpi ne, %convert_element_type3A_296, %cond3A_297 : i32
    scf.if %cond3A_298 {
      %mul3A_299 = arith.constant 1000 : i32
      %mul3A_300 = arith.muli %arg1, %mul3A_299 : i32
      %mul3A_301 = arith.constant 1000 : i32
      %mul3A_302 = arith.muli %arg1, %mul3A_301 : i32
      "tpu.region"() ({
        %run_scoped3A = tpu.sem_alloc : memref<!tpu.dma_semaphore, #tpu.memory_space<semaphore_mem>>
        %dma_start3A_311 = arith.constant 0 : i32
        %dma_start3A_312 = tpu.memref_slice %arg6[%arg0, %mul3A_302, %dma_start3A_311] : memref<2x10000x128xf32, #tpu.memory_space<hbm>> -> memref<1x1000x128xf32, #tpu.memory_space<hbm>>
        %dma_start3A_313 = tpu.memref_squeeze %dma_start3A_312 : memref<1x1000x128xf32, #tpu.memory_space<hbm>> -> memref<1000x128xf32, #tpu.memory_space<hbm>>
        %dma_start3A_314 = arith.constant 0 : i32
        %dma_start3A_315 = tpu.memref_slice %arg20[%mul3A_300, %dma_start3A_314] : memref<10000x128xf32, #tpu.memory_space<vmem_shared>> -> memref<1000x128xf32, #tpu.memory_space<vmem_shared>>
        tpu.enqueue_dma source(%dma_start3A_315 : memref<1000x128xf32, #tpu.memory_space<vmem_shared>>) target(%dma_start3A_313 : memref<1000x128xf32, #tpu.memory_space<hbm>>) target_semaphore(%run_scoped3A : memref<!tpu.dma_semaphore, #tpu.memory_space<semaphore_mem>>)
        %dma_wait3A_316 = arith.constant 0 : i32
        %dma_wait3A_317 = tpu.memref_slice %arg6[%arg0, %mul3A_302, %dma_wait3A_316] : memref<2x10000x128xf32, #tpu.memory_space<hbm>> -> memref<1x1000x128xf32, #tpu.memory_space<hbm>>
        %dma_wait3A_318 = tpu.memref_squeeze %dma_wait3A_317 : memref<1x1000x128xf32, #tpu.memory_space<hbm>> -> memref<1000x128xf32, #tpu.memory_space<hbm>>
        %dma_wait3A_319 = arith.constant 0 : i32
        %dma_wait3A_320 = tpu.memref_slice %arg20[%mul3A_300, %dma_wait3A_319] : memref<10000x128xf32, #tpu.memory_space<vmem_shared>> -> memref<1000x128xf32, #tpu.memory_space<vmem_shared>>
        tpu.wait_dma2 semaphore(%run_scoped3A : memref<!tpu.dma_semaphore, #tpu.memory_space<semaphore_mem>>) src(%dma_wait3A_320 : memref<1000x128xf32, #tpu.memory_space<vmem_shared>>) dst(%dma_wait3A_318 : memref<1000x128xf32, #tpu.memory_space<hbm>>)
        tpu.yield
      }) : () -> ()
      %mul3A_303 = arith.constant 10000 : i32
      %mul3A_304 = arith.muli %arg0, %mul3A_303 : i32
      %mul3A_305 = arith.constant 1000 : i32
      %mul3A_306 = arith.muli %arg1, %mul3A_305 : i32
      %add3A_307 = arith.addi %mul3A_304, %mul3A_306 : i32
      %multiple_of3A_308 = tpu.assume_multiple %add3A_307, 8 : i32
      %mul3A_309 = arith.constant 1000 : i32
      %mul3A_310 = arith.muli %arg1, %mul3A_309 : i32
      "tpu.region"() ({
        %run_scoped3A = tpu.sem_alloc : memref<!tpu.dma_semaphore, #tpu.memory_space<semaphore_mem>>
        %dma_start3A_311 = tpu.memref_slice %arg21[%mul3A_310] : memref<10000xf32, #tpu.memory_space<vmem_shared>> -> memref<1000xf32, #tpu.memory_space<vmem_shared>>
        %dma_start3A_312 = tpu.memref_slice %arg21[%mul3A_310] : memref<10000xf32, #tpu.memory_space<vmem_shared>> -> memref<1000xf32, #tpu.memory_space<vmem_shared>>
        tpu.enqueue_dma source(%dma_start3A_312 : memref<1000xf32, #tpu.memory_space<vmem_shared>>) target(%arg19 : memref<1000xf32, #tpu.memory_space<vmem>>) target_semaphore(%run_scoped3A : memref<!tpu.dma_semaphore, #tpu.memory_space<semaphore_mem>>)
        %dma_wait3A_313 = tpu.memref_slice %arg21[%mul3A_310] : memref<10000xf32, #tpu.memory_space<vmem_shared>> -> memref<1000xf32, #tpu.memory_space<vmem_shared>>
        %dma_wait3A_314 = tpu.memref_slice %arg21[%mul3A_310] : memref<10000xf32, #tpu.memory_space<vmem_shared>> -> memref<1000xf32, #tpu.memory_space<vmem_shared>>
        tpu.wait_dma2 semaphore(%run_scoped3A : memref<!tpu.dma_semaphore, #tpu.memory_space<semaphore_mem>>) src(%dma_wait3A_314 : memref<1000xf32, #tpu.memory_space<vmem_shared>>) dst(%arg19 : memref<1000xf32, #tpu.memory_space<vmem>>)
        tpu.yield
      }) : () -> ()
      "tpu.region"() ({
        %run_scoped3A = tpu.sem_alloc : memref<!tpu.dma_semaphore, #tpu.memory_space<semaphore_mem>>
        %dma_start3A_311 = tpu.memref_slice %arg7[%multiple_of3A_308] : memref<20000xf32, #tpu.memory_space<hbm>> -> memref<1000xf32, #tpu.memory_space<hbm>>
        %dma_start3A_312 = tpu.memref_slice %arg7[%multiple_of3A_308] : memref<20000xf32, #tpu.memory_space<hbm>> -> memref<1000xf32, #tpu.memory_space<hbm>>
        tpu.enqueue_dma source(%arg19 : memref<1000xf32, #tpu.memory_space<vmem>>) target(%dma_start3A_312 : memref<1000xf32, #tpu.memory_space<hbm>>) target_semaphore(%run_scoped3A : memref<!tpu.dma_semaphore, #tpu.memory_space<semaphore_mem>>)
        %dma_wait3A_313 = tpu.memref_slice %arg7[%multiple_of3A_308] : memref<20000xf32, #tpu.memory_space<hbm>> -> memref<1000xf32, #tpu.memory_space<hbm>>
        %dma_wait3A_314 = tpu.memref_slice %arg7[%multiple_of3A_308] : memref<20000xf32, #tpu.memory_space<hbm>> -> memref<1000xf32, #tpu.memory_space<hbm>>
        tpu.wait_dma2 semaphore(%run_scoped3A : memref<!tpu.dma_semaphore, #tpu.memory_space<semaphore_mem>>) src(%arg19 : memref<1000xf32, #tpu.memory_space<vmem>>) dst(%dma_wait3A_314 : memref<1000xf32, #tpu.memory_space<hbm>>)
        tpu.yield
      }) : () -> ()
    } else {
    }
    return
  }
}

#map = affine_map<(d0, d1) -> (0, 0)>
#map1 = affine_map<(d0, d1) -> (0)>
#map2 = affine_map<(d0, d1) -> (0, 0, 0)>
module attributes {stable_mosaic.version = 14 : i64} {
  func.func @_sc_agg_body(%arg0: i32, %arg1: i32, %arg2: memref<11000x128xf32, #tpu.memory_space<hbm>>, %arg3: memref<327680xi32, #tpu.memory_space<hbm>>, %arg4: memref<1000x128xf32, #tpu.memory_space<hbm>>, %arg5: memref<2x10000x128xf32, #tpu.memory_space<hbm>>, %arg6: memref<10240xi32, #tpu.memory_space<vmem>>, %arg7: memref<80xi32, #tpu.memory_space<vmem>>, %arg8: memref<80xi32, #tpu.memory_space<vmem>>, %arg9: memref<80xi32, #tpu.memory_space<vmem>>, %arg10: memref<80xi32, #tpu.memory_space<vmem>>, %arg11: memref<80xi32, #tpu.memory_space<vmem>>, %arg12: memref<80xi32, #tpu.memory_space<vmem>>, %arg13: memref<80x128xf32, #tpu.memory_space<vmem>>, %arg14: memref<80x128xf32, #tpu.memory_space<vmem>>, %arg15: memref<80x128xf32, #tpu.memory_space<vmem>>, %arg16: memref<10000x128xf32, #tpu.memory_space<vmem_shared>>, %arg17: memref<!tpu.dma_semaphore, #tpu.memory_space<semaphore_mem>>, %arg18: memref<!tpu.dma_semaphore, #tpu.memory_space<semaphore_mem>>, %arg19: memref<!tpu.dma_semaphore, #tpu.memory_space<semaphore_mem>>, %arg20: memref<!tpu.dma_semaphore, #tpu.memory_space<semaphore_mem>>, %arg21: memref<!tpu.dma_semaphore, #tpu.memory_space<semaphore_mem>>, %arg22: memref<!tpu.dma_semaphore, #tpu.memory_space<semaphore_mem>>) attributes {dimension_semantics = [#tpu.dimension_semantics<core_parallel>, #tpu.dimension_semantics<subcore_parallel>], iteration_bounds = array<i64: 2, 16>, scalar_prefetch = 0 : i64, scratch_operands = 17 : i64, tpu.core_type = #tpu.core_type<sc_vector_subcore>, window_params = [{transform_indices = #map}, {transform_indices = #map1}, {transform_indices = #map}, {transform_indices = #map2}]} {
    %mul3A = arith.constant 16 : i32
    %mul3A_0 = arith.muli %arg0, %mul3A : i32
    %add3A = arith.addi %mul3A_0, %arg1 : i32
    %lt3A = arith.constant 10 : i32
    %lt3A_1 = arith.cmpi slt, %arg1, %lt3A : i32
    %convert_element_type3A = arith.extui %lt3A_1 : i1 to i32
    %cond3A = arith.constant 0 : i32
    %cond3A_2 = arith.cmpi ne, %convert_element_type3A, %cond3A : i32
    scf.if %cond3A_2 {
      %mul3A_229 = arith.constant 1000 : i32
      %mul3A_230 = arith.muli %arg1, %mul3A_229 : i32
      "tpu.region"() ({
        %run_scoped3A = tpu.sem_alloc : memref<!tpu.dma_semaphore, #tpu.memory_space<semaphore_mem>>
        %dma_start3A_231 = arith.constant 0 : i32
        %dma_start3A_232 = tpu.memref_slice %arg16[%mul3A_230, %dma_start3A_231] : memref<10000x128xf32, #tpu.memory_space<vmem_shared>> -> memref<1000x128xf32, #tpu.memory_space<vmem_shared>>
        tpu.enqueue_dma source(%arg4 : memref<1000x128xf32, #tpu.memory_space<hbm>>) target(%dma_start3A_232 : memref<1000x128xf32, #tpu.memory_space<vmem_shared>>) target_semaphore(%run_scoped3A : memref<!tpu.dma_semaphore, #tpu.memory_space<semaphore_mem>>)
        %dma_wait3A_233 = arith.constant 0 : i32
        %dma_wait3A_234 = tpu.memref_slice %arg16[%mul3A_230, %dma_wait3A_233] : memref<10000x128xf32, #tpu.memory_space<vmem_shared>> -> memref<1000x128xf32, #tpu.memory_space<vmem_shared>>
        tpu.wait_dma2 semaphore(%run_scoped3A : memref<!tpu.dma_semaphore, #tpu.memory_space<semaphore_mem>>) src(%arg4 : memref<1000x128xf32, #tpu.memory_space<hbm>>) dst(%dma_wait3A_234 : memref<1000x128xf32, #tpu.memory_space<vmem_shared>>)
        tpu.yield
      }) : () -> ()
    } else {
    }
    %mul3A_3 = arith.constant 10240 : i32
    %mul3A_4 = arith.muli %add3A, %mul3A_3 : i32
    %multiple_of3A = tpu.assume_multiple %mul3A_4, 8 : i32
    "tpu.region"() ({
      %run_scoped3A = tpu.sem_alloc : memref<!tpu.dma_semaphore, #tpu.memory_space<semaphore_mem>>
      %dma_start3A_229 = tpu.memref_slice %arg3[%multiple_of3A] : memref<327680xi32, #tpu.memory_space<hbm>> -> memref<10240xi32, #tpu.memory_space<hbm>>
      %dma_start3A_230 = tpu.memref_slice %arg3[%multiple_of3A] : memref<327680xi32, #tpu.memory_space<hbm>> -> memref<10240xi32, #tpu.memory_space<hbm>>
      tpu.enqueue_dma source(%dma_start3A_230 : memref<10240xi32, #tpu.memory_space<hbm>>) target(%arg6 : memref<10240xi32, #tpu.memory_space<vmem>>) target_semaphore(%run_scoped3A : memref<!tpu.dma_semaphore, #tpu.memory_space<semaphore_mem>>)
      %dma_wait3A_231 = tpu.memref_slice %arg3[%multiple_of3A] : memref<327680xi32, #tpu.memory_space<hbm>> -> memref<10240xi32, #tpu.memory_space<hbm>>
      %dma_wait3A_232 = tpu.memref_slice %arg3[%multiple_of3A] : memref<327680xi32, #tpu.memory_space<hbm>> -> memref<10240xi32, #tpu.memory_space<hbm>>
      tpu.wait_dma2 semaphore(%run_scoped3A : memref<!tpu.dma_semaphore, #tpu.memory_space<semaphore_mem>>) src(%dma_wait3A_232 : memref<10240xi32, #tpu.memory_space<hbm>>) dst(%arg6 : memref<10240xi32, #tpu.memory_space<vmem>>)
      tpu.yield
    }) : () -> ()
    %barrier3A = arith.constant 0 : index
    tpu.barrier barrier_id(%barrier3A)
    %eq3A = arith.constant 31 : i32
    %eq3A_5 = arith.cmpi eq, %add3A, %eq3A : i32
    %get3A = arith.constant 0 : index
    %get3A_6 = tpu.vector_load %arg6[%get3A] {strides = array<i32>} : memref<10240xi32, #tpu.memory_space<vmem>>, vector<16xi32>,
    %get3A_7 = vector.shape_cast %get3A_6 : vector<16xi32> to vector<16xi32>
    %and3A = arith.constant 65535 : i32
    %and3A_8 = vector.broadcast %and3A : i32 to vector<16xi32>
    %and3A_9 = arith.andi %get3A_7, %and3A_8 : vector<16xi32>
    %swap3A = arith.constant 0 : index
    %swap3A_10 = tpu.vector_load %arg7[%swap3A] {strides = array<i32>} : memref<80xi32, #tpu.memory_space<vmem>>, vector<16xi32>,
    %swap3A_11 = vector.shape_cast %swap3A_10 : vector<16xi32> to vector<16xi32>
    %swap3A_12 = vector.shape_cast %and3A_9 : vector<16xi32> to vector<16xi32>
    tpu.vector_store %arg7[%swap3A], %swap3A_12 {strides = array<i32>} : memref<80xi32, #tpu.memory_space<vmem>>, vector<16xi32>,
    %shift_right_logical3A = arith.constant 16 : i32
    %shift_right_logical3A_13 = vector.broadcast %shift_right_logical3A : i32 to vector<16xi32>
    %shift_right_logical3A_14 = arith.shrui %get3A_7, %shift_right_logical3A_13 : vector<16xi32>
    %swap3A_15 = arith.constant 0 : index
    %swap3A_16 = tpu.vector_load %arg10[%swap3A_15] {strides = array<i32>} : memref<80xi32, #tpu.memory_space<vmem>>, vector<16xi32>,
    %swap3A_17 = vector.shape_cast %swap3A_16 : vector<16xi32> to vector<16xi32>
    %swap3A_18 = vector.shape_cast %shift_right_logical3A_14 : vector<16xi32> to vector<16xi32>
    tpu.vector_store %arg10[%swap3A_15], %swap3A_18 {strides = array<i32>} : memref<80xi32, #tpu.memory_space<vmem>>, vector<16xi32>,
    %get3A_19 = arith.constant 16 : index
    %get3A_20 = tpu.vector_load %arg6[%get3A_19] {strides = array<i32>} : memref<10240xi32, #tpu.memory_space<vmem>>, vector<16xi32>,
    %get3A_21 = vector.shape_cast %get3A_20 : vector<16xi32> to vector<16xi32>
    %and3A_22 = arith.constant 65535 : i32
    %and3A_23 = vector.broadcast %and3A_22 : i32 to vector<16xi32>
    %and3A_24 = arith.andi %get3A_21, %and3A_23 : vector<16xi32>
    %swap3A_25 = arith.constant 16 : index
    %swap3A_26 = tpu.vector_load %arg7[%swap3A_25] {strides = array<i32>} : memref<80xi32, #tpu.memory_space<vmem>>, vector<16xi32>,
    %swap3A_27 = vector.shape_cast %swap3A_26 : vector<16xi32> to vector<16xi32>
    %swap3A_28 = vector.shape_cast %and3A_24 : vector<16xi32> to vector<16xi32>
    tpu.vector_store %arg7[%swap3A_25], %swap3A_28 {strides = array<i32>} : memref<80xi32, #tpu.memory_space<vmem>>, vector<16xi32>,
    %shift_right_logical3A_29 = arith.constant 16 : i32
    %shift_right_logical3A_30 = vector.broadcast %shift_right_logical3A_29 : i32 to vector<16xi32>
    %shift_right_logical3A_31 = arith.shrui %get3A_21, %shift_right_logical3A_30 : vector<16xi32>
    %swap3A_32 = arith.constant 16 : index
    %swap3A_33 = tpu.vector_load %arg10[%swap3A_32] {strides = array<i32>} : memref<80xi32, #tpu.memory_space<vmem>>, vector<16xi32>,
    %swap3A_34 = vector.shape_cast %swap3A_33 : vector<16xi32> to vector<16xi32>
    %swap3A_35 = vector.shape_cast %shift_right_logical3A_31 : vector<16xi32> to vector<16xi32>
    tpu.vector_store %arg10[%swap3A_32], %swap3A_35 {strides = array<i32>} : memref<80xi32, #tpu.memory_space<vmem>>, vector<16xi32>,
    %get3A_36 = arith.constant 32 : index
    %get3A_37 = tpu.vector_load %arg6[%get3A_36] {strides = array<i32>} : memref<10240xi32, #tpu.memory_space<vmem>>, vector<16xi32>,
    %get3A_38 = vector.shape_cast %get3A_37 : vector<16xi32> to vector<16xi32>
    %and3A_39 = arith.constant 65535 : i32
    %and3A_40 = vector.broadcast %and3A_39 : i32 to vector<16xi32>
    %and3A_41 = arith.andi %get3A_38, %and3A_40 : vector<16xi32>
    %swap3A_42 = arith.constant 32 : index
    %swap3A_43 = tpu.vector_load %arg7[%swap3A_42] {strides = array<i32>} : memref<80xi32, #tpu.memory_space<vmem>>, vector<16xi32>,
    %swap3A_44 = vector.shape_cast %swap3A_43 : vector<16xi32> to vector<16xi32>
    %swap3A_45 = vector.shape_cast %and3A_41 : vector<16xi32> to vector<16xi32>
    tpu.vector_store %arg7[%swap3A_42], %swap3A_45 {strides = array<i32>} : memref<80xi32, #tpu.memory_space<vmem>>, vector<16xi32>,
    %shift_right_logical3A_46 = arith.constant 16 : i32
    %shift_right_logical3A_47 = vector.broadcast %shift_right_logical3A_46 : i32 to vector<16xi32>
    %shift_right_logical3A_48 = arith.shrui %get3A_38, %shift_right_logical3A_47 : vector<16xi32>
    %swap3A_49 = arith.constant 32 : index
    %swap3A_50 = tpu.vector_load %arg10[%swap3A_49] {strides = array<i32>} : memref<80xi32, #tpu.memory_space<vmem>>, vector<16xi32>,
    %swap3A_51 = vector.shape_cast %swap3A_50 : vector<16xi32> to vector<16xi32>
    %swap3A_52 = vector.shape_cast %shift_right_logical3A_48 : vector<16xi32> to vector<16xi32>
    tpu.vector_store %arg10[%swap3A_49], %swap3A_52 {strides = array<i32>} : memref<80xi32, #tpu.memory_space<vmem>>, vector<16xi32>,
    %get3A_53 = arith.constant 48 : index
    %get3A_54 = tpu.vector_load %arg6[%get3A_53] {strides = array<i32>} : memref<10240xi32, #tpu.memory_space<vmem>>, vector<16xi32>,
    %get3A_55 = vector.shape_cast %get3A_54 : vector<16xi32> to vector<16xi32>
    %and3A_56 = arith.constant 65535 : i32
    %and3A_57 = vector.broadcast %and3A_56 : i32 to vector<16xi32>
    %and3A_58 = arith.andi %get3A_55, %and3A_57 : vector<16xi32>
    %swap3A_59 = arith.constant 48 : index
    %swap3A_60 = tpu.vector_load %arg7[%swap3A_59] {strides = array<i32>} : memref<80xi32, #tpu.memory_space<vmem>>, vector<16xi32>,
    %swap3A_61 = vector.shape_cast %swap3A_60 : vector<16xi32> to vector<16xi32>
    %swap3A_62 = vector.shape_cast %and3A_58 : vector<16xi32> to vector<16xi32>
    tpu.vector_store %arg7[%swap3A_59], %swap3A_62 {strides = array<i32>} : memref<80xi32, #tpu.memory_space<vmem>>, vector<16xi32>,
    %shift_right_logical3A_63 = arith.constant 16 : i32
    %shift_right_logical3A_64 = vector.broadcast %shift_right_logical3A_63 : i32 to vector<16xi32>
    %shift_right_logical3A_65 = arith.shrui %get3A_55, %shift_right_logical3A_64 : vector<16xi32>
    %swap3A_66 = arith.constant 48 : index
    %swap3A_67 = tpu.vector_load %arg10[%swap3A_66] {strides = array<i32>} : memref<80xi32, #tpu.memory_space<vmem>>, vector<16xi32>,
    %swap3A_68 = vector.shape_cast %swap3A_67 : vector<16xi32> to vector<16xi32>
    %swap3A_69 = vector.shape_cast %shift_right_logical3A_65 : vector<16xi32> to vector<16xi32>
    tpu.vector_store %arg10[%swap3A_66], %swap3A_69 {strides = array<i32>} : memref<80xi32, #tpu.memory_space<vmem>>, vector<16xi32>,
    %get3A_70 = arith.constant 64 : index
    %get3A_71 = tpu.vector_load %arg6[%get3A_70] {strides = array<i32>} : memref<10240xi32, #tpu.memory_space<vmem>>, vector<16xi32>,
    %get3A_72 = vector.shape_cast %get3A_71 : vector<16xi32> to vector<16xi32>
    %and3A_73 = arith.constant 65535 : i32
    %and3A_74 = vector.broadcast %and3A_73 : i32 to vector<16xi32>
    %and3A_75 = arith.andi %get3A_72, %and3A_74 : vector<16xi32>
    %swap3A_76 = arith.constant 64 : index
    %swap3A_77 = tpu.vector_load %arg7[%swap3A_76] {strides = array<i32>} : memref<80xi32, #tpu.memory_space<vmem>>, vector<16xi32>,
    %swap3A_78 = vector.shape_cast %swap3A_77 : vector<16xi32> to vector<16xi32>
    %swap3A_79 = vector.shape_cast %and3A_75 : vector<16xi32> to vector<16xi32>
    tpu.vector_store %arg7[%swap3A_76], %swap3A_79 {strides = array<i32>} : memref<80xi32, #tpu.memory_space<vmem>>, vector<16xi32>,
    %shift_right_logical3A_80 = arith.constant 16 : i32
    %shift_right_logical3A_81 = vector.broadcast %shift_right_logical3A_80 : i32 to vector<16xi32>
    %shift_right_logical3A_82 = arith.shrui %get3A_72, %shift_right_logical3A_81 : vector<16xi32>
    %swap3A_83 = arith.constant 64 : index
    %swap3A_84 = tpu.vector_load %arg10[%swap3A_83] {strides = array<i32>} : memref<80xi32, #tpu.memory_space<vmem>>, vector<16xi32>,
    %swap3A_85 = vector.shape_cast %swap3A_84 : vector<16xi32> to vector<16xi32>
    %swap3A_86 = vector.shape_cast %shift_right_logical3A_82 : vector<16xi32> to vector<16xi32>
    tpu.vector_store %arg10[%swap3A_83], %swap3A_86 {strides = array<i32>} : memref<80xi32, #tpu.memory_space<vmem>>, vector<16xi32>,
    %dma_start3A = arith.constant 0 : i32
    %dma_start3A_87 = arith.constant 0 : i32
    %dma_start3A_88 = tpu.memref_slice %arg2[%dma_start3A, %dma_start3A_87] : memref<11000x128xf32, #tpu.memory_space<hbm>> -> memref<11000x128xf32, #tpu.memory_space<hbm>>
    tpu.enqueue_indirect_dma source(%dma_start3A_88 : memref<11000x128xf32, #tpu.memory_space<hbm>>) target(%arg13 : memref<80x128xf32, #tpu.memory_space<vmem>>) offsets(%arg7 : memref<80xi32, #tpu.memory_space<vmem>>) semaphore(%arg17 : memref<!tpu.dma_semaphore, #tpu.memory_space<semaphore_mem>>)
    %scan3A = arith.constant 0 : i32
    %scan3A_89 = arith.constant 0 : i32
    %scan3A_90 = arith.constant 42 : i32
    %scan3A_91 = arith.addi %scan3A_89, %scan3A_90 : i32
    %scan3A_92 = arith.constant 1 : i32
    scf.for %scan3A_229 = %scan3A_89 to %scan3A_91 step %scan3A_92  : i32 {
      %mul3A_230 = arith.constant 3 : i32
      %mul3A_231 = arith.muli %mul3A_230, %scan3A_229 : i32
      %add3A_232 = arith.constant 0 : i32
      %add3A_233 = arith.addi %mul3A_231, %add3A_232 : i32
      %ge3A = arith.constant 2 : i32
      %ge3A_234 = arith.cmpi sge, %add3A_233, %ge3A : i32
      %convert_element_type3A_235 = arith.extui %ge3A_234 : i1 to i32
      %cond3A_236 = arith.constant 0 : i32
      %cond3A_237 = arith.cmpi ne, %convert_element_type3A_235, %cond3A_236 : i32
      scf.if %cond3A_237 {
        %sub3A = arith.constant 2 : i32
        %sub3A_589 = arith.subi %add3A_233, %sub3A : i32
        %dma_wait3A_590 = arith.constant 0 : i32
        %dma_wait3A_591 = arith.constant 0 : i32
        %dma_wait3A_592 = tpu.memref_slice %arg2[%dma_wait3A_590, %dma_wait3A_591] : memref<11000x128xf32, #tpu.memory_space<hbm>> -> memref<80x128xf32, #tpu.memory_space<hbm>>
        %dma_wait3A_593 = arith.constant 0 : i32
        %dma_wait3A_594 = arith.constant 0 : i32
        %dma_wait3A_595 = tpu.memref_slice %arg2[%dma_wait3A_593, %dma_wait3A_594] : memref<11000x128xf32, #tpu.memory_space<hbm>> -> memref<80x128xf32, #tpu.memory_space<hbm>>
        tpu.wait_dma2 semaphore(%arg21 : memref<!tpu.dma_semaphore, #tpu.memory_space<semaphore_mem>>) src(%dma_wait3A_595 : memref<80x128xf32, #tpu.memory_space<hbm>>) dst(%arg14 : memref<80x128xf32, #tpu.memory_space<vmem>>)
      } else {
      }
      %add3A_238 = arith.constant 1 : i32
      %add3A_239 = arith.addi %add3A_233, %add3A_238 : i32
      %mul3A_240 = arith.constant 80 : i32
      %mul3A_241 = arith.muli %add3A_239, %mul3A_240 : i32
      %add3A_242 = arith.constant 0 : i32
      %add3A_243 = arith.addi %mul3A_241, %add3A_242 : i32
      %get3A_244 = arith.index_cast %add3A_243 : i32 to index
      %get3A_245 = tpu.vector_load %arg6[%get3A_244] {strides = array<i32>} : memref<10240xi32, #tpu.memory_space<vmem>>, vector<16xi32>,
      %get3A_246 = vector.shape_cast %get3A_245 : vector<16xi32> to vector<16xi32>
      %and3A_247 = arith.constant 65535 : i32
      %and3A_248 = vector.broadcast %and3A_247 : i32 to vector<16xi32>
      %and3A_249 = arith.andi %get3A_246, %and3A_248 : vector<16xi32>
      %swap3A_250 = arith.constant 0 : index
      %swap3A_251 = tpu.vector_load %arg8[%swap3A_250] {strides = array<i32>} : memref<80xi32, #tpu.memory_space<vmem>>, vector<16xi32>,
      %swap3A_252 = vector.shape_cast %swap3A_251 : vector<16xi32> to vector<16xi32>
      %swap3A_253 = vector.shape_cast %and3A_249 : vector<16xi32> to vector<16xi32>
      tpu.vector_store %arg8[%swap3A_250], %swap3A_253 {strides = array<i32>} : memref<80xi32, #tpu.memory_space<vmem>>, vector<16xi32>,
      %shift_right_logical3A_254 = arith.constant 16 : i32
      %shift_right_logical3A_255 = vector.broadcast %shift_right_logical3A_254 : i32 to vector<16xi32>
      %shift_right_logical3A_256 = arith.shrui %get3A_246, %shift_right_logical3A_255 : vector<16xi32>
      %swap3A_257 = arith.constant 0 : index
      %swap3A_258 = tpu.vector_load %arg11[%swap3A_257] {strides = array<i32>} : memref<80xi32, #tpu.memory_space<vmem>>, vector<16xi32>,
      %swap3A_259 = vector.shape_cast %swap3A_258 : vector<16xi32> to vector<16xi32>
      %swap3A_260 = vector.shape_cast %shift_right_logical3A_256 : vector<16xi32> to vector<16xi32>
      tpu.vector_store %arg11[%swap3A_257], %swap3A_260 {strides = array<i32>} : memref<80xi32, #tpu.memory_space<vmem>>, vector<16xi32>,
      %add3A_261 = arith.constant 16 : i32
      %add3A_262 = arith.addi %mul3A_241, %add3A_261 : i32
      %get3A_263 = arith.index_cast %add3A_262 : i32 to index
      %get3A_264 = tpu.vector_load %arg6[%get3A_263] {strides = array<i32>} : memref<10240xi32, #tpu.memory_space<vmem>>, vector<16xi32>,
      %get3A_265 = vector.shape_cast %get3A_264 : vector<16xi32> to vector<16xi32>
      %and3A_266 = arith.constant 65535 : i32
      %and3A_267 = vector.broadcast %and3A_266 : i32 to vector<16xi32>
      %and3A_268 = arith.andi %get3A_265, %and3A_267 : vector<16xi32>
      %swap3A_269 = arith.constant 16 : index
      %swap3A_270 = tpu.vector_load %arg8[%swap3A_269] {strides = array<i32>} : memref<80xi32, #tpu.memory_space<vmem>>, vector<16xi32>,
      %swap3A_271 = vector.shape_cast %swap3A_270 : vector<16xi32> to vector<16xi32>
      %swap3A_272 = vector.shape_cast %and3A_268 : vector<16xi32> to vector<16xi32>
      tpu.vector_store %arg8[%swap3A_269], %swap3A_272 {strides = array<i32>} : memref<80xi32, #tpu.memory_space<vmem>>, vector<16xi32>,
      %shift_right_logical3A_273 = arith.constant 16 : i32
      %shift_right_logical3A_274 = vector.broadcast %shift_right_logical3A_273 : i32 to vector<16xi32>
      %shift_right_logical3A_275 = arith.shrui %get3A_265, %shift_right_logical3A_274 : vector<16xi32>
      %swap3A_276 = arith.constant 16 : index
      %swap3A_277 = tpu.vector_load %arg11[%swap3A_276] {strides = array<i32>} : memref<80xi32, #tpu.memory_space<vmem>>, vector<16xi32>,
      %swap3A_278 = vector.shape_cast %swap3A_277 : vector<16xi32> to vector<16xi32>
      %swap3A_279 = vector.shape_cast %shift_right_logical3A_275 : vector<16xi32> to vector<16xi32>
      tpu.vector_store %arg11[%swap3A_276], %swap3A_279 {strides = array<i32>} : memref<80xi32, #tpu.memory_space<vmem>>, vector<16xi32>,
      %add3A_280 = arith.constant 32 : i32
      %add3A_281 = arith.addi %mul3A_241, %add3A_280 : i32
      %get3A_282 = arith.index_cast %add3A_281 : i32 to index
      %get3A_283 = tpu.vector_load %arg6[%get3A_282] {strides = array<i32>} : memref<10240xi32, #tpu.memory_space<vmem>>, vector<16xi32>,
      %get3A_284 = vector.shape_cast %get3A_283 : vector<16xi32> to vector<16xi32>
      %and3A_285 = arith.constant 65535 : i32
      %and3A_286 = vector.broadcast %and3A_285 : i32 to vector<16xi32>
      %and3A_287 = arith.andi %get3A_284, %and3A_286 : vector<16xi32>
      %swap3A_288 = arith.constant 32 : index
      %swap3A_289 = tpu.vector_load %arg8[%swap3A_288] {strides = array<i32>} : memref<80xi32, #tpu.memory_space<vmem>>, vector<16xi32>,
      %swap3A_290 = vector.shape_cast %swap3A_289 : vector<16xi32> to vector<16xi32>
      %swap3A_291 = vector.shape_cast %and3A_287 : vector<16xi32> to vector<16xi32>
      tpu.vector_store %arg8[%swap3A_288], %swap3A_291 {strides = array<i32>} : memref<80xi32, #tpu.memory_space<vmem>>, vector<16xi32>,
      %shift_right_logical3A_292 = arith.constant 16 : i32
      %shift_right_logical3A_293 = vector.broadcast %shift_right_logical3A_292 : i32 to vector<16xi32>
      %shift_right_logical3A_294 = arith.shrui %get3A_284, %shift_right_logical3A_293 : vector<16xi32>
      %swap3A_295 = arith.constant 32 : index
      %swap3A_296 = tpu.vector_load %arg11[%swap3A_295] {strides = array<i32>} : memref<80xi32, #tpu.memory_space<vmem>>, vector<16xi32>,
      %swap3A_297 = vector.shape_cast %swap3A_296 : vector<16xi32> to vector<16xi32>
      %swap3A_298 = vector.shape_cast %shift_right_logical3A_294 : vector<16xi32> to vector<16xi32>
      tpu.vector_store %arg11[%swap3A_295], %swap3A_298 {strides = array<i32>} : memref<80xi32, #tpu.memory_space<vmem>>, vector<16xi32>,
      %add3A_299 = arith.constant 48 : i32
      %add3A_300 = arith.addi %mul3A_241, %add3A_299 : i32
      %get3A_301 = arith.index_cast %add3A_300 : i32 to index
      %get3A_302 = tpu.vector_load %arg6[%get3A_301] {strides = array<i32>} : memref<10240xi32, #tpu.memory_space<vmem>>, vector<16xi32>,
      %get3A_303 = vector.shape_cast %get3A_302 : vector<16xi32> to vector<16xi32>
      %and3A_304 = arith.constant 65535 : i32
      %and3A_305 = vector.broadcast %and3A_304 : i32 to vector<16xi32>
      %and3A_306 = arith.andi %get3A_303, %and3A_305 : vector<16xi32>
      %swap3A_307 = arith.constant 48 : index
      %swap3A_308 = tpu.vector_load %arg8[%swap3A_307] {strides = array<i32>} : memref<80xi32, #tpu.memory_space<vmem>>, vector<16xi32>,
      %swap3A_309 = vector.shape_cast %swap3A_308 : vector<16xi32> to vector<16xi32>
      %swap3A_310 = vector.shape_cast %and3A_306 : vector<16xi32> to vector<16xi32>
      tpu.vector_store %arg8[%swap3A_307], %swap3A_310 {strides = array<i32>} : memref<80xi32, #tpu.memory_space<vmem>>, vector<16xi32>,
      %shift_right_logical3A_311 = arith.constant 16 : i32
      %shift_right_logical3A_312 = vector.broadcast %shift_right_logical3A_311 : i32 to vector<16xi32>
      %shift_right_logical3A_313 = arith.shrui %get3A_303, %shift_right_logical3A_312 : vector<16xi32>
      %swap3A_314 = arith.constant 48 : index
      %swap3A_315 = tpu.vector_load %arg11[%swap3A_314] {strides = array<i32>} : memref<80xi32, #tpu.memory_space<vmem>>, vector<16xi32>,
      %swap3A_316 = vector.shape_cast %swap3A_315 : vector<16xi32> to vector<16xi32>
      %swap3A_317 = vector.shape_cast %shift_right_logical3A_313 : vector<16xi32> to vector<16xi32>
      tpu.vector_store %arg11[%swap3A_314], %swap3A_317 {strides = array<i32>} : memref<80xi32, #tpu.memory_space<vmem>>, vector<16xi32>,
      %add3A_318 = arith.constant 64 : i32
      %add3A_319 = arith.addi %mul3A_241, %add3A_318 : i32
      %get3A_320 = arith.index_cast %add3A_319 : i32 to index
      %get3A_321 = tpu.vector_load %arg6[%get3A_320] {strides = array<i32>} : memref<10240xi32, #tpu.memory_space<vmem>>, vector<16xi32>,
      %get3A_322 = vector.shape_cast %get3A_321 : vector<16xi32> to vector<16xi32>
      %and3A_323 = arith.constant 65535 : i32
      %and3A_324 = vector.broadcast %and3A_323 : i32 to vector<16xi32>
      %and3A_325 = arith.andi %get3A_322, %and3A_324 : vector<16xi32>
      %swap3A_326 = arith.constant 64 : index
      %swap3A_327 = tpu.vector_load %arg8[%swap3A_326] {strides = array<i32>} : memref<80xi32, #tpu.memory_space<vmem>>, vector<16xi32>,
      %swap3A_328 = vector.shape_cast %swap3A_327 : vector<16xi32> to vector<16xi32>
      %swap3A_329 = vector.shape_cast %and3A_325 : vector<16xi32> to vector<16xi32>
      tpu.vector_store %arg8[%swap3A_326], %swap3A_329 {strides = array<i32>} : memref<80xi32, #tpu.memory_space<vmem>>, vector<16xi32>,
      %shift_right_logical3A_330 = arith.constant 16 : i32
      %shift_right_logical3A_331 = vector.broadcast %shift_right_logical3A_330 : i32 to vector<16xi32>
      %shift_right_logical3A_332 = arith.shrui %get3A_322, %shift_right_logical3A_331 : vector<16xi32>
      %swap3A_333 = arith.constant 64 : index
      %swap3A_334 = tpu.vector_load %arg11[%swap3A_333] {strides = array<i32>} : memref<80xi32, #tpu.memory_space<vmem>>, vector<16xi32>,
      %swap3A_335 = vector.shape_cast %swap3A_334 : vector<16xi32> to vector<16xi32>
      %swap3A_336 = vector.shape_cast %shift_right_logical3A_332 : vector<16xi32> to vector<16xi32>
      tpu.vector_store %arg11[%swap3A_333], %swap3A_336 {strides = array<i32>} : memref<80xi32, #tpu.memory_space<vmem>>, vector<16xi32>,
      %dma_start3A_337 = arith.constant 0 : i32
      %dma_start3A_338 = arith.constant 0 : i32
      %dma_start3A_339 = tpu.memref_slice %arg2[%dma_start3A_337, %dma_start3A_338] : memref<11000x128xf32, #tpu.memory_space<hbm>> -> memref<11000x128xf32, #tpu.memory_space<hbm>>
      tpu.enqueue_indirect_dma source(%dma_start3A_339 : memref<11000x128xf32, #tpu.memory_space<hbm>>) target(%arg14 : memref<80x128xf32, #tpu.memory_space<vmem>>) offsets(%arg8 : memref<80xi32, #tpu.memory_space<vmem>>) semaphore(%arg18 : memref<!tpu.dma_semaphore, #tpu.memory_space<semaphore_mem>>)
      %dma_wait3A_340 = arith.constant 0 : i32
      %dma_wait3A_341 = arith.constant 0 : i32
      %dma_wait3A_342 = tpu.memref_slice %arg2[%dma_wait3A_340, %dma_wait3A_341] : memref<11000x128xf32, #tpu.memory_space<hbm>> -> memref<80x128xf32, #tpu.memory_space<hbm>>
      %dma_wait3A_343 = arith.constant 0 : i32
      %dma_wait3A_344 = arith.constant 0 : i32
      %dma_wait3A_345 = tpu.memref_slice %arg2[%dma_wait3A_343, %dma_wait3A_344] : memref<11000x128xf32, #tpu.memory_space<hbm>> -> memref<80x128xf32, #tpu.memory_space<hbm>>
      tpu.wait_dma2 semaphore(%arg17 : memref<!tpu.dma_semaphore, #tpu.memory_space<semaphore_mem>>) src(%dma_wait3A_345 : memref<80x128xf32, #tpu.memory_space<hbm>>) dst(%arg13 : memref<80x128xf32, #tpu.memory_space<vmem>>)
      %dma_start3A_346 = arith.constant 0 : i32
      %dma_start3A_347 = arith.constant 0 : i32
      %dma_start3A_348 = tpu.memref_slice %arg16[%dma_start3A_346, %dma_start3A_347] : memref<10000x128xf32, #tpu.memory_space<vmem_shared>> -> memref<10000x128xf32, #tpu.memory_space<vmem_shared>>
      tpu.enqueue_indirect_dma source(%arg13 : memref<80x128xf32, #tpu.memory_space<vmem>>) target(%dma_start3A_348 : memref<10000x128xf32, #tpu.memory_space<vmem_shared>>) offsets(%arg10 : memref<80xi32, #tpu.memory_space<vmem>>) semaphore(%arg20 : memref<!tpu.dma_semaphore, #tpu.memory_space<semaphore_mem>>) {add = true}
      %mul3A_349 = arith.constant 3 : i32
      %mul3A_350 = arith.muli %mul3A_349, %scan3A_229 : i32
      %add3A_351 = arith.constant 1 : i32
      %add3A_352 = arith.addi %mul3A_350, %add3A_351 : i32
      %ge3A_353 = arith.constant 2 : i32
      %ge3A_354 = arith.cmpi sge, %add3A_352, %ge3A_353 : i32
      %convert_element_type3A_355 = arith.extui %ge3A_354 : i1 to i32
      %cond3A_356 = arith.constant 0 : i32
      %cond3A_357 = arith.cmpi ne, %convert_element_type3A_355, %cond3A_356 : i32
      scf.if %cond3A_357 {
        %sub3A = arith.constant 2 : i32
        %sub3A_589 = arith.subi %add3A_352, %sub3A : i32
        %dma_wait3A_590 = arith.constant 0 : i32
        %dma_wait3A_591 = arith.constant 0 : i32
        %dma_wait3A_592 = tpu.memref_slice %arg2[%dma_wait3A_590, %dma_wait3A_591] : memref<11000x128xf32, #tpu.memory_space<hbm>> -> memref<80x128xf32, #tpu.memory_space<hbm>>
        %dma_wait3A_593 = arith.constant 0 : i32
        %dma_wait3A_594 = arith.constant 0 : i32
        %dma_wait3A_595 = tpu.memref_slice %arg2[%dma_wait3A_593, %dma_wait3A_594] : memref<11000x128xf32, #tpu.memory_space<hbm>> -> memref<80x128xf32, #tpu.memory_space<hbm>>
        tpu.wait_dma2 semaphore(%arg22 : memref<!tpu.dma_semaphore, #tpu.memory_space<semaphore_mem>>) src(%dma_wait3A_595 : memref<80x128xf32, #tpu.memory_space<hbm>>) dst(%arg15 : memref<80x128xf32, #tpu.memory_space<vmem>>)
      } else {
      }
      %add3A_358 = arith.constant 1 : i32
      %add3A_359 = arith.addi %add3A_352, %add3A_358 : i32
      %mul3A_360 = arith.constant 80 : i32
      %mul3A_361 = arith.muli %add3A_359, %mul3A_360 : i32
      %add3A_362 = arith.constant 0 : i32
      %add3A_363 = arith.addi %mul3A_361, %add3A_362 : i32
      %get3A_364 = arith.index_cast %add3A_363 : i32 to index
      %get3A_365 = tpu.vector_load %arg6[%get3A_364] {strides = array<i32>} : memref<10240xi32, #tpu.memory_space<vmem>>, vector<16xi32>,
      %get3A_366 = vector.shape_cast %get3A_365 : vector<16xi32> to vector<16xi32>
      %and3A_367 = arith.constant 65535 : i32
      %and3A_368 = vector.broadcast %and3A_367 : i32 to vector<16xi32>
      %and3A_369 = arith.andi %get3A_366, %and3A_368 : vector<16xi32>
      %swap3A_370 = arith.constant 0 : index
      %swap3A_371 = tpu.vector_load %arg9[%swap3A_370] {strides = array<i32>} : memref<80xi32, #tpu.memory_space<vmem>>, vector<16xi32>,
      %swap3A_372 = vector.shape_cast %swap3A_371 : vector<16xi32> to vector<16xi32>
      %swap3A_373 = vector.shape_cast %and3A_369 : vector<16xi32> to vector<16xi32>
      tpu.vector_store %arg9[%swap3A_370], %swap3A_373 {strides = array<i32>} : memref<80xi32, #tpu.memory_space<vmem>>, vector<16xi32>,
      %shift_right_logical3A_374 = arith.constant 16 : i32
      %shift_right_logical3A_375 = vector.broadcast %shift_right_logical3A_374 : i32 to vector<16xi32>
      %shift_right_logical3A_376 = arith.shrui %get3A_366, %shift_right_logical3A_375 : vector<16xi32>
      %swap3A_377 = arith.constant 0 : index
      %swap3A_378 = tpu.vector_load %arg12[%swap3A_377] {strides = array<i32>} : memref<80xi32, #tpu.memory_space<vmem>>, vector<16xi32>,
      %swap3A_379 = vector.shape_cast %swap3A_378 : vector<16xi32> to vector<16xi32>
      %swap3A_380 = vector.shape_cast %shift_right_logical3A_376 : vector<16xi32> to vector<16xi32>
      tpu.vector_store %arg12[%swap3A_377], %swap3A_380 {strides = array<i32>} : memref<80xi32, #tpu.memory_space<vmem>>, vector<16xi32>,
      %add3A_381 = arith.constant 16 : i32
      %add3A_382 = arith.addi %mul3A_361, %add3A_381 : i32
      %get3A_383 = arith.index_cast %add3A_382 : i32 to index
      %get3A_384 = tpu.vector_load %arg6[%get3A_383] {strides = array<i32>} : memref<10240xi32, #tpu.memory_space<vmem>>, vector<16xi32>,
      %get3A_385 = vector.shape_cast %get3A_384 : vector<16xi32> to vector<16xi32>
      %and3A_386 = arith.constant 65535 : i32
      %and3A_387 = vector.broadcast %and3A_386 : i32 to vector<16xi32>
      %and3A_388 = arith.andi %get3A_385, %and3A_387 : vector<16xi32>
      %swap3A_389 = arith.constant 16 : index
      %swap3A_390 = tpu.vector_load %arg9[%swap3A_389] {strides = array<i32>} : memref<80xi32, #tpu.memory_space<vmem>>, vector<16xi32>,
      %swap3A_391 = vector.shape_cast %swap3A_390 : vector<16xi32> to vector<16xi32>
      %swap3A_392 = vector.shape_cast %and3A_388 : vector<16xi32> to vector<16xi32>
      tpu.vector_store %arg9[%swap3A_389], %swap3A_392 {strides = array<i32>} : memref<80xi32, #tpu.memory_space<vmem>>, vector<16xi32>,
      %shift_right_logical3A_393 = arith.constant 16 : i32
      %shift_right_logical3A_394 = vector.broadcast %shift_right_logical3A_393 : i32 to vector<16xi32>
      %shift_right_logical3A_395 = arith.shrui %get3A_385, %shift_right_logical3A_394 : vector<16xi32>
      %swap3A_396 = arith.constant 16 : index
      %swap3A_397 = tpu.vector_load %arg12[%swap3A_396] {strides = array<i32>} : memref<80xi32, #tpu.memory_space<vmem>>, vector<16xi32>,
      %swap3A_398 = vector.shape_cast %swap3A_397 : vector<16xi32> to vector<16xi32>
      %swap3A_399 = vector.shape_cast %shift_right_logical3A_395 : vector<16xi32> to vector<16xi32>
      tpu.vector_store %arg12[%swap3A_396], %swap3A_399 {strides = array<i32>} : memref<80xi32, #tpu.memory_space<vmem>>, vector<16xi32>,
      %add3A_400 = arith.constant 32 : i32
      %add3A_401 = arith.addi %mul3A_361, %add3A_400 : i32
      %get3A_402 = arith.index_cast %add3A_401 : i32 to index
      %get3A_403 = tpu.vector_load %arg6[%get3A_402] {strides = array<i32>} : memref<10240xi32, #tpu.memory_space<vmem>>, vector<16xi32>,
      %get3A_404 = vector.shape_cast %get3A_403 : vector<16xi32> to vector<16xi32>
      %and3A_405 = arith.constant 65535 : i32
      %and3A_406 = vector.broadcast %and3A_405 : i32 to vector<16xi32>
      %and3A_407 = arith.andi %get3A_404, %and3A_406 : vector<16xi32>
      %swap3A_408 = arith.constant 32 : index
      %swap3A_409 = tpu.vector_load %arg9[%swap3A_408] {strides = array<i32>} : memref<80xi32, #tpu.memory_space<vmem>>, vector<16xi32>,
      %swap3A_410 = vector.shape_cast %swap3A_409 : vector<16xi32> to vector<16xi32>
      %swap3A_411 = vector.shape_cast %and3A_407 : vector<16xi32> to vector<16xi32>
      tpu.vector_store %arg9[%swap3A_408], %swap3A_411 {strides = array<i32>} : memref<80xi32, #tpu.memory_space<vmem>>, vector<16xi32>,
      %shift_right_logical3A_412 = arith.constant 16 : i32
      %shift_right_logical3A_413 = vector.broadcast %shift_right_logical3A_412 : i32 to vector<16xi32>
      %shift_right_logical3A_414 = arith.shrui %get3A_404, %shift_right_logical3A_413 : vector<16xi32>
      %swap3A_415 = arith.constant 32 : index
      %swap3A_416 = tpu.vector_load %arg12[%swap3A_415] {strides = array<i32>} : memref<80xi32, #tpu.memory_space<vmem>>, vector<16xi32>,
      %swap3A_417 = vector.shape_cast %swap3A_416 : vector<16xi32> to vector<16xi32>
      %swap3A_418 = vector.shape_cast %shift_right_logical3A_414 : vector<16xi32> to vector<16xi32>
      tpu.vector_store %arg12[%swap3A_415], %swap3A_418 {strides = array<i32>} : memref<80xi32, #tpu.memory_space<vmem>>, vector<16xi32>,
      %add3A_419 = arith.constant 48 : i32
      %add3A_420 = arith.addi %mul3A_361, %add3A_419 : i32
      %get3A_421 = arith.index_cast %add3A_420 : i32 to index
      %get3A_422 = tpu.vector_load %arg6[%get3A_421] {strides = array<i32>} : memref<10240xi32, #tpu.memory_space<vmem>>, vector<16xi32>,
      %get3A_423 = vector.shape_cast %get3A_422 : vector<16xi32> to vector<16xi32>
      %and3A_424 = arith.constant 65535 : i32
      %and3A_425 = vector.broadcast %and3A_424 : i32 to vector<16xi32>
      %and3A_426 = arith.andi %get3A_423, %and3A_425 : vector<16xi32>
      %swap3A_427 = arith.constant 48 : index
      %swap3A_428 = tpu.vector_load %arg9[%swap3A_427] {strides = array<i32>} : memref<80xi32, #tpu.memory_space<vmem>>, vector<16xi32>,
      %swap3A_429 = vector.shape_cast %swap3A_428 : vector<16xi32> to vector<16xi32>
      %swap3A_430 = vector.shape_cast %and3A_426 : vector<16xi32> to vector<16xi32>
      tpu.vector_store %arg9[%swap3A_427], %swap3A_430 {strides = array<i32>} : memref<80xi32, #tpu.memory_space<vmem>>, vector<16xi32>,
      %shift_right_logical3A_431 = arith.constant 16 : i32
      %shift_right_logical3A_432 = vector.broadcast %shift_right_logical3A_431 : i32 to vector<16xi32>
      %shift_right_logical3A_433 = arith.shrui %get3A_423, %shift_right_logical3A_432 : vector<16xi32>
      %swap3A_434 = arith.constant 48 : index
      %swap3A_435 = tpu.vector_load %arg12[%swap3A_434] {strides = array<i32>} : memref<80xi32, #tpu.memory_space<vmem>>, vector<16xi32>,
      %swap3A_436 = vector.shape_cast %swap3A_435 : vector<16xi32> to vector<16xi32>
      %swap3A_437 = vector.shape_cast %shift_right_logical3A_433 : vector<16xi32> to vector<16xi32>
      tpu.vector_store %arg12[%swap3A_434], %swap3A_437 {strides = array<i32>} : memref<80xi32, #tpu.memory_space<vmem>>, vector<16xi32>,
      %add3A_438 = arith.constant 64 : i32
      %add3A_439 = arith.addi %mul3A_361, %add3A_438 : i32
      %get3A_440 = arith.index_cast %add3A_439 : i32 to index
      %get3A_441 = tpu.vector_load %arg6[%get3A_440] {strides = array<i32>} : memref<10240xi32, #tpu.memory_space<vmem>>, vector<16xi32>,
      %get3A_442 = vector.shape_cast %get3A_441 : vector<16xi32> to vector<16xi32>
      %and3A_443 = arith.constant 65535 : i32
      %and3A_444 = vector.broadcast %and3A_443 : i32 to vector<16xi32>
      %and3A_445 = arith.andi %get3A_442, %and3A_444 : vector<16xi32>
      %swap3A_446 = arith.constant 64 : index
      %swap3A_447 = tpu.vector_load %arg9[%swap3A_446] {strides = array<i32>} : memref<80xi32, #tpu.memory_space<vmem>>, vector<16xi32>,
      %swap3A_448 = vector.shape_cast %swap3A_447 : vector<16xi32> to vector<16xi32>
      %swap3A_449 = vector.shape_cast %and3A_445 : vector<16xi32> to vector<16xi32>
      tpu.vector_store %arg9[%swap3A_446], %swap3A_449 {strides = array<i32>} : memref<80xi32, #tpu.memory_space<vmem>>, vector<16xi32>,
      %shift_right_logical3A_450 = arith.constant 16 : i32
      %shift_right_logical3A_451 = vector.broadcast %shift_right_logical3A_450 : i32 to vector<16xi32>
      %shift_right_logical3A_452 = arith.shrui %get3A_442, %shift_right_logical3A_451 : vector<16xi32>
      %swap3A_453 = arith.constant 64 : index
      %swap3A_454 = tpu.vector_load %arg12[%swap3A_453] {strides = array<i32>} : memref<80xi32, #tpu.memory_space<vmem>>, vector<16xi32>,
      %swap3A_455 = vector.shape_cast %swap3A_454 : vector<16xi32> to vector<16xi32>
      %swap3A_456 = vector.shape_cast %shift_right_logical3A_452 : vector<16xi32> to vector<16xi32>
      tpu.vector_store %arg12[%swap3A_453], %swap3A_456 {strides = array<i32>} : memref<80xi32, #tpu.memory_space<vmem>>, vector<16xi32>,
      %dma_start3A_457 = arith.constant 0 : i32
      %dma_start3A_458 = arith.constant 0 : i32
      %dma_start3A_459 = tpu.memref_slice %arg2[%dma_start3A_457, %dma_start3A_458] : memref<11000x128xf32, #tpu.memory_space<hbm>> -> memref<11000x128xf32, #tpu.memory_space<hbm>>
      tpu.enqueue_indirect_dma source(%dma_start3A_459 : memref<11000x128xf32, #tpu.memory_space<hbm>>) target(%arg15 : memref<80x128xf32, #tpu.memory_space<vmem>>) offsets(%arg9 : memref<80xi32, #tpu.memory_space<vmem>>) semaphore(%arg19 : memref<!tpu.dma_semaphore, #tpu.memory_space<semaphore_mem>>)
      %dma_wait3A_460 = arith.constant 0 : i32
      %dma_wait3A_461 = arith.constant 0 : i32
      %dma_wait3A_462 = tpu.memref_slice %arg2[%dma_wait3A_460, %dma_wait3A_461] : memref<11000x128xf32, #tpu.memory_space<hbm>> -> memref<80x128xf32, #tpu.memory_space<hbm>>
      %dma_wait3A_463 = arith.constant 0 : i32
      %dma_wait3A_464 = arith.constant 0 : i32
      %dma_wait3A_465 = tpu.memref_slice %arg2[%dma_wait3A_463, %dma_wait3A_464] : memref<11000x128xf32, #tpu.memory_space<hbm>> -> memref<80x128xf32, #tpu.memory_space<hbm>>
      tpu.wait_dma2 semaphore(%arg18 : memref<!tpu.dma_semaphore, #tpu.memory_space<semaphore_mem>>) src(%dma_wait3A_465 : memref<80x128xf32, #tpu.memory_space<hbm>>) dst(%arg14 : memref<80x128xf32, #tpu.memory_space<vmem>>)
      %dma_start3A_466 = arith.constant 0 : i32
      %dma_start3A_467 = arith.constant 0 : i32
      %dma_start3A_468 = tpu.memref_slice %arg16[%dma_start3A_466, %dma_start3A_467] : memref<10000x128xf32, #tpu.memory_space<vmem_shared>> -> memref<10000x128xf32, #tpu.memory_space<vmem_shared>>
      tpu.enqueue_indirect_dma source(%arg14 : memref<80x128xf32, #tpu.memory_space<vmem>>) target(%dma_start3A_468 : memref<10000x128xf32, #tpu.memory_space<vmem_shared>>) offsets(%arg11 : memref<80xi32, #tpu.memory_space<vmem>>) semaphore(%arg21 : memref<!tpu.dma_semaphore, #tpu.memory_space<semaphore_mem>>) {add = true}
      %mul3A_469 = arith.constant 3 : i32
      %mul3A_470 = arith.muli %mul3A_469, %scan3A_229 : i32
      %add3A_471 = arith.constant 2 : i32
      %add3A_472 = arith.addi %mul3A_470, %add3A_471 : i32
      %ge3A_473 = arith.constant 2 : i32
      %ge3A_474 = arith.cmpi sge, %add3A_472, %ge3A_473 : i32
      %convert_element_type3A_475 = arith.extui %ge3A_474 : i1 to i32
      %cond3A_476 = arith.constant 0 : i32
      %cond3A_477 = arith.cmpi ne, %convert_element_type3A_475, %cond3A_476 : i32
      scf.if %cond3A_477 {
        %sub3A = arith.constant 2 : i32
        %sub3A_589 = arith.subi %add3A_472, %sub3A : i32
        %dma_wait3A_590 = arith.constant 0 : i32
        %dma_wait3A_591 = arith.constant 0 : i32
        %dma_wait3A_592 = tpu.memref_slice %arg2[%dma_wait3A_590, %dma_wait3A_591] : memref<11000x128xf32, #tpu.memory_space<hbm>> -> memref<80x128xf32, #tpu.memory_space<hbm>>
        %dma_wait3A_593 = arith.constant 0 : i32
        %dma_wait3A_594 = arith.constant 0 : i32
        %dma_wait3A_595 = tpu.memref_slice %arg2[%dma_wait3A_593, %dma_wait3A_594] : memref<11000x128xf32, #tpu.memory_space<hbm>> -> memref<80x128xf32, #tpu.memory_space<hbm>>
        tpu.wait_dma2 semaphore(%arg20 : memref<!tpu.dma_semaphore, #tpu.memory_space<semaphore_mem>>) src(%dma_wait3A_595 : memref<80x128xf32, #tpu.memory_space<hbm>>) dst(%arg13 : memref<80x128xf32, #tpu.memory_space<vmem>>)
      } else {
      }
      %add3A_478 = arith.constant 1 : i32
      %add3A_479 = arith.addi %add3A_472, %add3A_478 : i32
      %mul3A_480 = arith.constant 80 : i32
      %mul3A_481 = arith.muli %add3A_479, %mul3A_480 : i32
      %add3A_482 = arith.constant 0 : i32
      %add3A_483 = arith.addi %mul3A_481, %add3A_482 : i32
      %get3A_484 = arith.index_cast %add3A_483 : i32 to index
      %get3A_485 = tpu.vector_load %arg6[%get3A_484] {strides = array<i32>} : memref<10240xi32, #tpu.memory_space<vmem>>, vector<16xi32>,
      %get3A_486 = vector.shape_cast %get3A_485 : vector<16xi32> to vector<16xi32>
      %and3A_487 = arith.constant 65535 : i32
      %and3A_488 = vector.broadcast %and3A_487 : i32 to vector<16xi32>
      %and3A_489 = arith.andi %get3A_486, %and3A_488 : vector<16xi32>
      %swap3A_490 = arith.constant 0 : index
      %swap3A_491 = tpu.vector_load %arg7[%swap3A_490] {strides = array<i32>} : memref<80xi32, #tpu.memory_space<vmem>>, vector<16xi32>,
      %swap3A_492 = vector.shape_cast %swap3A_491 : vector<16xi32> to vector<16xi32>
      %swap3A_493 = vector.shape_cast %and3A_489 : vector<16xi32> to vector<16xi32>
      tpu.vector_store %arg7[%swap3A_490], %swap3A_493 {strides = array<i32>} : memref<80xi32, #tpu.memory_space<vmem>>, vector<16xi32>,
      %shift_right_logical3A_494 = arith.constant 16 : i32
      %shift_right_logical3A_495 = vector.broadcast %shift_right_logical3A_494 : i32 to vector<16xi32>
      %shift_right_logical3A_496 = arith.shrui %get3A_486, %shift_right_logical3A_495 : vector<16xi32>
      %swap3A_497 = arith.constant 0 : index
      %swap3A_498 = tpu.vector_load %arg10[%swap3A_497] {strides = array<i32>} : memref<80xi32, #tpu.memory_space<vmem>>, vector<16xi32>,
      %swap3A_499 = vector.shape_cast %swap3A_498 : vector<16xi32> to vector<16xi32>
      %swap3A_500 = vector.shape_cast %shift_right_logical3A_496 : vector<16xi32> to vector<16xi32>
      tpu.vector_store %arg10[%swap3A_497], %swap3A_500 {strides = array<i32>} : memref<80xi32, #tpu.memory_space<vmem>>, vector<16xi32>,
      %add3A_501 = arith.constant 16 : i32
      %add3A_502 = arith.addi %mul3A_481, %add3A_501 : i32
      %get3A_503 = arith.index_cast %add3A_502 : i32 to index
      %get3A_504 = tpu.vector_load %arg6[%get3A_503] {strides = array<i32>} : memref<10240xi32, #tpu.memory_space<vmem>>, vector<16xi32>,
      %get3A_505 = vector.shape_cast %get3A_504 : vector<16xi32> to vector<16xi32>
      %and3A_506 = arith.constant 65535 : i32
      %and3A_507 = vector.broadcast %and3A_506 : i32 to vector<16xi32>
      %and3A_508 = arith.andi %get3A_505, %and3A_507 : vector<16xi32>
      %swap3A_509 = arith.constant 16 : index
      %swap3A_510 = tpu.vector_load %arg7[%swap3A_509] {strides = array<i32>} : memref<80xi32, #tpu.memory_space<vmem>>, vector<16xi32>,
      %swap3A_511 = vector.shape_cast %swap3A_510 : vector<16xi32> to vector<16xi32>
      %swap3A_512 = vector.shape_cast %and3A_508 : vector<16xi32> to vector<16xi32>
      tpu.vector_store %arg7[%swap3A_509], %swap3A_512 {strides = array<i32>} : memref<80xi32, #tpu.memory_space<vmem>>, vector<16xi32>,
      %shift_right_logical3A_513 = arith.constant 16 : i32
      %shift_right_logical3A_514 = vector.broadcast %shift_right_logical3A_513 : i32 to vector<16xi32>
      %shift_right_logical3A_515 = arith.shrui %get3A_505, %shift_right_logical3A_514 : vector<16xi32>
      %swap3A_516 = arith.constant 16 : index
      %swap3A_517 = tpu.vector_load %arg10[%swap3A_516] {strides = array<i32>} : memref<80xi32, #tpu.memory_space<vmem>>, vector<16xi32>,
      %swap3A_518 = vector.shape_cast %swap3A_517 : vector<16xi32> to vector<16xi32>
      %swap3A_519 = vector.shape_cast %shift_right_logical3A_515 : vector<16xi32> to vector<16xi32>
      tpu.vector_store %arg10[%swap3A_516], %swap3A_519 {strides = array<i32>} : memref<80xi32, #tpu.memory_space<vmem>>, vector<16xi32>,
      %add3A_520 = arith.constant 32 : i32
      %add3A_521 = arith.addi %mul3A_481, %add3A_520 : i32
      %get3A_522 = arith.index_cast %add3A_521 : i32 to index
      %get3A_523 = tpu.vector_load %arg6[%get3A_522] {strides = array<i32>} : memref<10240xi32, #tpu.memory_space<vmem>>, vector<16xi32>,
      %get3A_524 = vector.shape_cast %get3A_523 : vector<16xi32> to vector<16xi32>
      %and3A_525 = arith.constant 65535 : i32
      %and3A_526 = vector.broadcast %and3A_525 : i32 to vector<16xi32>
      %and3A_527 = arith.andi %get3A_524, %and3A_526 : vector<16xi32>
      %swap3A_528 = arith.constant 32 : index
      %swap3A_529 = tpu.vector_load %arg7[%swap3A_528] {strides = array<i32>} : memref<80xi32, #tpu.memory_space<vmem>>, vector<16xi32>,
      %swap3A_530 = vector.shape_cast %swap3A_529 : vector<16xi32> to vector<16xi32>
      %swap3A_531 = vector.shape_cast %and3A_527 : vector<16xi32> to vector<16xi32>
      tpu.vector_store %arg7[%swap3A_528], %swap3A_531 {strides = array<i32>} : memref<80xi32, #tpu.memory_space<vmem>>, vector<16xi32>,
      %shift_right_logical3A_532 = arith.constant 16 : i32
      %shift_right_logical3A_533 = vector.broadcast %shift_right_logical3A_532 : i32 to vector<16xi32>
      %shift_right_logical3A_534 = arith.shrui %get3A_524, %shift_right_logical3A_533 : vector<16xi32>
      %swap3A_535 = arith.constant 32 : index
      %swap3A_536 = tpu.vector_load %arg10[%swap3A_535] {strides = array<i32>} : memref<80xi32, #tpu.memory_space<vmem>>, vector<16xi32>,
      %swap3A_537 = vector.shape_cast %swap3A_536 : vector<16xi32> to vector<16xi32>
      %swap3A_538 = vector.shape_cast %shift_right_logical3A_534 : vector<16xi32> to vector<16xi32>
      tpu.vector_store %arg10[%swap3A_535], %swap3A_538 {strides = array<i32>} : memref<80xi32, #tpu.memory_space<vmem>>, vector<16xi32>,
      %add3A_539 = arith.constant 48 : i32
      %add3A_540 = arith.addi %mul3A_481, %add3A_539 : i32
      %get3A_541 = arith.index_cast %add3A_540 : i32 to index
      %get3A_542 = tpu.vector_load %arg6[%get3A_541] {strides = array<i32>} : memref<10240xi32, #tpu.memory_space<vmem>>, vector<16xi32>,
      %get3A_543 = vector.shape_cast %get3A_542 : vector<16xi32> to vector<16xi32>
      %and3A_544 = arith.constant 65535 : i32
      %and3A_545 = vector.broadcast %and3A_544 : i32 to vector<16xi32>
      %and3A_546 = arith.andi %get3A_543, %and3A_545 : vector<16xi32>
      %swap3A_547 = arith.constant 48 : index
      %swap3A_548 = tpu.vector_load %arg7[%swap3A_547] {strides = array<i32>} : memref<80xi32, #tpu.memory_space<vmem>>, vector<16xi32>,
      %swap3A_549 = vector.shape_cast %swap3A_548 : vector<16xi32> to vector<16xi32>
      %swap3A_550 = vector.shape_cast %and3A_546 : vector<16xi32> to vector<16xi32>
      tpu.vector_store %arg7[%swap3A_547], %swap3A_550 {strides = array<i32>} : memref<80xi32, #tpu.memory_space<vmem>>, vector<16xi32>,
      %shift_right_logical3A_551 = arith.constant 16 : i32
      %shift_right_logical3A_552 = vector.broadcast %shift_right_logical3A_551 : i32 to vector<16xi32>
      %shift_right_logical3A_553 = arith.shrui %get3A_543, %shift_right_logical3A_552 : vector<16xi32>
      %swap3A_554 = arith.constant 48 : index
      %swap3A_555 = tpu.vector_load %arg10[%swap3A_554] {strides = array<i32>} : memref<80xi32, #tpu.memory_space<vmem>>, vector<16xi32>,
      %swap3A_556 = vector.shape_cast %swap3A_555 : vector<16xi32> to vector<16xi32>
      %swap3A_557 = vector.shape_cast %shift_right_logical3A_553 : vector<16xi32> to vector<16xi32>
      tpu.vector_store %arg10[%swap3A_554], %swap3A_557 {strides = array<i32>} : memref<80xi32, #tpu.memory_space<vmem>>, vector<16xi32>,
      %add3A_558 = arith.constant 64 : i32
      %add3A_559 = arith.addi %mul3A_481, %add3A_558 : i32
      %get3A_560 = arith.index_cast %add3A_559 : i32 to index
      %get3A_561 = tpu.vector_load %arg6[%get3A_560] {strides = array<i32>} : memref<10240xi32, #tpu.memory_space<vmem>>, vector<16xi32>,
      %get3A_562 = vector.shape_cast %get3A_561 : vector<16xi32> to vector<16xi32>
      %and3A_563 = arith.constant 65535 : i32
      %and3A_564 = vector.broadcast %and3A_563 : i32 to vector<16xi32>
      %and3A_565 = arith.andi %get3A_562, %and3A_564 : vector<16xi32>
      %swap3A_566 = arith.constant 64 : index
      %swap3A_567 = tpu.vector_load %arg7[%swap3A_566] {strides = array<i32>} : memref<80xi32, #tpu.memory_space<vmem>>, vector<16xi32>,
      %swap3A_568 = vector.shape_cast %swap3A_567 : vector<16xi32> to vector<16xi32>
      %swap3A_569 = vector.shape_cast %and3A_565 : vector<16xi32> to vector<16xi32>
      tpu.vector_store %arg7[%swap3A_566], %swap3A_569 {strides = array<i32>} : memref<80xi32, #tpu.memory_space<vmem>>, vector<16xi32>,
      %shift_right_logical3A_570 = arith.constant 16 : i32
      %shift_right_logical3A_571 = vector.broadcast %shift_right_logical3A_570 : i32 to vector<16xi32>
      %shift_right_logical3A_572 = arith.shrui %get3A_562, %shift_right_logical3A_571 : vector<16xi32>
      %swap3A_573 = arith.constant 64 : index
      %swap3A_574 = tpu.vector_load %arg10[%swap3A_573] {strides = array<i32>} : memref<80xi32, #tpu.memory_space<vmem>>, vector<16xi32>,
      %swap3A_575 = vector.shape_cast %swap3A_574 : vector<16xi32> to vector<16xi32>
      %swap3A_576 = vector.shape_cast %shift_right_logical3A_572 : vector<16xi32> to vector<16xi32>
      tpu.vector_store %arg10[%swap3A_573], %swap3A_576 {strides = array<i32>} : memref<80xi32, #tpu.memory_space<vmem>>, vector<16xi32>,
      %dma_start3A_577 = arith.constant 0 : i32
      %dma_start3A_578 = arith.constant 0 : i32
      %dma_start3A_579 = tpu.memref_slice %arg2[%dma_start3A_577, %dma_start3A_578] : memref<11000x128xf32, #tpu.memory_space<hbm>> -> memref<11000x128xf32, #tpu.memory_space<hbm>>
      tpu.enqueue_indirect_dma source(%dma_start3A_579 : memref<11000x128xf32, #tpu.memory_space<hbm>>) target(%arg13 : memref<80x128xf32, #tpu.memory_space<vmem>>) offsets(%arg7 : memref<80xi32, #tpu.memory_space<vmem>>) semaphore(%arg17 : memref<!tpu.dma_semaphore, #tpu.memory_space<semaphore_mem>>)
      %dma_wait3A_580 = arith.constant 0 : i32
      %dma_wait3A_581 = arith.constant 0 : i32
      %dma_wait3A_582 = tpu.memref_slice %arg2[%dma_wait3A_580, %dma_wait3A_581] : memref<11000x128xf32, #tpu.memory_space<hbm>> -> memref<80x128xf32, #tpu.memory_space<hbm>>
      %dma_wait3A_583 = arith.constant 0 : i32
      %dma_wait3A_584 = arith.constant 0 : i32
      %dma_wait3A_585 = tpu.memref_slice %arg2[%dma_wait3A_583, %dma_wait3A_584] : memref<11000x128xf32, #tpu.memory_space<hbm>> -> memref<80x128xf32, #tpu.memory_space<hbm>>
      tpu.wait_dma2 semaphore(%arg19 : memref<!tpu.dma_semaphore, #tpu.memory_space<semaphore_mem>>) src(%dma_wait3A_585 : memref<80x128xf32, #tpu.memory_space<hbm>>) dst(%arg15 : memref<80x128xf32, #tpu.memory_space<vmem>>)
      %dma_start3A_586 = arith.constant 0 : i32
      %dma_start3A_587 = arith.constant 0 : i32
      %dma_start3A_588 = tpu.memref_slice %arg16[%dma_start3A_586, %dma_start3A_587] : memref<10000x128xf32, #tpu.memory_space<vmem_shared>> -> memref<10000x128xf32, #tpu.memory_space<vmem_shared>>
      tpu.enqueue_indirect_dma source(%arg15 : memref<80x128xf32, #tpu.memory_space<vmem>>) target(%dma_start3A_588 : memref<10000x128xf32, #tpu.memory_space<vmem_shared>>) offsets(%arg12 : memref<80xi32, #tpu.memory_space<vmem>>) semaphore(%arg22 : memref<!tpu.dma_semaphore, #tpu.memory_space<semaphore_mem>>) {add = true}
    }
    %scan3A_93 = arith.constant 42 : i32
    %dma_wait3A = arith.constant 0 : i32
    %dma_wait3A_94 = arith.constant 0 : i32
    %dma_wait3A_95 = tpu.memref_slice %arg2[%dma_wait3A, %dma_wait3A_94] : memref<11000x128xf32, #tpu.memory_space<hbm>> -> memref<80x128xf32, #tpu.memory_space<hbm>>
    %dma_wait3A_96 = arith.constant 0 : i32
    %dma_wait3A_97 = arith.constant 0 : i32
    %dma_wait3A_98 = tpu.memref_slice %arg2[%dma_wait3A_96, %dma_wait3A_97] : memref<11000x128xf32, #tpu.memory_space<hbm>> -> memref<80x128xf32, #tpu.memory_space<hbm>>
    tpu.wait_dma2 semaphore(%arg21 : memref<!tpu.dma_semaphore, #tpu.memory_space<semaphore_mem>>) src(%dma_wait3A_98 : memref<80x128xf32, #tpu.memory_space<hbm>>) dst(%arg14 : memref<80x128xf32, #tpu.memory_space<vmem>>)
    %get3A_99 = arith.constant 10160 : index
    %get3A_100 = tpu.vector_load %arg6[%get3A_99] {strides = array<i32>} : memref<10240xi32, #tpu.memory_space<vmem>>, vector<16xi32>,
    %get3A_101 = vector.shape_cast %get3A_100 : vector<16xi32> to vector<16xi32>
    %and3A_102 = arith.constant 65535 : i32
    %and3A_103 = vector.broadcast %and3A_102 : i32 to vector<16xi32>
    %and3A_104 = arith.andi %get3A_101, %and3A_103 : vector<16xi32>
    %swap3A_105 = arith.constant 0 : index
    %swap3A_106 = tpu.vector_load %arg8[%swap3A_105] {strides = array<i32>} : memref<80xi32, #tpu.memory_space<vmem>>, vector<16xi32>,
    %swap3A_107 = vector.shape_cast %swap3A_106 : vector<16xi32> to vector<16xi32>
    %swap3A_108 = vector.shape_cast %and3A_104 : vector<16xi32> to vector<16xi32>
    tpu.vector_store %arg8[%swap3A_105], %swap3A_108 {strides = array<i32>} : memref<80xi32, #tpu.memory_space<vmem>>, vector<16xi32>,
    %shift_right_logical3A_109 = arith.constant 16 : i32
    %shift_right_logical3A_110 = vector.broadcast %shift_right_logical3A_109 : i32 to vector<16xi32>
    %shift_right_logical3A_111 = arith.shrui %get3A_101, %shift_right_logical3A_110 : vector<16xi32>
    %swap3A_112 = arith.constant 0 : index
    %swap3A_113 = tpu.vector_load %arg11[%swap3A_112] {strides = array<i32>} : memref<80xi32, #tpu.memory_space<vmem>>, vector<16xi32>,
    %swap3A_114 = vector.shape_cast %swap3A_113 : vector<16xi32> to vector<16xi32>
    %swap3A_115 = vector.shape_cast %shift_right_logical3A_111 : vector<16xi32> to vector<16xi32>
    tpu.vector_store %arg11[%swap3A_112], %swap3A_115 {strides = array<i32>} : memref<80xi32, #tpu.memory_space<vmem>>, vector<16xi32>,
    %get3A_116 = arith.constant 10176 : index
    %get3A_117 = tpu.vector_load %arg6[%get3A_116] {strides = array<i32>} : memref<10240xi32, #tpu.memory_space<vmem>>, vector<16xi32>,
    %get3A_118 = vector.shape_cast %get3A_117 : vector<16xi32> to vector<16xi32>
    %and3A_119 = arith.constant 65535 : i32
    %and3A_120 = vector.broadcast %and3A_119 : i32 to vector<16xi32>
    %and3A_121 = arith.andi %get3A_118, %and3A_120 : vector<16xi32>
    %swap3A_122 = arith.constant 16 : index
    %swap3A_123 = tpu.vector_load %arg8[%swap3A_122] {strides = array<i32>} : memref<80xi32, #tpu.memory_space<vmem>>, vector<16xi32>,
    %swap3A_124 = vector.shape_cast %swap3A_123 : vector<16xi32> to vector<16xi32>
    %swap3A_125 = vector.shape_cast %and3A_121 : vector<16xi32> to vector<16xi32>
    tpu.vector_store %arg8[%swap3A_122], %swap3A_125 {strides = array<i32>} : memref<80xi32, #tpu.memory_space<vmem>>, vector<16xi32>,
    %shift_right_logical3A_126 = arith.constant 16 : i32
    %shift_right_logical3A_127 = vector.broadcast %shift_right_logical3A_126 : i32 to vector<16xi32>
    %shift_right_logical3A_128 = arith.shrui %get3A_118, %shift_right_logical3A_127 : vector<16xi32>
    %swap3A_129 = arith.constant 16 : index
    %swap3A_130 = tpu.vector_load %arg11[%swap3A_129] {strides = array<i32>} : memref<80xi32, #tpu.memory_space<vmem>>, vector<16xi32>,
    %swap3A_131 = vector.shape_cast %swap3A_130 : vector<16xi32> to vector<16xi32>
    %swap3A_132 = vector.shape_cast %shift_right_logical3A_128 : vector<16xi32> to vector<16xi32>
    tpu.vector_store %arg11[%swap3A_129], %swap3A_132 {strides = array<i32>} : memref<80xi32, #tpu.memory_space<vmem>>, vector<16xi32>,
    %get3A_133 = arith.constant 10192 : index
    %get3A_134 = tpu.vector_load %arg6[%get3A_133] {strides = array<i32>} : memref<10240xi32, #tpu.memory_space<vmem>>, vector<16xi32>,
    %get3A_135 = vector.shape_cast %get3A_134 : vector<16xi32> to vector<16xi32>
    %and3A_136 = arith.constant 65535 : i32
    %and3A_137 = vector.broadcast %and3A_136 : i32 to vector<16xi32>
    %and3A_138 = arith.andi %get3A_135, %and3A_137 : vector<16xi32>
    %swap3A_139 = arith.constant 32 : index
    %swap3A_140 = tpu.vector_load %arg8[%swap3A_139] {strides = array<i32>} : memref<80xi32, #tpu.memory_space<vmem>>, vector<16xi32>,
    %swap3A_141 = vector.shape_cast %swap3A_140 : vector<16xi32> to vector<16xi32>
    %swap3A_142 = vector.shape_cast %and3A_138 : vector<16xi32> to vector<16xi32>
    tpu.vector_store %arg8[%swap3A_139], %swap3A_142 {strides = array<i32>} : memref<80xi32, #tpu.memory_space<vmem>>, vector<16xi32>,
    %shift_right_logical3A_143 = arith.constant 16 : i32
    %shift_right_logical3A_144 = vector.broadcast %shift_right_logical3A_143 : i32 to vector<16xi32>
    %shift_right_logical3A_145 = arith.shrui %get3A_135, %shift_right_logical3A_144 : vector<16xi32>
    %swap3A_146 = arith.constant 32 : index
    %swap3A_147 = tpu.vector_load %arg11[%swap3A_146] {strides = array<i32>} : memref<80xi32, #tpu.memory_space<vmem>>, vector<16xi32>,
    %swap3A_148 = vector.shape_cast %swap3A_147 : vector<16xi32> to vector<16xi32>
    %swap3A_149 = vector.shape_cast %shift_right_logical3A_145 : vector<16xi32> to vector<16xi32>
    tpu.vector_store %arg11[%swap3A_146], %swap3A_149 {strides = array<i32>} : memref<80xi32, #tpu.memory_space<vmem>>, vector<16xi32>,
    %get3A_150 = arith.constant 10208 : index
    %get3A_151 = tpu.vector_load %arg6[%get3A_150] {strides = array<i32>} : memref<10240xi32, #tpu.memory_space<vmem>>, vector<16xi32>,
    %get3A_152 = vector.shape_cast %get3A_151 : vector<16xi32> to vector<16xi32>
    %and3A_153 = arith.constant 65535 : i32
    %and3A_154 = vector.broadcast %and3A_153 : i32 to vector<16xi32>
    %and3A_155 = arith.andi %get3A_152, %and3A_154 : vector<16xi32>
    %swap3A_156 = arith.constant 48 : index
    %swap3A_157 = tpu.vector_load %arg8[%swap3A_156] {strides = array<i32>} : memref<80xi32, #tpu.memory_space<vmem>>, vector<16xi32>,
    %swap3A_158 = vector.shape_cast %swap3A_157 : vector<16xi32> to vector<16xi32>
    %swap3A_159 = vector.shape_cast %and3A_155 : vector<16xi32> to vector<16xi32>
    tpu.vector_store %arg8[%swap3A_156], %swap3A_159 {strides = array<i32>} : memref<80xi32, #tpu.memory_space<vmem>>, vector<16xi32>,
    %shift_right_logical3A_160 = arith.constant 16 : i32
    %shift_right_logical3A_161 = vector.broadcast %shift_right_logical3A_160 : i32 to vector<16xi32>
    %shift_right_logical3A_162 = arith.shrui %get3A_152, %shift_right_logical3A_161 : vector<16xi32>
    %swap3A_163 = arith.constant 48 : index
    %swap3A_164 = tpu.vector_load %arg11[%swap3A_163] {strides = array<i32>} : memref<80xi32, #tpu.memory_space<vmem>>, vector<16xi32>,
    %swap3A_165 = vector.shape_cast %swap3A_164 : vector<16xi32> to vector<16xi32>
    %swap3A_166 = vector.shape_cast %shift_right_logical3A_162 : vector<16xi32> to vector<16xi32>
    tpu.vector_store %arg11[%swap3A_163], %swap3A_166 {strides = array<i32>} : memref<80xi32, #tpu.memory_space<vmem>>, vector<16xi32>,
    %get3A_167 = arith.constant 10224 : index
    %get3A_168 = tpu.vector_load %arg6[%get3A_167] {strides = array<i32>} : memref<10240xi32, #tpu.memory_space<vmem>>, vector<16xi32>,
    %get3A_169 = vector.shape_cast %get3A_168 : vector<16xi32> to vector<16xi32>
    %and3A_170 = arith.constant 65535 : i32
    %and3A_171 = vector.broadcast %and3A_170 : i32 to vector<16xi32>
    %and3A_172 = arith.andi %get3A_169, %and3A_171 : vector<16xi32>
    %swap3A_173 = arith.constant 64 : index
    %swap3A_174 = tpu.vector_load %arg8[%swap3A_173] {strides = array<i32>} : memref<80xi32, #tpu.memory_space<vmem>>, vector<16xi32>,
    %swap3A_175 = vector.shape_cast %swap3A_174 : vector<16xi32> to vector<16xi32>
    %swap3A_176 = vector.shape_cast %and3A_172 : vector<16xi32> to vector<16xi32>
    tpu.vector_store %arg8[%swap3A_173], %swap3A_176 {strides = array<i32>} : memref<80xi32, #tpu.memory_space<vmem>>, vector<16xi32>,
    %shift_right_logical3A_177 = arith.constant 16 : i32
    %shift_right_logical3A_178 = vector.broadcast %shift_right_logical3A_177 : i32 to vector<16xi32>
    %shift_right_logical3A_179 = arith.shrui %get3A_169, %shift_right_logical3A_178 : vector<16xi32>
    %swap3A_180 = arith.constant 64 : index
    %swap3A_181 = tpu.vector_load %arg11[%swap3A_180] {strides = array<i32>} : memref<80xi32, #tpu.memory_space<vmem>>, vector<16xi32>,
    %swap3A_182 = vector.shape_cast %swap3A_181 : vector<16xi32> to vector<16xi32>
    %swap3A_183 = vector.shape_cast %shift_right_logical3A_179 : vector<16xi32> to vector<16xi32>
    tpu.vector_store %arg11[%swap3A_180], %swap3A_183 {strides = array<i32>} : memref<80xi32, #tpu.memory_space<vmem>>, vector<16xi32>,
    %dma_start3A_184 = arith.constant 0 : i32
    %dma_start3A_185 = arith.constant 0 : i32
    %dma_start3A_186 = tpu.memref_slice %arg2[%dma_start3A_184, %dma_start3A_185] : memref<11000x128xf32, #tpu.memory_space<hbm>> -> memref<11000x128xf32, #tpu.memory_space<hbm>>
    tpu.enqueue_indirect_dma source(%dma_start3A_186 : memref<11000x128xf32, #tpu.memory_space<hbm>>) target(%arg14 : memref<80x128xf32, #tpu.memory_space<vmem>>) offsets(%arg8 : memref<80xi32, #tpu.memory_space<vmem>>) semaphore(%arg18 : memref<!tpu.dma_semaphore, #tpu.memory_space<semaphore_mem>>)
    %dma_wait3A_187 = arith.constant 0 : i32
    %dma_wait3A_188 = arith.constant 0 : i32
    %dma_wait3A_189 = tpu.memref_slice %arg2[%dma_wait3A_187, %dma_wait3A_188] : memref<11000x128xf32, #tpu.memory_space<hbm>> -> memref<80x128xf32, #tpu.memory_space<hbm>>
    %dma_wait3A_190 = arith.constant 0 : i32
    %dma_wait3A_191 = arith.constant 0 : i32
    %dma_wait3A_192 = tpu.memref_slice %arg2[%dma_wait3A_190, %dma_wait3A_191] : memref<11000x128xf32, #tpu.memory_space<hbm>> -> memref<80x128xf32, #tpu.memory_space<hbm>>
    tpu.wait_dma2 semaphore(%arg17 : memref<!tpu.dma_semaphore, #tpu.memory_space<semaphore_mem>>) src(%dma_wait3A_192 : memref<80x128xf32, #tpu.memory_space<hbm>>) dst(%arg13 : memref<80x128xf32, #tpu.memory_space<vmem>>)
    %dma_start3A_193 = arith.constant 0 : i32
    %dma_start3A_194 = arith.constant 0 : i32
    %dma_start3A_195 = tpu.memref_slice %arg16[%dma_start3A_193, %dma_start3A_194] : memref<10000x128xf32, #tpu.memory_space<vmem_shared>> -> memref<10000x128xf32, #tpu.memory_space<vmem_shared>>
    tpu.enqueue_indirect_dma source(%arg13 : memref<80x128xf32, #tpu.memory_space<vmem>>) target(%dma_start3A_195 : memref<10000x128xf32, #tpu.memory_space<vmem_shared>>) offsets(%arg10 : memref<80xi32, #tpu.memory_space<vmem>>) semaphore(%arg20 : memref<!tpu.dma_semaphore, #tpu.memory_space<semaphore_mem>>) {add = true}
    %dma_wait3A_196 = arith.constant 0 : i32
    %dma_wait3A_197 = arith.constant 0 : i32
    %dma_wait3A_198 = tpu.memref_slice %arg2[%dma_wait3A_196, %dma_wait3A_197] : memref<11000x128xf32, #tpu.memory_space<hbm>> -> memref<80x128xf32, #tpu.memory_space<hbm>>
    %dma_wait3A_199 = arith.constant 0 : i32
    %dma_wait3A_200 = arith.constant 0 : i32
    %dma_wait3A_201 = tpu.memref_slice %arg2[%dma_wait3A_199, %dma_wait3A_200] : memref<11000x128xf32, #tpu.memory_space<hbm>> -> memref<80x128xf32, #tpu.memory_space<hbm>>
    tpu.wait_dma2 semaphore(%arg18 : memref<!tpu.dma_semaphore, #tpu.memory_space<semaphore_mem>>) src(%dma_wait3A_201 : memref<80x128xf32, #tpu.memory_space<hbm>>) dst(%arg14 : memref<80x128xf32, #tpu.memory_space<vmem>>)
    %dma_start3A_202 = arith.constant 0 : i32
    %dma_start3A_203 = arith.constant 0 : i32
    %dma_start3A_204 = tpu.memref_slice %arg16[%dma_start3A_202, %dma_start3A_203] : memref<10000x128xf32, #tpu.memory_space<vmem_shared>> -> memref<10000x128xf32, #tpu.memory_space<vmem_shared>>
    tpu.enqueue_indirect_dma source(%arg14 : memref<80x128xf32, #tpu.memory_space<vmem>>) target(%dma_start3A_204 : memref<10000x128xf32, #tpu.memory_space<vmem_shared>>) offsets(%arg11 : memref<80xi32, #tpu.memory_space<vmem>>) semaphore(%arg21 : memref<!tpu.dma_semaphore, #tpu.memory_space<semaphore_mem>>) {add = true}
    %dma_wait3A_205 = arith.constant 0 : i32
    %dma_wait3A_206 = arith.constant 0 : i32
    %dma_wait3A_207 = tpu.memref_slice %arg2[%dma_wait3A_205, %dma_wait3A_206] : memref<11000x128xf32, #tpu.memory_space<hbm>> -> memref<80x128xf32, #tpu.memory_space<hbm>>
    %dma_wait3A_208 = arith.constant 0 : i32
    %dma_wait3A_209 = arith.constant 0 : i32
    %dma_wait3A_210 = tpu.memref_slice %arg2[%dma_wait3A_208, %dma_wait3A_209] : memref<11000x128xf32, #tpu.memory_space<hbm>> -> memref<80x128xf32, #tpu.memory_space<hbm>>
    tpu.wait_dma2 semaphore(%arg22 : memref<!tpu.dma_semaphore, #tpu.memory_space<semaphore_mem>>) src(%dma_wait3A_210 : memref<80x128xf32, #tpu.memory_space<hbm>>) dst(%arg15 : memref<80x128xf32, #tpu.memory_space<vmem>>)
    %dma_wait3A_211 = arith.constant 0 : i32
    %dma_wait3A_212 = arith.constant 0 : i32
    %dma_wait3A_213 = tpu.memref_slice %arg2[%dma_wait3A_211, %dma_wait3A_212] : memref<11000x128xf32, #tpu.memory_space<hbm>> -> memref<80x128xf32, #tpu.memory_space<hbm>>
    %dma_wait3A_214 = arith.constant 0 : i32
    %dma_wait3A_215 = arith.constant 0 : i32
    %dma_wait3A_216 = tpu.memref_slice %arg2[%dma_wait3A_214, %dma_wait3A_215] : memref<11000x128xf32, #tpu.memory_space<hbm>> -> memref<80x128xf32, #tpu.memory_space<hbm>>
    tpu.wait_dma2 semaphore(%arg20 : memref<!tpu.dma_semaphore, #tpu.memory_space<semaphore_mem>>) src(%dma_wait3A_216 : memref<80x128xf32, #tpu.memory_space<hbm>>) dst(%arg13 : memref<80x128xf32, #tpu.memory_space<vmem>>)
    %dma_wait3A_217 = arith.constant 0 : i32
    %dma_wait3A_218 = arith.constant 0 : i32
    %dma_wait3A_219 = tpu.memref_slice %arg2[%dma_wait3A_217, %dma_wait3A_218] : memref<11000x128xf32, #tpu.memory_space<hbm>> -> memref<80x128xf32, #tpu.memory_space<hbm>>
    %dma_wait3A_220 = arith.constant 0 : i32
    %dma_wait3A_221 = arith.constant 0 : i32
    %dma_wait3A_222 = tpu.memref_slice %arg2[%dma_wait3A_220, %dma_wait3A_221] : memref<11000x128xf32, #tpu.memory_space<hbm>> -> memref<80x128xf32, #tpu.memory_space<hbm>>
    tpu.wait_dma2 semaphore(%arg21 : memref<!tpu.dma_semaphore, #tpu.memory_space<semaphore_mem>>) src(%dma_wait3A_222 : memref<80x128xf32, #tpu.memory_space<hbm>>) dst(%arg14 : memref<80x128xf32, #tpu.memory_space<vmem>>)
    %barrier3A_223 = arith.constant 0 : index
    tpu.barrier barrier_id(%barrier3A_223)
    %lt3A_224 = arith.constant 10 : i32
    %lt3A_225 = arith.cmpi slt, %arg1, %lt3A_224 : i32
    %convert_element_type3A_226 = arith.extui %lt3A_225 : i1 to i32
    %cond3A_227 = arith.constant 0 : i32
    %cond3A_228 = arith.cmpi ne, %convert_element_type3A_226, %cond3A_227 : i32
    scf.if %cond3A_228 {
      %mul3A_229 = arith.constant 1000 : i32
      %mul3A_230 = arith.muli %arg1, %mul3A_229 : i32
      %mul3A_231 = arith.constant 1000 : i32
      %mul3A_232 = arith.muli %arg1, %mul3A_231 : i32
      "tpu.region"() ({
        %run_scoped3A = tpu.sem_alloc : memref<!tpu.dma_semaphore, #tpu.memory_space<semaphore_mem>>
        %dma_start3A_233 = arith.constant 0 : i32
        %dma_start3A_234 = tpu.memref_slice %arg5[%arg0, %mul3A_232, %dma_start3A_233] : memref<2x10000x128xf32, #tpu.memory_space<hbm>> -> memref<1x1000x128xf32, #tpu.memory_space<hbm>>
        %dma_start3A_235 = tpu.memref_squeeze %dma_start3A_234 : memref<1x1000x128xf32, #tpu.memory_space<hbm>> -> memref<1000x128xf32, #tpu.memory_space<hbm>>
        %dma_start3A_236 = arith.constant 0 : i32
        %dma_start3A_237 = tpu.memref_slice %arg16[%mul3A_230, %dma_start3A_236] : memref<10000x128xf32, #tpu.memory_space<vmem_shared>> -> memref<1000x128xf32, #tpu.memory_space<vmem_shared>>
        tpu.enqueue_dma source(%dma_start3A_237 : memref<1000x128xf32, #tpu.memory_space<vmem_shared>>) target(%dma_start3A_235 : memref<1000x128xf32, #tpu.memory_space<hbm>>) target_semaphore(%run_scoped3A : memref<!tpu.dma_semaphore, #tpu.memory_space<semaphore_mem>>)
        %dma_wait3A_238 = arith.constant 0 : i32
        %dma_wait3A_239 = tpu.memref_slice %arg5[%arg0, %mul3A_232, %dma_wait3A_238] : memref<2x10000x128xf32, #tpu.memory_space<hbm>> -> memref<1x1000x128xf32, #tpu.memory_space<hbm>>
        %dma_wait3A_240 = tpu.memref_squeeze %dma_wait3A_239 : memref<1x1000x128xf32, #tpu.memory_space<hbm>> -> memref<1000x128xf32, #tpu.memory_space<hbm>>
        %dma_wait3A_241 = arith.constant 0 : i32
        %dma_wait3A_242 = tpu.memref_slice %arg16[%mul3A_230, %dma_wait3A_241] : memref<10000x128xf32, #tpu.memory_space<vmem_shared>> -> memref<1000x128xf32, #tpu.memory_space<vmem_shared>>
        tpu.wait_dma2 semaphore(%run_scoped3A : memref<!tpu.dma_semaphore, #tpu.memory_space<semaphore_mem>>) src(%dma_wait3A_242 : memref<1000x128xf32, #tpu.memory_space<vmem_shared>>) dst(%dma_wait3A_240 : memref<1000x128xf32, #tpu.memory_space<hbm>>)
        tpu.yield
      }) : () -> ()
    } else {
    }
    return
  }
}

module attributes {stable_mosaic.version = 14 : i64} {
  func.func @_tc2_body(%arg0: i32, %arg1: memref<2x1000x128xf32, #tpu.memory_space<vmem>>, %arg2: memref<2x10x1000xf32, #tpu.memory_space<vmem>>, %arg3: memref<1000x128xf32, #tpu.memory_space<vmem>>, %arg4: memref<128x128xf32, #tpu.memory_space<vmem>>, %arg5: memref<128x128xf32, #tpu.memory_space<vmem>>, %arg6: memref<1x128xf32, #tpu.memory_space<vmem>>, %arg7: memref<1000x128xf32, #tpu.memory_space<vmem>>, %arg8: memref<1000x128xf32, #tpu.memory_space<vmem>>) attributes {dimension_semantics = [#tpu.dimension_semantics<arbitrary>], iteration_bounds = array<i64: 11>, scalar_prefetch = 0 : i64, scratch_operands = 0 : i64, tpu.core_type = #tpu.core_type<tc>, window_params = [{transform_indices = @transform_0, window_bounds = array<i64: 2, 1000, 128>}, {pipeline_mode = #tpu.pipeline_mode<synchronous>, transform_indices = @transform_1, window_bounds = array<i64: 2, 10, 1000>}, {transform_indices = @transform_2, window_bounds = array<i64: 1000, 128>}, {pipeline_mode = #tpu.pipeline_mode<synchronous>, transform_indices = @transform_3, window_bounds = array<i64: 128, 128>}, {pipeline_mode = #tpu.pipeline_mode<synchronous>, transform_indices = @transform_4, window_bounds = array<i64: 128, 128>}, {pipeline_mode = #tpu.pipeline_mode<synchronous>, transform_indices = @transform_5, window_bounds = array<i64: 1, 128>}, {transform_indices = @transform_6, window_bounds = array<i64: 1000, 128>}, {transform_indices = @transform_7, window_bounds = array<i64: 1000, 128>}]} {
    %lt3A = arith.constant 10 : i32
    %lt3A_0 = arith.cmpi slt, %arg0, %lt3A : i32
    %convert_element_type3A = arith.extui %lt3A_0 : i1 to i32
    %cond3A = arith.constant 0 : i32
    %cond3A_1 = arith.cmpi ne, %convert_element_type3A, %cond3A : i32
    scf.if %cond3A_1 {
      %get3A = arith.constant 0 : index
      %get3A_6 = arith.constant 0 : index
      %get3A_7 = arith.constant 0 : index
      %get3A_8 = vector.load %arg1[%get3A, %get3A_6, %get3A_7] : memref<2x1000x128xf32, #tpu.memory_space<vmem>>, vector<1x1000x128xf32>
      %get3A_9 = vector.shape_cast %get3A_8 : vector<1x1000x128xf32> to vector<1000x128xf32>
      %get3A_10 = arith.constant 1 : index
      %get3A_11 = arith.constant 0 : index
      %get3A_12 = arith.constant 0 : index
      %get3A_13 = vector.load %arg1[%get3A_10, %get3A_11, %get3A_12] : memref<2x1000x128xf32, #tpu.memory_space<vmem>>, vector<1x1000x128xf32>
      %get3A_14 = vector.shape_cast %get3A_13 : vector<1x1000x128xf32> to vector<1000x128xf32>
      %add3A = arith.addf %get3A_9, %get3A_14 : vector<1000x128xf32>
      %get3A_15 = arith.constant 0 : index
      %get3A_16 = arith.index_cast %arg0 : i32 to index
      %get3A_17 = arith.constant 0 : index
      %get3A_18 = vector.load %arg2[%get3A_15, %get3A_16, %get3A_17] : memref<2x10x1000xf32, #tpu.memory_space<vmem>>, vector<1x1x1000xf32>
      %get3A_19 = vector.shape_cast %get3A_18 : vector<1x1x1000xf32> to vector<1x1000xf32>
      %get3A_20 = arith.constant 1 : index
      %get3A_21 = arith.index_cast %arg0 : i32 to index
      %get3A_22 = arith.constant 0 : index
      %get3A_23 = vector.load %arg2[%get3A_20, %get3A_21, %get3A_22] : memref<2x10x1000xf32, #tpu.memory_space<vmem>>, vector<1x1x1000xf32>
      %get3A_24 = vector.shape_cast %get3A_23 : vector<1x1x1000xf32> to vector<1x1000xf32>
      %add3A_25 = arith.addf %get3A_19, %get3A_24 : vector<1x1000xf32>
      %transpose3A = tpu.transpose %add3A_25, [1, 0] : vector<1x1000xf32> -> vector<1000x1xf32>
      %max3A = arith.constant 1.000000e+00 : f32
      %max3A_26 = vector.broadcast %max3A : f32 to vector<1000x1xf32>
      %max3A_27 = arith.maximumf %transpose3A, %max3A_26 : vector<1000x1xf32>
      %div3A = vector.broadcast %max3A_27 : vector<1000x1xf32> to vector<1000x128xf32>
      %div3A_28 = arith.divf %add3A, %div3A : vector<1000x128xf32>
      %get3A_29 = arith.constant 0 : index
      %get3A_30 = arith.constant 0 : index
      %get3A_31 = vector.load %arg3[%get3A_29, %get3A_30] : memref<1000x128xf32, #tpu.memory_space<vmem>>, vector<1000x128xf32>
      %add3A_32 = arith.addf %div3A_28, %get3A_31 : vector<1000x128xf32>
      %max3A_33 = arith.constant 0.000000e+00 : f32
      %max3A_34 = vector.broadcast %max3A_33 : f32 to vector<1000x128xf32>
      %max3A_35 = arith.maximumf %add3A_32, %max3A_34 : vector<1000x128xf32>
      %get3A_36 = arith.constant 0 : index
      %get3A_37 = arith.constant 0 : index
      %get3A_38 = vector.load %arg4[%get3A_36, %get3A_37] : memref<128x128xf32, #tpu.memory_space<vmem>>, vector<128x128xf32>
      %dot_general3A = arith.constant dense<0.000000e+00> : vector<1000x128xf32>
      %dot_general3A_39 = tpu.matmul %max3A_35, %get3A_38, %dot_general3A {dimension_numbers = #tpu.dot_dimension_numbers<[1], [0], [0], [1], [0, 0, 1, 1], [], []>, transpose_lhs_hint = false} : vector<1000x128xf32>, vector<128x128xf32>, vector<1000x128xf32> -> vector<1000x128xf32>
      %swap3A = arith.constant 0 : index
      %swap3A_40 = arith.constant 0 : index
      %swap3A_41 = vector.load %arg7[%swap3A, %swap3A_40] : memref<1000x128xf32, #tpu.memory_space<vmem>>, vector<1000x128xf32>
      tpu.vector_store %arg7[%swap3A, %swap3A_40], %dot_general3A_39 {strides = array<i32>} : memref<1000x128xf32, #tpu.memory_space<vmem>>, vector<1000x128xf32>,
      %get3A_42 = arith.constant 0 : index
      %get3A_43 = arith.constant 0 : index
      %get3A_44 = vector.load %arg5[%get3A_42, %get3A_43] : memref<128x128xf32, #tpu.memory_space<vmem>>, vector<128x128xf32>
      %dot_general3A_45 = arith.constant dense<0.000000e+00> : vector<1000x128xf32>
      %dot_general3A_46 = tpu.matmul %max3A_35, %get3A_44, %dot_general3A_45 {dimension_numbers = #tpu.dot_dimension_numbers<[1], [0], [0], [1], [0, 0, 1, 1], [], []>, transpose_lhs_hint = false} : vector<1000x128xf32>, vector<128x128xf32>, vector<1000x128xf32> -> vector<1000x128xf32>
      %get3A_47 = arith.constant 0 : index
      %get3A_48 = arith.constant 0 : index
      %get3A_49 = vector.load %arg6[%get3A_47, %get3A_48] : memref<1x128xf32, #tpu.memory_space<vmem>>, vector<1x128xf32>
      %add3A_50 = vector.broadcast %get3A_49 : vector<1x128xf32> to vector<1000x128xf32>
      %add3A_51 = arith.addf %dot_general3A_46, %add3A_50 : vector<1000x128xf32>
      %swap3A_52 = arith.constant 0 : index
      %swap3A_53 = arith.constant 0 : index
      %swap3A_54 = vector.load %arg8[%swap3A_52, %swap3A_53] : memref<1000x128xf32, #tpu.memory_space<vmem>>, vector<1000x128xf32>
      tpu.vector_store %arg8[%swap3A_52, %swap3A_53], %add3A_51 {strides = array<i32>} : memref<1000x128xf32, #tpu.memory_space<vmem>>, vector<1000x128xf32>,
    } else {
    }
    %eq3A = arith.constant 10 : i32
    %eq3A_2 = arith.cmpi eq, %arg0, %eq3A : i32
    %convert_element_type3A_3 = arith.extui %eq3A_2 : i1 to i32
    %cond3A_4 = arith.constant 0 : i32
    %cond3A_5 = arith.cmpi ne, %convert_element_type3A_3, %cond3A_4 : i32
    scf.if %cond3A_5 {
      %broadcast_in_dim3A = arith.constant 0.000000e+00 : f32
      %broadcast_in_dim3A_6 = vector.broadcast %broadcast_in_dim3A : f32 to vector<1000x128xf32>
      %swap3A = arith.constant 0 : index
      %swap3A_7 = arith.constant 0 : index
      %swap3A_8 = vector.load %arg7[%swap3A, %swap3A_7] : memref<1000x128xf32, #tpu.memory_space<vmem>>, vector<1000x128xf32>
      tpu.vector_store %arg7[%swap3A, %swap3A_7], %broadcast_in_dim3A_6 {strides = array<i32>} : memref<1000x128xf32, #tpu.memory_space<vmem>>, vector<1000x128xf32>,
    } else {
    }
    return
  }
  func.func @transform_0(%arg0: i32) -> (i32, i32, i32) {
    %min3A = arith.constant 9 : i32
    %min3A_0 = arith.minsi %arg0, %min3A : i32
    %c0_i32 = arith.constant 0 : i32
    %c0_i32_1 = arith.constant 0 : i32
    %c0_i32_2 = arith.constant 0 : i32
    return %c0_i32, %min3A_0, %c0_i32_1 : i32, i32, i32
  }
  func.func @transform_1(%arg0: i32) -> (i32, i32, i32) {
    %c0_i32 = arith.constant 0 : i32
    %c0_i32_0 = arith.constant 0 : i32
    %c0_i32_1 = arith.constant 0 : i32
    %c0_i32_2 = arith.constant 0 : i32
    return %c0_i32, %c0_i32_0, %c0_i32_1 : i32, i32, i32
  }
  func.func @transform_2(%arg0: i32) -> (i32, i32) {
    %min3A = arith.constant 9 : i32
    %min3A_0 = arith.minsi %arg0, %min3A : i32
    %c0_i32 = arith.constant 0 : i32
    %c0_i32_1 = arith.constant 0 : i32
    return %min3A_0, %c0_i32 : i32, i32
  }
  func.func @transform_3(%arg0: i32) -> (i32, i32) {
    %c0_i32 = arith.constant 0 : i32
    %c0_i32_0 = arith.constant 0 : i32
    %c0_i32_1 = arith.constant 0 : i32
    return %c0_i32, %c0_i32_0 : i32, i32
  }
  func.func @transform_4(%arg0: i32) -> (i32, i32) {
    %c0_i32 = arith.constant 0 : i32
    %c0_i32_0 = arith.constant 0 : i32
    %c0_i32_1 = arith.constant 0 : i32
    return %c0_i32, %c0_i32_0 : i32, i32
  }
  func.func @transform_5(%arg0: i32) -> (i32, i32) {
    %c0_i32 = arith.constant 0 : i32
    %c0_i32_0 = arith.constant 0 : i32
    %c0_i32_1 = arith.constant 0 : i32
    return %c0_i32, %c0_i32_0 : i32, i32
  }
  func.func @transform_6(%arg0: i32) -> (i32, i32) {
    %c0_i32 = arith.constant 0 : i32
    %c0_i32_0 = arith.constant 0 : i32
    return %arg0, %c0_i32 : i32, i32
  }
  func.func @transform_7(%arg0: i32) -> (i32, i32) {
    %c0_i32 = arith.constant 0 : i32
    %c0_i32_0 = arith.constant 0 : i32
    return %arg0, %c0_i32 : i32, i32
  }
}

module attributes {stable_mosaic.version = 14 : i64} {
  func.func @_tc1_body(%arg0: i32, %arg1: memref<1000x128xf32, #tpu.memory_space<vmem>>, %arg2: memref<128x128xf32, #tpu.memory_space<vmem>>, %arg3: memref<128x128xf32, #tpu.memory_space<vmem>>, %arg4: memref<1x128xf32, #tpu.memory_space<vmem>>, %arg5: memref<2x32768xi32, #tpu.memory_space<vmem>>, %arg6: memref<1000x128xf32, #tpu.memory_space<vmem>>, %arg7: memref<1000x128xf32, #tpu.memory_space<vmem>>, %arg8: memref<32768xi32, #tpu.memory_space<vmem>>) attributes {dimension_semantics = [#tpu.dimension_semantics<arbitrary>], iteration_bounds = array<i64: 11>, scalar_prefetch = 0 : i64, scratch_operands = 0 : i64, tpu.core_type = #tpu.core_type<tc>, window_params = [{transform_indices = @transform_0, window_bounds = array<i64: 1000, 128>}, {pipeline_mode = #tpu.pipeline_mode<synchronous>, transform_indices = @transform_1, window_bounds = array<i64: 128, 128>}, {pipeline_mode = #tpu.pipeline_mode<synchronous>, transform_indices = @transform_2, window_bounds = array<i64: 128, 128>}, {pipeline_mode = #tpu.pipeline_mode<synchronous>, transform_indices = @transform_3, window_bounds = array<i64: 1, 128>}, {transform_indices = @transform_4, window_bounds = array<i64: 2, 32768>}, {transform_indices = @transform_5, window_bounds = array<i64: 1000, 128>}, {transform_indices = @transform_6, window_bounds = array<i64: 1000, 128>}, {transform_indices = @transform_7, window_bounds = array<i64: 32768>}]} {
    %lt3A = arith.constant 10 : i32
    %lt3A_0 = arith.cmpi slt, %arg0, %lt3A : i32
    %convert_element_type3A = arith.extui %lt3A_0 : i1 to i32
    %cond3A = arith.constant 0 : i32
    %cond3A_1 = arith.cmpi ne, %convert_element_type3A, %cond3A : i32
    scf.if %cond3A_1 {
      %get3A_49 = arith.constant 0 : index
      %get3A_50 = arith.constant 0 : index
      %get3A_51 = vector.load %arg1[%get3A_49, %get3A_50] : memref<1000x128xf32, #tpu.memory_space<vmem>>, vector<1000x128xf32>
      %get3A_52 = arith.constant 0 : index
      %get3A_53 = arith.constant 0 : index
      %get3A_54 = vector.load %arg2[%get3A_52, %get3A_53] : memref<128x128xf32, #tpu.memory_space<vmem>>, vector<128x128xf32>
      %dot_general3A = arith.constant dense<0.000000e+00> : vector<1000x128xf32>
      %dot_general3A_55 = tpu.matmul %get3A_51, %get3A_54, %dot_general3A {dimension_numbers = #tpu.dot_dimension_numbers<[1], [0], [0], [1], [0, 0, 1, 1], [], []>, transpose_lhs_hint = false} : vector<1000x128xf32>, vector<128x128xf32>, vector<1000x128xf32> -> vector<1000x128xf32>
      %swap3A_56 = arith.constant 0 : index
      %swap3A_57 = arith.constant 0 : index
      %swap3A_58 = vector.load %arg6[%swap3A_56, %swap3A_57] : memref<1000x128xf32, #tpu.memory_space<vmem>>, vector<1000x128xf32>
      tpu.vector_store %arg6[%swap3A_56, %swap3A_57], %dot_general3A_55 {strides = array<i32>} : memref<1000x128xf32, #tpu.memory_space<vmem>>, vector<1000x128xf32>,
      %get3A_59 = arith.constant 0 : index
      %get3A_60 = arith.constant 0 : index
      %get3A_61 = vector.load %arg3[%get3A_59, %get3A_60] : memref<128x128xf32, #tpu.memory_space<vmem>>, vector<128x128xf32>
      %dot_general3A_62 = arith.constant dense<0.000000e+00> : vector<1000x128xf32>
      %dot_general3A_63 = tpu.matmul %get3A_51, %get3A_61, %dot_general3A_62 {dimension_numbers = #tpu.dot_dimension_numbers<[1], [0], [0], [1], [0, 0, 1, 1], [], []>, transpose_lhs_hint = false} : vector<1000x128xf32>, vector<128x128xf32>, vector<1000x128xf32> -> vector<1000x128xf32>
      %get3A_64 = arith.constant 0 : index
      %get3A_65 = arith.constant 0 : index
      %get3A_66 = vector.load %arg4[%get3A_64, %get3A_65] : memref<1x128xf32, #tpu.memory_space<vmem>>, vector<1x128xf32>
      %add3A_67 = vector.broadcast %get3A_66 : vector<1x128xf32> to vector<1000x128xf32>
      %add3A_68 = arith.addf %dot_general3A_63, %add3A_67 : vector<1000x128xf32>
      %swap3A_69 = arith.constant 0 : index
      %swap3A_70 = arith.constant 0 : index
      %swap3A_71 = vector.load %arg7[%swap3A_69, %swap3A_70] : memref<1000x128xf32, #tpu.memory_space<vmem>>, vector<1000x128xf32>
      tpu.vector_store %arg7[%swap3A_69, %swap3A_70], %add3A_68 {strides = array<i32>} : memref<1000x128xf32, #tpu.memory_space<vmem>>, vector<1000x128xf32>,
    } else {
    }
    %eq3A = arith.constant 10 : i32
    %eq3A_2 = arith.cmpi eq, %arg0, %eq3A : i32
    %convert_element_type3A_3 = arith.extui %eq3A_2 : i1 to i32
    %cond3A_4 = arith.constant 0 : i32
    %cond3A_5 = arith.cmpi ne, %convert_element_type3A_3, %cond3A_4 : i32
    scf.if %cond3A_5 {
      %broadcast_in_dim3A = arith.constant 0.000000e+00 : f32
      %broadcast_in_dim3A_49 = vector.broadcast %broadcast_in_dim3A : f32 to vector<1000x128xf32>
      %swap3A_50 = arith.constant 0 : index
      %swap3A_51 = arith.constant 0 : index
      %swap3A_52 = vector.load %arg6[%swap3A_50, %swap3A_51] : memref<1000x128xf32, #tpu.memory_space<vmem>>, vector<1000x128xf32>
      tpu.vector_store %arg6[%swap3A_50, %swap3A_51], %broadcast_in_dim3A_49 {strides = array<i32>} : memref<1000x128xf32, #tpu.memory_space<vmem>>, vector<1000x128xf32>,
    } else {
    }
    %min3A = arith.constant 9 : i32
    %min3A_6 = arith.minsi %arg0, %min3A : i32
    %mul3A = arith.constant 32768 : i32
    %mul3A_7 = arith.muli %min3A_6, %mul3A : i32
    %iota3A = tpu.iota {dimensions = array<i32: 1>} : vector<1x32768xi32>
    %add3A = vector.broadcast %mul3A_7 : i32 to vector<1x32768xi32>
    %add3A_8 = arith.addi %add3A, %iota3A : vector<1x32768xi32>
    %get3A = arith.constant 0 : index
    %get3A_9 = arith.constant 0 : index
    %get3A_10 = vector.load %arg5[%get3A, %get3A_9] : memref<2x32768xi32, #tpu.memory_space<vmem>>, vector<1x32768xi32>
    %get3A_11 = arith.constant 1 : index
    %get3A_12 = arith.constant 0 : index
    %get3A_13 = vector.load %arg5[%get3A_11, %get3A_12] : memref<2x32768xi32, #tpu.memory_space<vmem>>, vector<1x32768xi32>
    %sub3A = arith.constant 320000 : i32
    %sub3A_14 = vector.broadcast %sub3A : i32 to vector<1x32768xi32>
    %sub3A_15 = arith.subi %add3A_8, %sub3A_14 : vector<1x32768xi32>
    %max3A = arith.constant 0 : i32
    %max3A_16 = vector.broadcast %max3A : i32 to vector<1x32768xi32>
    %max3A_17 = arith.maxsi %sub3A_15, %max3A_16 : vector<1x32768xi32>
    %jit3A = arith.constant 1000 : i32
    %eq3A_18 = arith.constant 0 : i32
    %eq3A_19 = arith.cmpi eq, %jit3A, %eq3A_18 : i32
    %jit3A_20 = arith.constant 1 : i32
    %select_n3A = arith.select %eq3A_19, %jit3A_20, %jit3A : i32
    %rem3A = vector.broadcast %select_n3A : i32 to vector<1x32768xi32>
    %rem3A_21 = arith.remsi %max3A_17, %rem3A : vector<1x32768xi32>
    %ne3A = arith.constant 0 : i32
    %ne3A_22 = vector.broadcast %ne3A : i32 to vector<1x32768xi32>
    %ne3A_23 = arith.cmpi ne, %rem3A_21, %ne3A_22 : vector<1x32768xi32>
    %lt3A_24 = arith.constant 0 : i32
    %lt3A_25 = vector.broadcast %lt3A_24 : i32 to vector<1x32768xi32>
    %lt3A_26 = arith.cmpi slt, %rem3A_21, %lt3A_25 : vector<1x32768xi32>
    %lt3A_27 = arith.constant 0 : i32
    %lt3A_28 = arith.cmpi slt, %select_n3A, %lt3A_27 : i32
    %ne3A_29 = vector.broadcast %lt3A_28 : i1 to vector<1x32768xi1>
    %ne3A_30 = vector.broadcast %ne3A_29 : vector<1x32768xi1> to vector<1x32768xi1>
    %ne3A_31 = arith.xori %lt3A_26, %ne3A_30 : vector<1x32768xi1>
    %and3A = arith.andi %ne3A_31, %ne3A_23 : vector<1x32768xi1>
    %add3A_32 = vector.broadcast %select_n3A : i32 to vector<1x32768xi32>
    %add3A_33 = arith.addi %rem3A_21, %add3A_32 : vector<1x32768xi32>
    %select_n3A_34 = arith.select %and3A, %add3A_33, %rem3A_21 : vector<1x32768xi1>, vector<1x32768xi32>
    %add3A_35 = arith.constant 10000 : i32
    %add3A_36 = vector.broadcast %add3A_35 : i32 to vector<1x32768xi32>
    %add3A_37 = arith.addi %add3A_36, %select_n3A_34 : vector<1x32768xi32>
    %shift_left3A = arith.constant 16 : i32
    %shift_left3A_38 = vector.broadcast %shift_left3A : i32 to vector<1x32768xi32>
    %shift_left3A_39 = arith.shli %max3A_17, %shift_left3A_38 : vector<1x32768xi32>
    %or3A = arith.ori %add3A_37, %shift_left3A_39 : vector<1x32768xi32>
    %lt3A_40 = arith.constant 320000 : i32
    %lt3A_41 = vector.broadcast %lt3A_40 : i32 to vector<1x32768xi32>
    %lt3A_42 = arith.cmpi slt, %add3A_8, %lt3A_41 : vector<1x32768xi32>
    %shift_left3A_43 = arith.constant 16 : i32
    %shift_left3A_44 = vector.broadcast %shift_left3A_43 : i32 to vector<1x32768xi32>
    %shift_left3A_45 = arith.shli %get3A_13, %shift_left3A_44 : vector<1x32768xi32>
    %or3A_46 = arith.ori %get3A_10, %shift_left3A_45 : vector<1x32768xi32>
    %select_n3A_47 = arith.select %lt3A_42, %or3A_46, %or3A : vector<1x32768xi1>, vector<1x32768xi32>
    %reshape3A = vector.shape_cast %select_n3A_47 : vector<1x32768xi32> to vector<32768xi32>
    %swap3A = arith.constant 0 : index
    %swap3A_48 = vector.load %arg8[%swap3A] : memref<32768xi32, #tpu.memory_space<vmem>>, vector<32768xi32>
    tpu.vector_store %arg8[%swap3A], %reshape3A {strides = array<i32>} : memref<32768xi32, #tpu.memory_space<vmem>>, vector<32768xi32>,
    return
  }
  func.func @transform_0(%arg0: i32) -> (i32, i32) {
    %min3A = arith.constant 9 : i32
    %min3A_0 = arith.minsi %arg0, %min3A : i32
    %c0_i32 = arith.constant 0 : i32
    %c0_i32_1 = arith.constant 0 : i32
    return %min3A_0, %c0_i32 : i32, i32
  }
  func.func @transform_1(%arg0: i32) -> (i32, i32) {
    %c0_i32 = arith.constant 0 : i32
    %c0_i32_0 = arith.constant 0 : i32
    %c0_i32_1 = arith.constant 0 : i32
    return %c0_i32, %c0_i32_0 : i32, i32
  }
  func.func @transform_2(%arg0: i32) -> (i32, i32) {
    %c0_i32 = arith.constant 0 : i32
    %c0_i32_0 = arith.constant 0 : i32
    %c0_i32_1 = arith.constant 0 : i32
    return %c0_i32, %c0_i32_0 : i32, i32
  }
  func.func @transform_3(%arg0: i32) -> (i32, i32) {
    %c0_i32 = arith.constant 0 : i32
    %c0_i32_0 = arith.constant 0 : i32
    %c0_i32_1 = arith.constant 0 : i32
    return %c0_i32, %c0_i32_0 : i32, i32
  }
  func.func @transform_4(%arg0: i32) -> (i32, i32) {
    %min3A = arith.constant 9 : i32
    %min3A_0 = arith.minsi %arg0, %min3A : i32
    %c0_i32 = arith.constant 0 : i32
    %c0_i32_1 = arith.constant 0 : i32
    return %c0_i32, %min3A_0 : i32, i32
  }
  func.func @transform_5(%arg0: i32) -> (i32, i32) {
    %c0_i32 = arith.constant 0 : i32
    %c0_i32_0 = arith.constant 0 : i32
    return %arg0, %c0_i32 : i32, i32
  }
  func.func @transform_6(%arg0: i32) -> (i32, i32) {
    %c0_i32 = arith.constant 0 : i32
    %c0_i32_0 = arith.constant 0 : i32
    return %arg0, %c0_i32 : i32, i32
  }
  func.func @transform_7(%arg0: i32) -> i32 {
    %min3A = arith.constant 9 : i32
    %min3A_0 = arith.minsi %arg0, %min3A : i32
    %c0_i32 = arith.constant 0 : i32
    return %min3A_0 : i32
  }
}

module attributes {stable_mosaic.version = 14 : i64} {
  func.func @_tc3_body(%arg0: i32, %arg1: memref<2x1000x128xf32, #tpu.memory_space<vmem>>, %arg2: memref<2x10x1000xf32, #tpu.memory_space<vmem>>, %arg3: memref<1000x128xf32, #tpu.memory_space<vmem>>, %arg4: memref<1000x128xf32, #tpu.memory_space<vmem>>) attributes {dimension_semantics = [#tpu.dimension_semantics<arbitrary>], iteration_bounds = array<i64: 10>, scalar_prefetch = 0 : i64, scratch_operands = 0 : i64, tpu.core_type = #tpu.core_type<tc>, window_params = [{transform_indices = @transform_0, window_bounds = array<i64: 2, 1000, 128>}, {pipeline_mode = #tpu.pipeline_mode<synchronous>, transform_indices = @transform_1, window_bounds = array<i64: 2, 10, 1000>}, {transform_indices = @transform_2, window_bounds = array<i64: 1000, 128>}, {transform_indices = @transform_3, window_bounds = array<i64: 1000, 128>}]} {
    %get3A = arith.constant 0 : index
    %get3A_0 = arith.constant 0 : index
    %get3A_1 = arith.constant 0 : index
    %get3A_2 = vector.load %arg1[%get3A, %get3A_0, %get3A_1] : memref<2x1000x128xf32, #tpu.memory_space<vmem>>, vector<1x1000x128xf32>
    %get3A_3 = vector.shape_cast %get3A_2 : vector<1x1000x128xf32> to vector<1000x128xf32>
    %get3A_4 = arith.constant 1 : index
    %get3A_5 = arith.constant 0 : index
    %get3A_6 = arith.constant 0 : index
    %get3A_7 = vector.load %arg1[%get3A_4, %get3A_5, %get3A_6] : memref<2x1000x128xf32, #tpu.memory_space<vmem>>, vector<1x1000x128xf32>
    %get3A_8 = vector.shape_cast %get3A_7 : vector<1x1000x128xf32> to vector<1000x128xf32>
    %add3A = arith.addf %get3A_3, %get3A_8 : vector<1000x128xf32>
    %get3A_9 = arith.constant 0 : index
    %get3A_10 = arith.index_cast %arg0 : i32 to index
    %get3A_11 = arith.constant 0 : index
    %get3A_12 = vector.load %arg2[%get3A_9, %get3A_10, %get3A_11] : memref<2x10x1000xf32, #tpu.memory_space<vmem>>, vector<1x1x1000xf32>
    %get3A_13 = vector.shape_cast %get3A_12 : vector<1x1x1000xf32> to vector<1x1000xf32>
    %get3A_14 = arith.constant 1 : index
    %get3A_15 = arith.index_cast %arg0 : i32 to index
    %get3A_16 = arith.constant 0 : index
    %get3A_17 = vector.load %arg2[%get3A_14, %get3A_15, %get3A_16] : memref<2x10x1000xf32, #tpu.memory_space<vmem>>, vector<1x1x1000xf32>
    %get3A_18 = vector.shape_cast %get3A_17 : vector<1x1x1000xf32> to vector<1x1000xf32>
    %add3A_19 = arith.addf %get3A_13, %get3A_18 : vector<1x1000xf32>
    %transpose3A = tpu.transpose %add3A_19, [1, 0] : vector<1x1000xf32> -> vector<1000x1xf32>
    %max3A = arith.constant 1.000000e+00 : f32
    %max3A_20 = vector.broadcast %max3A : f32 to vector<1000x1xf32>
    %max3A_21 = arith.maximumf %transpose3A, %max3A_20 : vector<1000x1xf32>
    %div3A = vector.broadcast %max3A_21 : vector<1000x1xf32> to vector<1000x128xf32>
    %div3A_22 = arith.divf %add3A, %div3A : vector<1000x128xf32>
    %get3A_23 = arith.constant 0 : index
    %get3A_24 = arith.constant 0 : index
    %get3A_25 = vector.load %arg3[%get3A_23, %get3A_24] : memref<1000x128xf32, #tpu.memory_space<vmem>>, vector<1000x128xf32>
    %add3A_26 = arith.addf %div3A_22, %get3A_25 : vector<1000x128xf32>
    %reduce_max3A = arith.constant dense<0xFF800000> : vector<1000xf32>
    %reduce_max3A_27 = vector.multi_reduction <maximumf>, %add3A_26, %reduce_max3A [1] : vector<1000x128xf32> to vector<1000xf32>
    %broadcast_in_dim3A = vector.shape_cast %reduce_max3A_27 : vector<1000xf32> to vector<1000x1xf32>
    %sub3A = vector.broadcast %broadcast_in_dim3A : vector<1000x1xf32> to vector<1000x128xf32>
    %sub3A_28 = arith.subf %add3A_26, %sub3A : vector<1000x128xf32>
    %exp3A = math.exp %sub3A_28 : vector<1000x128xf32>
    %reduce_sum3A = arith.constant dense<0.000000e+00> : vector<1000xf32>
    %reduce_sum3A_29 = vector.multi_reduction <add>, %exp3A, %reduce_sum3A [1] : vector<1000x128xf32> to vector<1000xf32>
    %broadcast_in_dim3A_30 = vector.shape_cast %reduce_sum3A_29 : vector<1000xf32> to vector<1000x1xf32>
    %log3A = math.log %broadcast_in_dim3A_30 : vector<1000x1xf32>
    %add3A_31 = arith.addf %log3A, %broadcast_in_dim3A : vector<1000x1xf32>
    %sub3A_32 = vector.broadcast %add3A_31 : vector<1000x1xf32> to vector<1000x128xf32>
    %sub3A_33 = arith.subf %add3A_26, %sub3A_32 : vector<1000x128xf32>
    %swap3A = arith.constant 0 : index
    %swap3A_34 = arith.constant 0 : index
    %swap3A_35 = vector.load %arg4[%swap3A, %swap3A_34] : memref<1000x128xf32, #tpu.memory_space<vmem>>, vector<1000x128xf32>
    tpu.vector_store %arg4[%swap3A, %swap3A_34], %sub3A_33 {strides = array<i32>} : memref<1000x128xf32, #tpu.memory_space<vmem>>, vector<1000x128xf32>,
    return
  }
  func.func @transform_0(%arg0: i32) -> (i32, i32, i32) {
    %c0_i32 = arith.constant 0 : i32
    %c0_i32_0 = arith.constant 0 : i32
    %c0_i32_1 = arith.constant 0 : i32
    return %c0_i32, %arg0, %c0_i32_0 : i32, i32, i32
  }
  func.func @transform_1(%arg0: i32) -> (i32, i32, i32) {
    %c0_i32 = arith.constant 0 : i32
    %c0_i32_0 = arith.constant 0 : i32
    %c0_i32_1 = arith.constant 0 : i32
    %c0_i32_2 = arith.constant 0 : i32
    return %c0_i32, %c0_i32_0, %c0_i32_1 : i32, i32, i32
  }
  func.func @transform_2(%arg0: i32) -> (i32, i32) {
    %c0_i32 = arith.constant 0 : i32
    %c0_i32_0 = arith.constant 0 : i32
    return %arg0, %c0_i32 : i32, i32
  }
  func.func @transform_3(%arg0: i32) -> (i32, i32) {
    %c0_i32 = arith.constant 0 : i32
    %c0_i32_0 = arith.constant 0 : i32
    return %arg0, %c0_i32 : i32, i32
  }
}

</mosaic_0001>

<sc_bundles>
// kernel: kernel.10.cloned.1.call-start
scs
__scs_entry_jumppad:
0x0: {  	(pc) =	sbr.rel $0x88, $3  }
0x1: {  	(tag) =	ssettag $0x0;
	lr =	simm.s32 $0x1  }
0x2: {  	[smem:$0x3F99] =	sst lr;
	_ =	strace $0xD0000000  }
0x3: {  	_ = 	snop  }
0x4: {  	_ = 	snop  }
0x5: {  	_ = 	snop  }
0x6: {  	_ = 	snop  }
0x7: {  	_ = 	snop  }
__scs_overlays_trampoline_lowered:
0x8: {  	[smem:$0x3FA8] =	sst s0  }
0x9: {  	[smem:$0x3FA9] =	sst s1  }
0xa: {  	[smem:$0x3FAA] =	sst s2  }
0xb: {  	[smem:$0x3FAB] =	sst s3  }
0xc: {  	[smem:$0x3FAC] =	sst s4  }
0xd: {  	[smem:$0x3FAD] =	sst s5  }
0xe: {  	[smem:$0x3FAE] =	sst s6  }
0xf: {  	[smem:$0x3FAF] =	sst s7  }
0x10: {  	[smem:$0x3FB0] =	sst s8  }
0x11: {  	[smem:$0x3FB1] =	sst s9;
	s0 =	simm.s32 @!p0 $0x0  }
0x12: {  	s1 =	sld [smem:$0x3F97];
	s0 =	simm.s32 @p0 $0x1  }
0x13: {  	[smem:$0x3FB2] =	sst s0;
	s0 =	simm.s32 @!p1 $0x0  }
0x14: {  	s2 =	sld [smem:$0x3F96];
	s0 =	simm.s32 @p1 $0x1  }
0x15: {  	[smem:$0x3FB3] =	sst s0;
	s0 =	simm.s32 @!p2 $0x0  }
0x16: {  	s3 =	sld [smem:$0x3FDB];
	s0 =	simm.s32 @p2 $0x1  }
0x17: {  	s4 =	simm.s32 $0x1BF5;
	[smem:$0x3FB5] =	sst s0  }
0x18: {  	s0 =	sld [smem:$0x3F98];
	_ =	swait.ge [sflag:s4], $0x0  }
0x19: {  	s7 =	sld [smem:$0x3F99]  }
0x1a: {  	s8 =	sadd.s32 $0xFFFFE003, lr  }
0x1b: {  	s9 =	sadd.s32 $0xFFFFFEF7, lr;
	s5 =	simm.s32 $0xFFFFFFFF;
	p2 =	slt.u32 s8, $0xFFFFF086  }
0x1c: {  	p1 =	slt.u32 s9, $0xF7A;
	s5 =	simm.s32 @!p2 $0x0  }
0x1d: {  	s5 =	simm.s32 @p1 $0x1;
	p0 =	seq.s32 s7, s2  }
0x1e: {  	s7 =	smul.u32 @!p0 $0xF7A, s2;
	p2 =	seq.s32 @!p0 s5, $0x0  }
0x1f: {  	s9 =	smul.u32 $0xF7A, s1;
	s8 =	simm.s32 @!p0 $0x1BF5;
	p2 =	por !p2, p0  }
0x20: {  	[sflag:s8] =	ssyncset.s32 @!p0 $0xFFFFF086;
	s6 =	sadd.s32 @!p0 s3, s7;
	s7 =	simm.s32 @!p0 $0x108  }
0x21: {  	s3 =	sadd.s32 s3, s9;
	s6 =	sadd.s32 @!p0 $0x88, s6;
	s7 =	simm.s32 @p2 $0x1082  }
0x22: {  	[simem:s7], [sflag:s8] =	dma.local @!p0 [hbm:s6], $0xF7A  }
0x23: {  	s9 =	sor.u32 $0xD0000000, s2;
	s6 =	simm.s32 $0x108;
	_ =	swait.ge @!p0 [sflag:s8], $0x0  }
0x24: {  	s3 =	sadd.s32 $0x88, s3;
	s6 =	simm.s32 @!p1 $0x1082;
	[sflag:s4] =	ssyncset.s32 $0xFFFFF086  }
0x25: {  	[simem:s6], [sflag:s4] =	dma.local [hbm:s3], $0xF7A  }
0x26: {  	[smem:$0x3F99] =	sst s1;
	(tag) =	ssettag s2;
	_ =	strace s9  }
0x27: {  	s1 =	sld [smem:$0x3FA9]  }
0x28: {  	s2 =	sld [smem:$0x3FAA]  }
0x29: {  	s4 =	sld [smem:$0x3FAC]  }
0x2a: {  	p0 =	seq.s32 s5, $0x0;
	s5 =	sld [smem:$0x3FAD]  }
0x2b: {  	s6 =	sld [smem:$0x3FAE]  }
0x2c: {  	s7 =	sld [smem:$0x3FAF]  }
0x2d: {  	s3 =	simm.s32 $0x108;
	s8 =	sld [smem:$0x3FB0]  }
0x2e: {  	s3 =	simm.s32 @!p0 $0x1082;
	s9 =	sld [smem:$0x3FB1]  }
0x2f: {  	lr =	sadd.s32 s0, s3;
	s0 =	sld [smem:$0x3FA8]  }
0x30: {  	s3 =	sld [smem:$0x3FAB]  }
0x31: {  	[smem:$0x3FB4] =	sst s10  }
0x32: {  	s10 =	sld [smem:$0x3FB2];
	_ =	sdelay $0x3  }
0x33: {  	p0 =	seq.s32 s10, $0x1;
	s10 =	sld [smem:$0x3FB4];
	_ =	sdelay $0x3  }
0x34: {  	[smem:$0x3FB4] =	sst s10  }
0x35: {  	s10 =	sld [smem:$0x3FB3];
	_ =	sdelay $0x3  }
0x36: {  	p1 =	seq.s32 s10, $0x1;
	s10 =	sld [smem:$0x3FB4];
	_ =	sdelay $0x3  }
0x37: {  	[smem:$0x3FB4] =	sst s10  }
0x38: {  	s10 =	sld [smem:$0x3FB5]  }
0x39: {  	_ = 	snop;
	(pc) =	sbr.ind lr, $3  }
0x3a: {  	_ = 	snop  }
0x3b: {  	_ = 	snop  }
0x3c: {  	p2 =	seq.s32 s10, $0x1;
	s10 =	sld [smem:$0x3FB4]  }
0x3d: {  	_ =	shalt  }
0x3e: {  	_ =	shalt  }
0x3f: {  	_ =	shalt  }
0x40: {  	_ =	shalt  }
0x41: {  	_ =	shalt  }
0x42: {  	_ =	shalt  }
0x43: {  	_ =	shalt  }
0x44: {  	_ =	shalt  }
0x45: {  	_ =	shalt  }
0x46: {  	_ =	shalt  }
0x47: {  	_ =	shalt  }
0x48: {  	_ =	shalt  }
0x49: {  	_ =	shalt  }
0x4a: {  	_ =	shalt  }
0x4b: {  	_ =	shalt  }
0x4c: {  	_ =	shalt  }
0x4d: {  	_ =	shalt  }
0x4e: {  	_ =	shalt  }
0x4f: {  	_ =	shalt  }
0x50: {  	_ =	shalt  }
0x51: {  	_ =	shalt  }
0x52: {  	_ =	shalt  }
0x53: {  	_ =	shalt  }
0x54: {  	_ =	shalt  }
0x55: {  	_ =	shalt  }
0x56: {  	_ =	shalt  }
0x57: {  	_ =	shalt  }
0x58: {  	_ =	shalt  }
0x59: {  	_ =	shalt  }
0x5a: {  	_ =	shalt  }
0x5b: {  	_ =	shalt  }
0x5c: {  	_ =	shalt  }
0x5d: {  	_ =	shalt  }
0x5e: {  	_ =	shalt  }
0x5f: {  	_ =	shalt  }
0x60: {  	_ =	shalt  }
0x61: {  	_ =	shalt  }
0x62: {  	_ =	shalt  }
0x63: {  	_ =	shalt  }
0x64: {  	_ =	shalt  }
0x65: {  	_ =	shalt  }
0x66: {  	_ =	shalt  }
0x67: {  	_ =	shalt  }
0x68: {  	_ =	shalt  }
0x69: {  	_ =	shalt  }
0x6a: {  	_ =	shalt  }
0x6b: {  	_ =	shalt  }
0x6c: {  	_ =	shalt  }
0x6d: {  	_ =	shalt  }
0x6e: {  	_ =	shalt  }
0x6f: {  	_ =	shalt  }
0x70: {  	_ =	shalt  }
0x71: {  	_ =	shalt  }
0x72: {  	_ =	shalt  }
0x73: {  	_ =	shalt  }
0x74: {  	_ =	shalt  }
0x75: {  	_ =	shalt  }
0x76: {  	_ =	shalt  }
0x77: {  	_ =	shalt  }
0x78: {  	_ =	shalt  }
0x79: {  	_ =	shalt  }
0x7a: {  	_ =	shalt  }
0x7b: {  	_ =	shalt  }
0x7c: {  	_ =	shalt  }
0x7d: {  	_ =	shalt  }
0x7e: {  	_ =	shalt  }
0x7f: {  	_ =	shalt  }
0x80: {  	_ =	shalt  }
0x81: {  	_ =	shalt  }
0x82: {  	_ =	shalt  }
0x83: {  	_ =	shalt  }
0x84: {  	_ =	shalt  }
0x85: {  	_ =	shalt  }
0x86: {  	_ =	shalt  }
0x87: {  	_ =	shalt  }
.Lfunc_end0:
.L_simem_size_0:
called_computation.1_lowered:
.L_overlay_start_0:
0x88: {  	s2 =	sld [smem:$0x3FD9]  }
0x89: {  	s3 =	sld [smem:$0x3FFE];
	_ =	sdelay $0x1  }
0x8a: {  	s1 =	srdreg.scid  }
0x8b: {  	s0 =	sand.u32 $0x1, s1  }
0x8c: {  	s17 =	sshll.u32 s0, $0xA;
	s2 =	sadd.s32 s3, s2  }
0x8d: {  	s2 =	sadd.s32 s2, s17  }
0x8e: {  	[smem:$0x3FC0] =	sst s2  }
0x8f: {  	_ = 	snop  }
0x90: {  	s2 =	sld [smem:$0x3FD0];
	(tm) =	ssettm $0x1  }
0x91: {  	s18 =	sld [smem:$0x3FFB];
	_ =	sdelay $0x3  }
0x92: {  	_ =	strace s18  }
0x93: {  	s3 =	sld [smem:$0x3FFC];
	_ =	sdelay $0x3  }
0x94: {  	_ =	strace s3  }
0x95: {  	s3 =	sld [smem:$0x3FFD];
	_ =	sdelay $0x3  }
0x96: {  	_ =	strace s3  }
0x97: {  	_ =	strace $0x8FFFFFFF  }
0x98: {  	s19 =	sld [smem:$0x3FDB];
	_ =	sdelay $0x1  }
0x99: {  	s4 =	simm.s32 $_scs_section_size  }
0x9a: {  	s5 =	simm.s32 $_size__tile_overlayer_lowered;
	s6 =	simm.s32 $_tile_overlayer_lowered  }
0x9b: {  	s22 =	simm.s32 $0x1BFF;
	s21 =	sshll.u32 s6, $0x1;
	s3 =	sadd.s32 s4, s19  }
0x9c: {  	s7 =	simm.s32 $0x0;
	s20 =	sshll.u32 s5, $0x1;
	s5 =	sadd.s32 s21, s3  }
0x9d: {  	[timem:s7], [sflag:s22] =	dma.local [hbm:s5], s20  }
0x9e: {  	_ =	swait.ge [sflag:s22], s20  }
0x9f: {  	s4 =	ssub.s32 $0x0, s20;
	[sflag:s22] =	ssyncset.done $0x0  }
0xa0: {  	[sflag:s22] =	ssyncadd.s32 s4;
	_ =	sdelay $0x1  }
0xa1: {  	s23 =	simm.s32 $0x1B8B  }
0xa2: {  	_ =	swait.ge [sflag:s23], $0x1  }
0xa3: {  	[sflag:s23] =	ssyncset.done $0x0  }
0xa4: {  	s25 =	simm.s32 $0x1B8E;
	s24 =	sld [smem:$0x3FFE];
	[sflag:s23] =	ssyncadd.s32 $0xFFFFFFFF  }
0xa5: {  	s26 =	simm.s32 $execute0_lowered;
	[smem:$0x3FD2] =	sst s25  }
0xa6: {  	s5 =	sshll.u32 s26, $0x1;
	_ =	strace $0x80000049;
	[dreg:$0x1] =	wrdreg $0xFFFFFFFF  }
0xa7: {  	s28 =	simm.s32 $_size_execute0_lowered;
	s3 =	sadd.s32 s3, s5;
	[dreg:$0x0] =	wrdreg $0x0  }
0xa8: {  	s5 =	sshll.u32 s28, $0x1;
	[dreg:$0x2] =	wrdreg s3  }
0xa9: {  	[dreg:$0x3] =	wrdreg s5  }
0xaa: {  	[dreg:$0x4] =	wrdreg $0xC0  }
0xab: {  	_ =	task [dreg:s7], $0x5FFFF  }
0xac: {  	[dreg:$0x1] =	wrdreg $0xFFFFFFFF  }
0xad: {  	[dreg:$0x0] =	wrdreg $0x60  }
0xae: {  	[dreg:$0x2] =	wrdreg s24  }
0xaf: {  	[dreg:$0x3] =	wrdreg s2  }
0xb0: {  	[dreg:$0x4] =	wrdreg $0xA3000  }
0xb1: {  	[dreg:$0x5] =	wrdreg $0x9  }
0xb2: {  	_ =	task.clear_ibuf [dreg:s7], $0x6FFFF;
	_ =	strace $0x90000049  }
0xb3: {  	s29 =	simm.s32 $0x9;
	_ =	strace $0x8000004B  }
0xb4: {  	_ =	swait.ge [sflag:s29], $0x1  }
0xb5: {  	[sflag:s29] =	ssyncadd.s32 $0xFFFFFFFF  }
0xb6: {  	_ =	strace $0x9000004B  }
0xb7: {  	_ =	sfence  }
0xb8: {  	s30 =	sld [smem:$0x0];
	_ =	sdelay $0x2  }
0xb9: {  	s31 =	sshll.u32 s1, $0xD;
	s1 =	sshrl.u32 s1, $0x2  }
0xba: {  	s3 =	sand.u32 $0x4000, s31;
	s1 =	sadd.s32 s1, s30  }
0xbb: {  	s0 =	sor.u32 s3, s0;
	s1 =	sshll.u32 s1, $0x11  }
0xbc: {  	s0 =	sor.u32 s1, s0  }
0xbd: {  	s0 =	sadd.s32 $0x8F2B, s0  }
0xbe: {  	[sflag:s0] =	ssyncadd.remote.s32 $0x1  }
0xbf: {  	_ =	sfence.sel $0xFFFF  }
0xc0: {  	[dreg:$0x0] =	wrdreg $0xFFFFFFFF;
	(pc) =	sbr.abs _section_cstart, $3  }
0xc1: {  	[dreg:$0x1] =	wrdreg $0xFFFFFFFF  }
0xc2: {  	_ =	task.clear_ibuf [dreg:s7], $0x2FFFF;
	_ =	strace $0x9FFFFFFF  }
0xc3: {  	(tm) =	ssettm $0x7FFFFFFF  }
tec
execute0_lowered:
.L_overlay_start_1:
0x0: {  	(tag) =	ssettag $0x1  }
0x1: {  	s0 =	rddreg [dreg:$0x0]  }
0x2: {  	s2 =	rddreg [dreg:$0x1]  }
0x3: {  	s1 =	rddreg [dreg:$0x2];
	s3 =	srdreg.scid;
	s4 =	simm.s32 $0x0  }
0x4: {  	s11 =	simm.s32 $0x7;
	s12 =	simm.s32 $0x50;
	s13 =	simm.s32 $0x2800  }
0x5: {  	s14 =	simm.s32 $0x2B00;
	s15 =	simm.s32 $0x2880;
	s16 =	simm.s32 $0x5300  }
0x6: {  	s17 =	simm.s32 $0x1;
	s18 =	simm.s32 $0x2980;
	s19 =	simm.s32 $0x2900  }
0x7: {  	s20 =	simm.s32 $0x7B00;
	s21 =	simm.s32 $0x2;
	s22 =	simm.s32 $0x2A00  }
0x8: {  	s23 =	simm.s32 $0x4;
	s24 =	simm.s32 $0x3;
	s25 =	simm.s32 $0x2A80  }
0x9: {  	s28 =	simm.s32 $0x6;
	s6 =	sand.u32 $0x1, s3;
	s3 =	stileid.u32  }
0xa: {  	s29 =	simm.s32 $0x0;
	[smem:$0x7FF] =	sst s4;
	s7 =	smul.u32 $0x138800, s6  }
0xb: {  	s4 =	sadd.s32 $0x2800, s0;
	s5 =	sadd.s32 $0x2DA00, s0;
	s8 =	smul.u32 $0x1F400, s3  }
0xc: {  	_ =	strace $0x8000004A;
	s26 =	sshll.u32 s6, $0x4;
	s9 =	smul.u32 $0x7D000, s3  }
0xd: {  	s6 =	ssub.s32 $0x2, s6;
	p0 =	sgt.u32 s3, $0x9;
	s7 =	sadd.s32 s8, s7  }
0xe: {  	s30 =	sor.u32 s3, s26;
	s31 =	sshrl.u32 s6, $0x1;
	s7 =	sshrl.u32 s7, $0x3  }
0xf: {  	s9 =	sshrl.u32 s9, $0x2;
	s0 =	sadd.s32 s7, s0;
	s7 =	smul.u32 $0x500, s30  }
0x10: {  	s26 =	simm.s32 $0x5;
	s8 =	ssub.s32 s6, s31;
	s10 =	sadd.s32 s9, s1  }
0x11: {  	s6 =	sadd.s32 s2, s7;
	s7 =	sadd.s32 $0x31A00, s0;
	s0 =	sshll.u32 @!p0 s3, $0x6  }
0x12: {  	s8 =	smax.u32 s8, $0x1;
	s10 =	sshrl.u32 @!p0 s10, $0x3;
	s9 =	sor.u32 @!p0 $0x1C07, s0  }
.LBB2_1:
0x13: {  	[spmem:s10], [sflag:s9] =	dma.local @!p0 [hbm:s5], $0x3E80  }
0x14: {  	s0 =	simm.s32 @!p0 $0x7  }
0x15: {  	_ =	swait.ge @!p0 [sflag:s0], $0x3E80  }
0x16: {  	[sflag:s0] =	ssyncset.done @!p0 $0x0  }
0x17: {  	s2 =	simm.s32 $0x0;
	[sflag:s0] =	ssyncadd.s32 @!p0 $0xFFFFC180  }
0x18: {  	[tilespmem:s2], [sflag:$0x7] =	stream.linear.gather [hbm4b:s6+s2], $0x2800, $0x38;
	[tilespmem:$0x1DB80] =	vst v63  }
0x19: {  	_ =	swait.ge [sflag:s11], $0x2800  }
0x1a: {  	[sflag:s11] =	ssyncset.done $0x0  }
0x1b: {  	[sflag:s11] =	ssyncadd.s32 $0xFFFFD800  }
0x1c: {  	[bflag:$0x0] =	sbarrier.arrive $0xFFFF  }
0x1d: {  	v0 =	vld [tilespmem:$0x0];
	_ =	sdelay $0x1  }
0x1e: {  	v1 =	vld [tilespmem:$0x10];
	_ =	sdelay $0x1  }
0x1f: {  	v2 =	vld [tilespmem:$0x20]  }
0x20: {  	v3 =	vand.u32 $0xFFFF, v0  }
0x21: {  	v0 =	vshrl.u32 v0, $0x10;
	[tilespmem:$0x2800] =	vst v3;
	v3 =	vld [tilespmem:$0x30]  }
0x22: {  	[tilespmem:$0x2980] =	vst v0;
	v0 =	vand.u32 $0xFFFF, v1  }
0x23: {  	[tilespmem:$0x2810] =	vst v0;
	v0 =	vshrl.u32 v1, $0x10;
	v1 =	vld [tilespmem:$0x40]  }
0x24: {  	[tilespmem:$0x2990] =	vst v0;
	v0 =	vand.u32 $0xFFFF, v2  }
0x25: {  	[tilespmem:$0x2820] =	vst v0;
	v0 =	vshrl.u32 v2, $0x10  }
0x26: {  	[tilespmem:$0x29A0] =	vst v0;
	v0 =	vand.u32 $0xFFFF, v3  }
0x27: {  	[tilespmem:$0x2830] =	vst v0;
	v0 =	vshrl.u32 v3, $0x10  }
0x28: {  	[tilespmem:$0x29B0] =	vst v0;
	v0 =	vand.u32 $0xFFFF, v1  }
0x29: {  	p1 =	por $0x1, $0x1;
	[tilespmem:$0x2840] =	vst v0;
	v0 =	vshrl.u32 v1, $0x10  }
0x2a: {  	s0 =	simm.s32 @!p1 $0x5;
	[tilespmem:$0x29C0] =	vst v0  }
0x2b: {  	[tilespmem:s14], [sflag:$0x1] =	stream.indirect.gather [hbm4b:s4+s12], $0x80, s13, s12, $0xb8;
	[tilespmem:$0x1DB80] =	vst v63  }
0x2c: {  	_ =	swait.ge @!p1 [sflag:s0], $0x2800  }
0x2d: {  	[sflag:s0] =	ssyncset.done @!p1 $0x0  }
0x2e: {  	s30 =	simm.s32 $0xA0;
	[sflag:s0] =	ssyncadd.s32 @!p1 $0xFFFFD800  }
0x2f: {  	v0 =	vld [tilespmem:s30+$0xFFFFFFB0];
	_ =	sdelay $0x4  }
0x30: {  	v1 =	vand.u32 $0xFFFF, v0  }
0x31: {  	v0 =	vshrl.u32 v0, $0x10;
	[tilespmem:$0x2880] =	vst v1  }
0x32: {  	[tilespmem:$0x2A00] =	vst v0  }
0x33: {  	v0 =	vld [tilespmem:s30+$0xFFFFFFC0];
	_ =	sdelay $0x4  }
0x34: {  	v1 =	vand.u32 $0xFFFF, v0  }
0x35: {  	v0 =	vshrl.u32 v0, $0x10;
	[tilespmem:$0x2890] =	vst v1  }
0x36: {  	[tilespmem:$0x2A10] =	vst v0  }
0x37: {  	v0 =	vld [tilespmem:s30+$0xFFFFFFD0];
	_ =	sdelay $0x4  }
0x38: {  	v1 =	vand.u32 $0xFFFF, v0  }
0x39: {  	v0 =	vshrl.u32 v0, $0x10;
	[tilespmem:$0x28A0] =	vst v1  }
0x3a: {  	[tilespmem:$0x2A20] =	vst v0  }
0x3b: {  	v0 =	vld [tilespmem:s30+$0xFFFFFFE0];
	_ =	sdelay $0x4  }
0x3c: {  	v1 =	vand.u32 $0xFFFF, v0  }
0x3d: {  	v0 =	vshrl.u32 v0, $0x10;
	[tilespmem:$0x28B0] =	vst v1  }
0x3e: {  	[tilespmem:$0x2A30] =	vst v0  }
0x3f: {  	v0 =	vld [tilespmem:s30+$0xFFFFFFF0];
	_ =	sdelay $0x4  }
0x40: {  	v1 =	vand.u32 $0xFFFF, v0  }
0x41: {  	v0 =	vshrl.u32 v0, $0x10;
	[tilespmem:$0x28C0] =	vst v1  }
0x42: {  	[tilespmem:$0x2A40] =	vst v0  }
0x43: {  	[tilespmem:s16], [sflag:$0x2] =	stream.indirect.gather [hbm4b:s4+s12], $0x80, s15, s12, $0xb8;
	[tilespmem:$0x1DB80] =	vst v63  }
0x44: {  	_ =	swait.ge [sflag:s17], $0x2800  }
0x45: {  	[sflag:s17] =	ssyncset.done $0x0  }
0x46: {  	s0 =	simm.s32 @!p1 $0x6;
	[sflag:s17] =	ssyncadd.s32 $0xFFFFD800  }
0x47: {  	[spmem:s1] =	stream.indirect.scatter.add.f32 [tilespmem:s14], [sflag:$0x4], $0x80, s18, s12, $0xb8;
	[tilespmem:$0x1DB80] =	vst v63  }
0x48: {  	_ =	swait.ge @!p1 [sflag:s0], $0x2800  }
0x49: {  	[sflag:s0] =	ssyncset.done @!p1 $0x0  }
0x4a: {  	[sflag:s0] =	ssyncadd.s32 @!p1 $0xFFFFD800  }
0x4b: {  	v0 =	vld [tilespmem:s30+$0x0];
	_ =	sdelay $0x4  }
0x4c: {  	v1 =	vand.u32 $0xFFFF, v0  }
0x4d: {  	v0 =	vshrl.u32 v0, $0x10;
	[tilespmem:$0x2900] =	vst v1  }
0x4e: {  	[tilespmem:$0x2A80] =	vst v0  }
0x4f: {  	v0 =	vld [tilespmem:s30+$0x10];
	_ =	sdelay $0x4  }
0x50: {  	v1 =	vand.u32 $0xFFFF, v0  }
0x51: {  	v0 =	vshrl.u32 v0, $0x10;
	[tilespmem:$0x2910] =	vst v1  }
0x52: {  	[tilespmem:$0x2A90] =	vst v0  }
0x53: {  	v0 =	vld [tilespmem:s30+$0x20];
	_ =	sdelay $0x4  }
0x54: {  	v1 =	vand.u32 $0xFFFF, v0  }
0x55: {  	v0 =	vshrl.u32 v0, $0x10;
	[tilespmem:$0x2920] =	vst v1  }
0x56: {  	[tilespmem:$0x2AA0] =	vst v0  }
0x57: {  	v0 =	vld [tilespmem:s30+$0x30];
	_ =	sdelay $0x4  }
0x58: {  	v1 =	vand.u32 $0xFFFF, v0  }
0x59: {  	v0 =	vshrl.u32 v0, $0x10;
	[tilespmem:$0x2930] =	vst v1  }
0x5a: {  	[tilespmem:$0x2AB0] =	vst v0  }
0x5b: {  	v0 =	vld [tilespmem:s30+$0x40];
	_ =	sdelay $0x4  }
0x5c: {  	v1 =	vand.u32 $0xFFFF, v0  }
0x5d: {  	v0 =	vshrl.u32 v0, $0x10;
	[tilespmem:$0x2940] =	vst v1  }
0x5e: {  	[tilespmem:$0x2AC0] =	vst v0  }
0x5f: {  	[tilespmem:s20], [sflag:$0x3] =	stream.indirect.gather [hbm4b:s4+s12], $0x80, s19, s12, $0xb8;
	[tilespmem:$0x1DB80] =	vst v63  }
0x60: {  	_ =	swait.ge [sflag:s21], $0x2800  }
0x61: {  	[sflag:s21] =	ssyncset.done $0x0  }
0x62: {  	[sflag:s21] =	ssyncadd.s32 $0xFFFFD800  }
0x63: {  	[spmem:s1] =	stream.indirect.scatter.add.f32 [tilespmem:s16], [sflag:$0x5], $0x80, s22, s12, $0xb8;
	[tilespmem:$0x1DB80] =	vst v63  }
0x64: {  	_ =	swait.ge [sflag:s23], $0x2800  }
0x65: {  	[sflag:s23] =	ssyncset.done $0x0  }
0x66: {  	[sflag:s23] =	ssyncadd.s32 $0xFFFFD800  }
0x67: {  	v0 =	vld [tilespmem:s30+$0x50];
	_ =	sdelay $0x4  }
0x68: {  	v1 =	vand.u32 $0xFFFF, v0  }
0x69: {  	v0 =	vshrl.u32 v0, $0x10;
	[tilespmem:$0x2800] =	vst v1  }
0x6a: {  	s3 =	sand.u32 $0x3FF0, s2;
	[tilespmem:$0x2980] =	vst v0  }
0x6b: {  	v0 =	vld [tilespmem:s3+$0x100];
	_ =	sdelay $0x4  }
0x6c: {  	v1 =	vand.u32 $0xFFFF, v0  }
0x6d: {  	v0 =	vshrl.u32 v0, $0x10;
	[tilespmem:$0x2810] =	vst v1  }
0x6e: {  	[tilespmem:$0x2990] =	vst v0  }
0x6f: {  	v0 =	vld [tilespmem:s30+$0x70];
	_ =	sdelay $0x4  }
0x70: {  	v1 =	vand.u32 $0xFFFF, v0  }
0x71: {  	v0 =	vshrl.u32 v0, $0x10;
	[tilespmem:$0x2820] =	vst v1  }
0x72: {  	[tilespmem:$0x29A0] =	vst v0  }
0x73: {  	s31 =	simm.s32 $0xA0;
	s0 =	simm.s32 $0xF0;
	v0 =	vld [tilespmem:s30+$0x80]  }
.LBB2_2:
0x74: {  	_ =	sdelay $0x2  }
0x75: {  	s30 =	sadd.s32 $0xF0, s30;
	s2 =	smov.u32 s0;
	s0 =	sadd.s32 $0xF0, s0  }
0x76: {  	p1 =	sne.s32 s0, $0x2760;
	v1 =	vand.u32 $0xFFFF, v0;
	v0 =	vshrl.u32 v0, $0x10  }
0x77: {  	[tilespmem:$0x2830] =	vst v1  }
0x78: {  	[tilespmem:$0x29B0] =	vst v0  }
0x79: {  	v0 =	vld [tilespmem:s31+$0x90];
	s31 =	smov.u32 s30;
	_ =	sdelay $0x4  }
0x7a: {  	v1 =	vand.u32 $0xFFFF, v0;
	v0 =	vshrl.u32 v0, $0x10  }
0x7b: {  	[tilespmem:$0x2840] =	vst v1  }
0x7c: {  	[tilespmem:$0x29C0] =	vst v0  }
0x7d: {  	[tilespmem:s14], [sflag:$0x1] =	stream.indirect.gather [hbm4b:s4+s12], $0x80, s13, s12, $0xb8;
	[tilespmem:$0x1DB80] =	vst v63  }
0x7e: {  	_ =	swait.ge [sflag:s24], $0x2800  }
0x7f: {  	p2 =	seq.s32 s2, $0x0;
	[sflag:s24] =	ssyncset.done $0x0  }
0x80: {  	s3 =	simm.s32 @!p2 $0x5;
	[sflag:s24] =	ssyncadd.s32 $0xFFFFD800  }
0x81: {  	[spmem:s1] =	stream.indirect.scatter.add.f32 [tilespmem:s20], [sflag:$0x6], $0x80, s25, s12, $0xb8;
	[tilespmem:$0x1DB80] =	vst v63  }
0x82: {  	_ =	swait.ge @!p2 [sflag:s3], $0x2800  }
0x83: {  	[sflag:s3] =	ssyncset.done @!p2 $0x0  }
0x84: {  	[sflag:s3] =	ssyncadd.s32 @!p2 $0xFFFFD800  }
0x85: {  	v0 =	vld [tilespmem:s30+$0xFFFFFFB0];
	_ =	sdelay $0x4  }
0x86: {  	v1 =	vand.u32 $0xFFFF, v0;
	v0 =	vshrl.u32 v0, $0x10  }
0x87: {  	[tilespmem:$0x2880] =	vst v1  }
0x88: {  	[tilespmem:$0x2A00] =	vst v0  }
0x89: {  	v0 =	vld [tilespmem:s30+$0xFFFFFFC0];
	_ =	sdelay $0x4  }
0x8a: {  	v1 =	vand.u32 $0xFFFF, v0;
	v0 =	vshrl.u32 v0, $0x10  }
0x8b: {  	[tilespmem:$0x2890] =	vst v1  }
0x8c: {  	[tilespmem:$0x2A10] =	vst v0  }
0x8d: {  	v0 =	vld [tilespmem:s30+$0xFFFFFFD0];
	_ =	sdelay $0x4  }
0x8e: {  	v1 =	vand.u32 $0xFFFF, v0;
	v0 =	vshrl.u32 v0, $0x10  }
0x8f: {  	[tilespmem:$0x28A0] =	vst v1  }
0x90: {  	[tilespmem:$0x2A20] =	vst v0  }
0x91: {  	v0 =	vld [tilespmem:s30+$0xFFFFFFE0];
	_ =	sdelay $0x4  }
0x92: {  	v1 =	vand.u32 $0xFFFF, v0;
	v0 =	vshrl.u32 v0, $0x10  }
0x93: {  	[tilespmem:$0x28B0] =	vst v1  }
0x94: {  	[tilespmem:$0x2A30] =	vst v0  }
0x95: {  	v0 =	vld [tilespmem:s30+$0xFFFFFFF0];
	_ =	sdelay $0x4  }
0x96: {  	v1 =	vand.u32 $0xFFFF, v0;
	v0 =	vshrl.u32 v0, $0x10  }
0x97: {  	[tilespmem:$0x28C0] =	vst v1  }
0x98: {  	[tilespmem:$0x2A40] =	vst v0  }
0x99: {  	[tilespmem:s16], [sflag:$0x2] =	stream.indirect.gather [hbm4b:s4+s12], $0x80, s15, s12, $0xb8;
	[tilespmem:$0x1DB80] =	vst v63  }
0x9a: {  	_ =	swait.ge [sflag:s17], $0x2800  }
0x9b: {  	[sflag:s17] =	ssyncset.done $0x0  }
0x9c: {  	s3 =	simm.s32 @!p2 $0x6;
	[sflag:s17] =	ssyncadd.s32 $0xFFFFD800  }
0x9d: {  	[spmem:s1] =	stream.indirect.scatter.add.f32 [tilespmem:s14], [sflag:$0x4], $0x80, s18, s12, $0xb8;
	[tilespmem:$0x1DB80] =	vst v63  }
0x9e: {  	_ =	swait.ge @!p2 [sflag:s3], $0x2800  }
0x9f: {  	[sflag:s3] =	ssyncset.done @!p2 $0x0  }
0xa0: {  	[sflag:s3] =	ssyncadd.s32 @!p2 $0xFFFFD800  }
0xa1: {  	v0 =	vld [tilespmem:s30+$0x0];
	_ =	sdelay $0x4  }
0xa2: {  	v1 =	vand.u32 $0xFFFF, v0;
	v0 =	vshrl.u32 v0, $0x10  }
0xa3: {  	[tilespmem:$0x2900] =	vst v1  }
0xa4: {  	[tilespmem:$0x2A80] =	vst v0  }
0xa5: {  	v0 =	vld [tilespmem:s30+$0x10];
	_ =	sdelay $0x4  }
0xa6: {  	v1 =	vand.u32 $0xFFFF, v0;
	v0 =	vshrl.u32 v0, $0x10  }
0xa7: {  	[tilespmem:$0x2910] =	vst v1  }
0xa8: {  	[tilespmem:$0x2A90] =	vst v0  }
0xa9: {  	v0 =	vld [tilespmem:s30+$0x20];
	_ =	sdelay $0x4  }
0xaa: {  	v1 =	vand.u32 $0xFFFF, v0;
	v0 =	vshrl.u32 v0, $0x10  }
0xab: {  	[tilespmem:$0x2920] =	vst v1  }
0xac: {  	[tilespmem:$0x2AA0] =	vst v0  }
0xad: {  	v0 =	vld [tilespmem:s30+$0x30];
	_ =	sdelay $0x4  }
0xae: {  	v1 =	vand.u32 $0xFFFF, v0;
	v0 =	vshrl.u32 v0, $0x10  }
0xaf: {  	[tilespmem:$0x2930] =	vst v1  }
0xb0: {  	[tilespmem:$0x2AB0] =	vst v0  }
0xb1: {  	v0 =	vld [tilespmem:s30+$0x40];
	_ =	sdelay $0x4  }
0xb2: {  	v1 =	vand.u32 $0xFFFF, v0;
	v0 =	vshrl.u32 v0, $0x10  }
0xb3: {  	[tilespmem:$0x2940] =	vst v1  }
0xb4: {  	[tilespmem:$0x2AC0] =	vst v0  }
0xb5: {  	[tilespmem:s20], [sflag:$0x3] =	stream.indirect.gather [hbm4b:s4+s12], $0x80, s19, s12, $0xb8;
	[tilespmem:$0x1DB80] =	vst v63  }
0xb6: {  	_ =	swait.ge [sflag:s21], $0x2800  }
0xb7: {  	[sflag:s21] =	ssyncset.done $0x0  }
0xb8: {  	[sflag:s21] =	ssyncadd.s32 $0xFFFFD800  }
0xb9: {  	[spmem:s1] =	stream.indirect.scatter.add.f32 [tilespmem:s16], [sflag:$0x5], $0x80, s22, s12, $0xb8;
	[tilespmem:$0x1DB80] =	vst v63  }
0xba: {  	_ =	swait.ge [sflag:s23], $0x2800  }
0xbb: {  	[sflag:s23] =	ssyncset.done $0x0  }
0xbc: {  	[sflag:s23] =	ssyncadd.s32 $0xFFFFD800  }
0xbd: {  	v0 =	vld [tilespmem:s30+$0x50];
	_ =	sdelay $0x4  }
0xbe: {  	v1 =	vand.u32 $0xFFFF, v0;
	v0 =	vshrl.u32 v0, $0x10  }
0xbf: {  	[tilespmem:$0x2800] =	vst v1  }
0xc0: {  	s2 =	sand.u32 $0x3FF0, s2;
	[tilespmem:$0x2980] =	vst v0  }
0xc1: {  	v0 =	vld [tilespmem:s2+$0x100];
	_ =	sdelay $0x4  }
0xc2: {  	v1 =	vand.u32 $0xFFFF, v0;
	v0 =	vshrl.u32 v0, $0x10  }
0xc3: {  	[tilespmem:$0x2810] =	vst v1  }
0xc4: {  	[tilespmem:$0x2990] =	vst v0  }
0xc5: {  	v0 =	vld [tilespmem:s30+$0x70];
	_ =	sdelay $0x3  }
.Ltmp0:
0xc6: {  	(pc) =	sbr.rel @p1 .LBB2_2-.Ltmp0, $4  }
0xc7: {  	v1 =	vand.u32 $0xFFFF, v0;
	v0 =	vshrl.u32 v0, $0x10  }
0xc8: {  	[tilespmem:$0x2820] =	vst v1  }
0xc9: {  	[tilespmem:$0x29A0] =	vst v0  }
0xca: {  	v0 =	vld [tilespmem:s30+$0x80]  }
0xcb: {  	_ =	sdelay $0x3  }
0xcc: {  	v1 =	vand.u32 $0xFFFF, v0  }
0xcd: {  	v50 =	vshrl.u32 v0, $0x10;
	[tilespmem:$0x2830] =	vst v1  }
0xce: {  	[tilespmem:$0x29B0] =	vst v50  }
0xcf: {  	v0 =	vld [tilespmem:s31+$0x90];
	_ =	sdelay $0x4  }
0xd0: {  	v51 =	vand.u32 $0xFFFF, v0  }
0xd1: {  	v0 =	vshrl.u32 v0, $0x10;
	[tilespmem:$0x2840] =	vst v51  }
0xd2: {  	[tilespmem:$0x29C0] =	vst v0  }
0xd3: {  	[tilespmem:s14], [sflag:$0x1] =	stream.indirect.gather [hbm4b:s4+s12], $0x80, s13, s12, $0xb8;
	[tilespmem:$0x1DB80] =	vst v63  }
0xd4: {  	_ =	swait.ge [sflag:s24], $0x2800  }
0xd5: {  	[sflag:s24] =	ssyncset.done $0x0  }
0xd6: {  	[sflag:s24] =	ssyncadd.s32 $0xFFFFD800  }
0xd7: {  	[spmem:s1] =	stream.indirect.scatter.add.f32 [tilespmem:s20], [sflag:$0x6], $0x80, s25, s12, $0xb8;
	[tilespmem:$0x1DB80] =	vst v63  }
0xd8: {  	_ =	swait.ge [sflag:s26], $0x2800  }
0xd9: {  	[sflag:s26] =	ssyncset.done $0x0  }
0xda: {  	[sflag:s26] =	ssyncadd.s32 $0xFFFFD800  }
0xdb: {  	v52 =	vld [tilespmem:$0x27B0];
	_ =	sdelay $0x1  }
0xdc: {  	v53 =	vld [tilespmem:$0x27C0];
	_ =	sdelay $0x1  }
0xdd: {  	v2 =	vld [tilespmem:$0x27D0]  }
0xde: {  	v3 =	vand.u32 $0xFFFF, v52  }
0xdf: {  	v54 =	vld [tilespmem:$0x27E0];
	v0 =	vshrl.u32 v52, $0x10;
	[tilespmem:$0x2880] =	vst v3  }
0xe0: {  	v55 =	vand.u32 $0xFFFF, v53;
	[tilespmem:$0x2A00] =	vst v0  }
0xe1: {  	v57 =	vld [tilespmem:$0x27F0];
	v56 =	vshrl.u32 v53, $0x10;
	[tilespmem:$0x2890] =	vst v55  }
0xe2: {  	v58 =	vand.u32 $0xFFFF, v2;
	[tilespmem:$0x2A10] =	vst v56  }
0xe3: {  	v59 =	vshrl.u32 v2, $0x10;
	[tilespmem:$0x28A0] =	vst v58  }
0xe4: {  	v60 =	vand.u32 $0xFFFF, v54;
	[tilespmem:$0x2A20] =	vst v59  }
0xe5: {  	v61 =	vshrl.u32 v54, $0x10;
	[tilespmem:$0x28B0] =	vst v60  }
0xe6: {  	v62 =	vand.u32 $0xFFFF, v57;
	[tilespmem:$0x2A30] =	vst v61  }
0xe7: {  	v63 =	vshrl.u32 v57, $0x10;
	[tilespmem:$0x28C0] =	vst v62  }
0xe8: {  	[tilespmem:$0x2A40] =	vst v63  }
0xe9: {  	[tilespmem:s16], [sflag:$0x2] =	stream.indirect.gather [hbm4b:s4+s12], $0x80, s15, s12, $0xb8;
	[tilespmem:$0x1DB80] =	vst v63  }
0xea: {  	_ =	swait.ge [sflag:s17], $0x2800  }
0xeb: {  	[sflag:s17] =	ssyncset.done $0x0  }
0xec: {  	[sflag:s17] =	ssyncadd.s32 $0xFFFFD800  }
0xed: {  	[spmem:s1] =	stream.indirect.scatter.add.f32 [tilespmem:s14], [sflag:$0x4], $0x80, s18, s12, $0xb8;
	[tilespmem:$0x1DB80] =	vst v63  }
0xee: {  	_ =	swait.ge [sflag:s21], $0x2800  }
0xef: {  	[sflag:s21] =	ssyncset.done $0x0  }
0xf0: {  	[sflag:s21] =	ssyncadd.s32 $0xFFFFD800  }
0xf1: {  	[spmem:s1] =	stream.indirect.scatter.add.f32 [tilespmem:s16], [sflag:$0x5], $0x80, s22, s12, $0xb8;
	[tilespmem:$0x1DB80] =	vst v63  }
0xf2: {  	_ =	swait.ge [sflag:s28], $0x2800  }
0xf3: {  	[sflag:s28] =	ssyncset.done $0x0  }
0xf4: {  	[sflag:s28] =	ssyncadd.s32 $0xFFFFD800  }
0xf5: {  	_ =	swait.ge [sflag:s23], $0x2800  }
0xf6: {  	[sflag:s23] =	ssyncset.done $0x0  }
0xf7: {  	[sflag:s23] =	ssyncadd.s32 $0xFFFFD800  }
0xf8: {  	_ =	swait.ge [sflag:s26], $0x2800  }
0xf9: {  	s29 =	sadd.s32 $0x1, s29;
	[sflag:s26] =	ssyncset.done $0x0  }
0xfa: {  	p1 =	sne.s32 s29, s8;
	[sflag:s26] =	ssyncadd.s32 $0xFFFFD800  }
.Ltmp1:
0xfb: {  	s0 =	simm.s32 @!p0 $0x7;
	[bflag:$0x0] =	sbarrier.arrive $0xFFFF;
	(pc) =	sbr.rel @p1 .LBB2_1-.Ltmp1, $4  }
0xfc: {  	[hbm:s7], [sflag:s9] =	dma.local @!p0 [spmem:s10], $0x3E80  }
0xfd: {  	_ =	swait.ge @!p0 [sflag:s0], $0x3E80  }
0xfe: {  	[sflag:s0] =	ssyncset.done @!p0 $0x0  }
0xff: {  	[sflag:s0] =	ssyncadd.s32 @!p0 $0xFFFFC180  }
0x100: {  	_ =	sfence.sel $0x180000  }
0x101: {  	[bflag:$0x0] =	sbarrier.arrive $0xFFFF  }
0x102: {  	_ =	strace $0x9000004A  }
0x103: {  	s0 =	stileid.u32;
	[bflag:$0x2] =	sbarrier.arrive $0xFFFF  }
0x104: {  	p0 =	sne.s32 s0, $0x0;
	s0 =	rddreg [dreg:$0x3]  }
0x105: {  	s0 =	sadd.s32 @!p0 $0x100000, s0  }
0x106: {  	[sflag:s0] =	ssyncadd.tile.s32 @!p0 $0x1;
	_ =	shalt  }
.Lfunc_end2:
_tile_overlayer_lowered:
.L_overlay_start_2:
0x107: {  	(tag) =	ssettag $0x2  }
0x108: {  	s0 =	rddreg [dreg:$0x0];
	s2 =	stileid.u32  }
0x109: {  	s1 =	rddreg [dreg:$0x1];
	p0 =	sne.s32 s2, $0x0  }
0x10a: {  	s3 =	rddreg [dreg:$0x2];
	[bflag:$0x3] =	sbarrier.arrive $0xFFFF;
	s2 =	simm.s32 @!p0 $0x1C07  }
0x10b: {  	[timem:s3], [sflag:s2] =	dma.local @!p0 [hbm:s0], s1  }
0x10c: {  	s0 =	simm.s32 @!p0 $0x7  }
0x10d: {  	_ =	swait.ge @!p0 [sflag:s0], s1  }
0x10e: {  	s1 =	ssub.s32 @!p0 $0x0, s1;
	[sflag:s0] =	ssyncset.done @!p0 $0x0  }
0x10f: {  	[sflag:s0] =	ssyncadd.s32 @!p0 s1  }
0x110: {  	[bflag:$0x3] =	sbarrier.arrive $0xFFFF  }
0x111: {  	_ =	shalt  }

// kernel: kernel.7.cloned.1.call-start
scs
__scs_entry_jumppad:
0x0: {  	(pc) =	sbr.rel $0x88, $3  }
0x1: {  	(tag) =	ssettag $0x0;
	lr =	simm.s32 $0x1  }
0x2: {  	[smem:$0x3F99] =	sst lr;
	_ =	strace $0xD0000000  }
0x3: {  	_ = 	snop  }
0x4: {  	_ = 	snop  }
0x5: {  	_ = 	snop  }
0x6: {  	_ = 	snop  }
0x7: {  	_ = 	snop  }
__scs_overlays_trampoline_lowered:
0x8: {  	[smem:$0x3FA8] =	sst s0  }
0x9: {  	[smem:$0x3FA9] =	sst s1  }
0xa: {  	[smem:$0x3FAA] =	sst s2  }
0xb: {  	[smem:$0x3FAB] =	sst s3  }
0xc: {  	[smem:$0x3FAC] =	sst s4  }
0xd: {  	[smem:$0x3FAD] =	sst s5  }
0xe: {  	[smem:$0x3FAE] =	sst s6  }
0xf: {  	[smem:$0x3FAF] =	sst s7  }
0x10: {  	[smem:$0x3FB0] =	sst s8  }
0x11: {  	[smem:$0x3FB1] =	sst s9;
	s0 =	simm.s32 @!p0 $0x0  }
0x12: {  	s1 =	sld [smem:$0x3F97];
	s0 =	simm.s32 @p0 $0x1  }
0x13: {  	[smem:$0x3FB2] =	sst s0;
	s0 =	simm.s32 @!p1 $0x0  }
0x14: {  	s2 =	sld [smem:$0x3F96];
	s0 =	simm.s32 @p1 $0x1  }
0x15: {  	[smem:$0x3FB3] =	sst s0;
	s0 =	simm.s32 @!p2 $0x0  }
0x16: {  	s3 =	sld [smem:$0x3FDB];
	s0 =	simm.s32 @p2 $0x1  }
0x17: {  	s4 =	simm.s32 $0x1BF5;
	[smem:$0x3FB5] =	sst s0  }
0x18: {  	s0 =	sld [smem:$0x3F98];
	_ =	swait.ge [sflag:s4], $0x0  }
0x19: {  	s7 =	sld [smem:$0x3F99]  }
0x1a: {  	s8 =	sadd.s32 $0xFFFFE003, lr  }
0x1b: {  	s9 =	sadd.s32 $0xFFFFFEF7, lr;
	s5 =	simm.s32 $0xFFFFFFFF;
	p2 =	slt.u32 s8, $0xFFFFF086  }
0x1c: {  	p1 =	slt.u32 s9, $0xF7A;
	s5 =	simm.s32 @!p2 $0x0  }
0x1d: {  	s5 =	simm.s32 @p1 $0x1;
	p0 =	seq.s32 s7, s2  }
0x1e: {  	s7 =	smul.u32 @!p0 $0xF7A, s2;
	p2 =	seq.s32 @!p0 s5, $0x0  }
0x1f: {  	s9 =	smul.u32 $0xF7A, s1;
	s8 =	simm.s32 @!p0 $0x1BF5;
	p2 =	por !p2, p0  }
0x20: {  	[sflag:s8] =	ssyncset.s32 @!p0 $0xFFFFF086;
	s6 =	sadd.s32 @!p0 s3, s7;
	s7 =	simm.s32 @!p0 $0x108  }
0x21: {  	s3 =	sadd.s32 s3, s9;
	s6 =	sadd.s32 @!p0 $0x88, s6;
	s7 =	simm.s32 @p2 $0x1082  }
0x22: {  	[simem:s7], [sflag:s8] =	dma.local @!p0 [hbm:s6], $0xF7A  }
0x23: {  	s9 =	sor.u32 $0xD0000000, s2;
	s6 =	simm.s32 $0x108;
	_ =	swait.ge @!p0 [sflag:s8], $0x0  }
0x24: {  	s3 =	sadd.s32 $0x88, s3;
	s6 =	simm.s32 @!p1 $0x1082;
	[sflag:s4] =	ssyncset.s32 $0xFFFFF086  }
0x25: {  	[simem:s6], [sflag:s4] =	dma.local [hbm:s3], $0xF7A  }
0x26: {  	[smem:$0x3F99] =	sst s1;
	(tag) =	ssettag s2;
	_ =	strace s9  }
0x27: {  	s1 =	sld [smem:$0x3FA9]  }
0x28: {  	s2 =	sld [smem:$0x3FAA]  }
0x29: {  	s4 =	sld [smem:$0x3FAC]  }
0x2a: {  	p0 =	seq.s32 s5, $0x0;
	s5 =	sld [smem:$0x3FAD]  }
0x2b: {  	s6 =	sld [smem:$0x3FAE]  }
0x2c: {  	s7 =	sld [smem:$0x3FAF]  }
0x2d: {  	s3 =	simm.s32 $0x108;
	s8 =	sld [smem:$0x3FB0]  }
0x2e: {  	s3 =	simm.s32 @!p0 $0x1082;
	s9 =	sld [smem:$0x3FB1]  }
0x2f: {  	lr =	sadd.s32 s0, s3;
	s0 =	sld [smem:$0x3FA8]  }
0x30: {  	s3 =	sld [smem:$0x3FAB]  }
0x31: {  	[smem:$0x3FB4] =	sst s10  }
0x32: {  	s10 =	sld [smem:$0x3FB2];
	_ =	sdelay $0x3  }
0x33: {  	p0 =	seq.s32 s10, $0x1;
	s10 =	sld [smem:$0x3FB4];
	_ =	sdelay $0x3  }
0x34: {  	[smem:$0x3FB4] =	sst s10  }
0x35: {  	s10 =	sld [smem:$0x3FB3];
	_ =	sdelay $0x3  }
0x36: {  	p1 =	seq.s32 s10, $0x1;
	s10 =	sld [smem:$0x3FB4];
	_ =	sdelay $0x3  }
0x37: {  	[smem:$0x3FB4] =	sst s10  }
0x38: {  	s10 =	sld [smem:$0x3FB5]  }
0x39: {  	_ = 	snop;
	(pc) =	sbr.ind lr, $3  }
0x3a: {  	_ = 	snop  }
0x3b: {  	_ = 	snop  }
0x3c: {  	p2 =	seq.s32 s10, $0x1;
	s10 =	sld [smem:$0x3FB4]  }
0x3d: {  	_ =	shalt  }
0x3e: {  	_ =	shalt  }
0x3f: {  	_ =	shalt  }
0x40: {  	_ =	shalt  }
0x41: {  	_ =	shalt  }
0x42: {  	_ =	shalt  }
0x43: {  	_ =	shalt  }
0x44: {  	_ =	shalt  }
0x45: {  	_ =	shalt  }
0x46: {  	_ =	shalt  }
0x47: {  	_ =	shalt  }
0x48: {  	_ =	shalt  }
0x49: {  	_ =	shalt  }
0x4a: {  	_ =	shalt  }
0x4b: {  	_ =	shalt  }
0x4c: {  	_ =	shalt  }
0x4d: {  	_ =	shalt  }
0x4e: {  	_ =	shalt  }
0x4f: {  	_ =	shalt  }
0x50: {  	_ =	shalt  }
0x51: {  	_ =	shalt  }
0x52: {  	_ =	shalt  }
0x53: {  	_ =	shalt  }
0x54: {  	_ =	shalt  }
0x55: {  	_ =	shalt  }
0x56: {  	_ =	shalt  }
0x57: {  	_ =	shalt  }
0x58: {  	_ =	shalt  }
0x59: {  	_ =	shalt  }
0x5a: {  	_ =	shalt  }
0x5b: {  	_ =	shalt  }
0x5c: {  	_ =	shalt  }
0x5d: {  	_ =	shalt  }
0x5e: {  	_ =	shalt  }
0x5f: {  	_ =	shalt  }
0x60: {  	_ =	shalt  }
0x61: {  	_ =	shalt  }
0x62: {  	_ =	shalt  }
0x63: {  	_ =	shalt  }
0x64: {  	_ =	shalt  }
0x65: {  	_ =	shalt  }
0x66: {  	_ =	shalt  }
0x67: {  	_ =	shalt  }
0x68: {  	_ =	shalt  }
0x69: {  	_ =	shalt  }
0x6a: {  	_ =	shalt  }
0x6b: {  	_ =	shalt  }
0x6c: {  	_ =	shalt  }
0x6d: {  	_ =	shalt  }
0x6e: {  	_ =	shalt  }
0x6f: {  	_ =	shalt  }
0x70: {  	_ =	shalt  }
0x71: {  	_ =	shalt  }
0x72: {  	_ =	shalt  }
0x73: {  	_ =	shalt  }
0x74: {  	_ =	shalt  }
0x75: {  	_ =	shalt  }
0x76: {  	_ =	shalt  }
0x77: {  	_ =	shalt  }
0x78: {  	_ =	shalt  }
0x79: {  	_ =	shalt  }
0x7a: {  	_ =	shalt  }
0x7b: {  	_ =	shalt  }
0x7c: {  	_ =	shalt  }
0x7d: {  	_ =	shalt  }
0x7e: {  	_ =	shalt  }
0x7f: {  	_ =	shalt  }
0x80: {  	_ =	shalt  }
0x81: {  	_ =	shalt  }
0x82: {  	_ =	shalt  }
0x83: {  	_ =	shalt  }
0x84: {  	_ =	shalt  }
0x85: {  	_ =	shalt  }
0x86: {  	_ =	shalt  }
0x87: {  	_ =	shalt  }
.Lfunc_end0:
.L_simem_size_0:
called_computation_lowered:
.L_overlay_start_0:
0x88: {  	s2 =	sld [smem:$0x3FD9]  }
0x89: {  	s3 =	sld [smem:$0x3FFE];
	_ =	sdelay $0x1  }
0x8a: {  	s1 =	srdreg.scid  }
0x8b: {  	s0 =	sand.u32 $0x1, s1  }
0x8c: {  	s17 =	sshll.u32 s0, $0xA;
	s2 =	sadd.s32 s3, s2  }
0x8d: {  	s2 =	sadd.s32 s2, s17  }
0x8e: {  	[smem:$0x3FC0] =	sst s2  }
0x8f: {  	_ = 	snop  }
0x90: {  	s2 =	sld [smem:$0x3FD0];
	(tm) =	ssettm $0x1  }
0x91: {  	s18 =	sld [smem:$0x3FFB];
	_ =	sdelay $0x3  }
0x92: {  	_ =	strace s18  }
0x93: {  	s3 =	sld [smem:$0x3FFC];
	_ =	sdelay $0x3  }
0x94: {  	_ =	strace s3  }
0x95: {  	s3 =	sld [smem:$0x3FFD];
	_ =	sdelay $0x3  }
0x96: {  	_ =	strace s3  }
0x97: {  	_ =	strace $0x8FFFFFFF  }
0x98: {  	s19 =	sld [smem:$0x3FDB];
	_ =	sdelay $0x1  }
0x99: {  	s4 =	simm.s32 $_scs_section_size  }
0x9a: {  	s5 =	simm.s32 $_size__tile_overlayer_lowered;
	s6 =	simm.s32 $_tile_overlayer_lowered  }
0x9b: {  	s22 =	simm.s32 $0x1BFF;
	s21 =	sshll.u32 s6, $0x1;
	s3 =	sadd.s32 s4, s19  }
0x9c: {  	s7 =	simm.s32 $0x0;
	s20 =	sshll.u32 s5, $0x1;
	s5 =	sadd.s32 s21, s3  }
0x9d: {  	[timem:s7], [sflag:s22] =	dma.local [hbm:s5], s20  }
0x9e: {  	_ =	swait.ge [sflag:s22], s20  }
0x9f: {  	s4 =	ssub.s32 $0x0, s20;
	[sflag:s22] =	ssyncset.done $0x0  }
0xa0: {  	[sflag:s22] =	ssyncadd.s32 s4;
	_ =	sdelay $0x1  }
0xa1: {  	s23 =	simm.s32 $0x1B8B  }
0xa2: {  	_ =	swait.ge [sflag:s23], $0x1  }
0xa3: {  	[sflag:s23] =	ssyncset.done $0x0  }
0xa4: {  	s25 =	simm.s32 $0x1B8E;
	s24 =	sld [smem:$0x3FFE];
	[sflag:s23] =	ssyncadd.s32 $0xFFFFFFFF  }
0xa5: {  	s26 =	simm.s32 $execute0_lowered;
	[smem:$0x3FD2] =	sst s25  }
0xa6: {  	s5 =	sshll.u32 s26, $0x1;
	_ =	strace $0x80000046;
	[dreg:$0x1] =	wrdreg $0xFFFFFFFF  }
0xa7: {  	s28 =	simm.s32 $_size_execute0_lowered;
	s3 =	sadd.s32 s3, s5;
	[dreg:$0x0] =	wrdreg $0x0  }
0xa8: {  	s5 =	sshll.u32 s28, $0x1;
	[dreg:$0x2] =	wrdreg s3  }
0xa9: {  	[dreg:$0x3] =	wrdreg s5  }
0xaa: {  	[dreg:$0x4] =	wrdreg $0xC0  }
0xab: {  	_ =	task [dreg:s7], $0x5FFFF  }
0xac: {  	[dreg:$0x1] =	wrdreg $0xFFFFFFFF  }
0xad: {  	[dreg:$0x0] =	wrdreg $0x60  }
0xae: {  	[dreg:$0x2] =	wrdreg s24  }
0xaf: {  	[dreg:$0x3] =	wrdreg s2  }
0xb0: {  	[dreg:$0x4] =	wrdreg $0xA7800  }
0xb1: {  	[dreg:$0x5] =	wrdreg $0x1E0000  }
0xb2: {  	[dreg:$0x6] =	wrdreg $0x9  }
0xb3: {  	_ =	task.clear_ibuf [dreg:s7], $0x7FFFF;
	_ =	strace $0x90000046  }
0xb4: {  	s29 =	simm.s32 $0x9;
	_ =	strace $0x80000048  }
0xb5: {  	_ =	swait.ge [sflag:s29], $0x1  }
0xb6: {  	[sflag:s29] =	ssyncadd.s32 $0xFFFFFFFF  }
0xb7: {  	_ =	strace $0x90000048  }
0xb8: {  	_ =	sfence  }
0xb9: {  	s30 =	sld [smem:$0x0];
	_ =	sdelay $0x2  }
0xba: {  	s31 =	sshll.u32 s1, $0xD;
	s1 =	sshrl.u32 s1, $0x2  }
0xbb: {  	s3 =	sand.u32 $0x4000, s31;
	s1 =	sadd.s32 s1, s30  }
0xbc: {  	s0 =	sor.u32 s3, s0;
	s1 =	sshll.u32 s1, $0x11  }
0xbd: {  	s0 =	sor.u32 s1, s0  }
0xbe: {  	s0 =	sadd.s32 $0x8F2B, s0  }
0xbf: {  	[sflag:s0] =	ssyncadd.remote.s32 $0x1  }
0xc0: {  	_ =	sfence.sel $0xFFFF  }
0xc1: {  	[dreg:$0x0] =	wrdreg $0xFFFFFFFF;
	(pc) =	sbr.abs _section_cstart, $3  }
0xc2: {  	[dreg:$0x1] =	wrdreg $0xFFFFFFFF  }
0xc3: {  	_ =	task.clear_ibuf [dreg:s7], $0x2FFFF;
	_ =	strace $0x9FFFFFFF  }
0xc4: {  	(tm) =	ssettm $0x7FFFFFFF  }
0xc5: {  	_ =	shalt  }
tec
execute0_lowered:
.L_overlay_start_1:
0x0: {  	(tag) =	ssettag $0x1  }
0x1: {  	s0 =	rddreg [dreg:$0x0]  }
0x2: {  	s1 =	rddreg [dreg:$0x1]  }
0x3: {  	s2 =	rddreg [dreg:$0x2];
	s4 =	srdreg.scid  }
0x4: {  	s3 =	rddreg [dreg:$0x3];
	s15 =	stileid.u32  }
0x5: {  	s7 =	simm.s32 $0x0;
	s17 =	simm.s32 $0x7;
	s6 =	smul.u32 $0x1F400, s15  }
0x6: {  	s28 =	simm.s32 $0x2;
	s29 =	simm.s32 $0x2A00;
	s18 =	smul.u32 $0x3E8, s15  }
0x7: {  	s30 =	simm.s32 $0x3;
	s31 =	simm.s32 $0x2A80;
	s10 =	smul.u32 $0x7D000, s15  }
0x8: {  	s4 =	sand.u32 $0x1, s4;
	[smem:$0x7FF] =	sst s7;
	s11 =	smul.u32 $0xFA0, s15  }
0x9: {  	s9 =	sadd.s32 $0x2DA00, s0;
	s19 =	sadd.s32 $0x2D800, s0;
	s5 =	smul.u32 $0x138800, s4  }
0xa: {  	p0 =	sgt.u32 s15, $0x9;
	_ =	strace $0x80000047;
	s8 =	smul.u32 $0x2710, s4  }
0xb: {  	[dreg:$0x5] =	wrdreg s9;
	s21 =	sshll.u32 s4, $0x4;
	s4 =	ssub.s32 $0x2, s4  }
0xc: {  	[dreg:$0x6] =	wrdreg s19;
	s19 =	simm.s32 $0x2800;
	s22 =	sshrl.u32 s4, $0x1  }
0xd: {  	s23 =	sshrl.u32 s10, $0x2;
	s24 =	sshrl.u32 s11, $0x2;
	s26 =	sadd.s32 s18, s3  }
0xe: {  	s6 =	sadd.s32 s6, s5;
	s5 =	sadd.s32 $0x2800, s0;
	s8 =	sadd.s32 s18, s8  }
0xf: {  	s4 =	ssub.s32 s4, s22;
	s9 =	sadd.s32 s23, s2;
	s10 =	sadd.s32 s24, s3  }
0x10: {  	[dreg:$0xa] =	wrdreg s26;
	s18 =	simm.s32 $0x50;
	s22 =	simm.s32 $0x5300  }
0x11: {  	s23 =	simm.s32 $0x1;
	s24 =	simm.s32 $0x2980;
	s26 =	simm.s32 $0x7B00  }
0x12: {  	s6 =	sshrl.u32 s6, $0x3;
	s20 =	sshrl.u32 s8, $0x3;
	s8 =	sor.u32 s15, s21  }
0x13: {  	[dreg:$0x7] =	wrdreg s10;
	s14 =	smax.u32 s4, $0x1;
	s16 =	sshrl.u32 @!p0 s9, $0x3  }
0x14: {  	s21 =	simm.s32 $0x2880;
	s4 =	simm.s32 $0x0;
	s6 =	sadd.s32 s6, s0  }
0x15: {  	s0 =	sadd.s32 s20, s0;
	s12 =	smul.u32 $0x500, s8;
	s20 =	simm.s32 $0x2B00  }
0x16: {  	p1 =	seq.s32 s8, $0x1F;
	p2 =	sne.s32 s8, $0x1F;
	s25 =	sadd.s32 $0x32400, s6  }
0x17: {  	s13 =	sadd.s32 $0x31A00, s0;
	s0 =	sshll.u32 @!p0 s15, $0x6;
	s1 =	sadd.s32 s1, s12  }
0x18: {  	[dreg:$0x9] =	wrdreg s25;
	s15 =	sor.u32 @!p0 $0x1C07, s0;
	s25 =	simm.s32 $0x2900  }
0x19: {  	v0 =	vimm.f32 $1.000000000e+00;
	s0 =	simm.s32 $0x5;
	[dreg:$0x8] =	wrdreg s1;
	s1 =	simm.s32 $0xA300  }
.LBB2_1:
0x1a: {  	s6 =	rddreg [dreg:$0x5]  }
0x1b: {  	[spmem:s16], [sflag:s15] =	dma.local @!p0 [hbm:s6], $0x3E80  }
0x1c: {  	s6 =	simm.s32 @!p0 $0x7  }
0x1d: {  	_ =	swait.ge @!p0 [sflag:s6], $0x3E80  }
0x1e: {  	s7 =	simm.s32 @!p0 $0x0;
	[sflag:s6] =	ssyncset.done @!p0 $0x0  }
0x1f: {  	s9 =	simm.s32 @!p0 $0xA380;
	s10 =	rddreg [dreg:$0x6];
	[sflag:s6] =	ssyncadd.s32 @!p0 $0xFFFFC180  }
0x20: {  	[tilespmem:s9], [sflag:$0x7] =	stream.linear.gather @!p0 [hbm4b:s10+s7], $0x400, $0x38;
	[tilespmem:$0x1E278] =	vst v63  }
0x21: {  	_ =	swait.ge @!p0 [sflag:s6], $0x400  }
0x22: {  	[sflag:s6] =	ssyncset.done @!p0 $0x0  }
0x23: {  	s7 =	rddreg [dreg:$0x7];
	[sflag:s6] =	ssyncadd.s32 @!p0 $0xFFFFFC00  }
0x24: {  	[spmem:s7] =	stream.linear.scatter @!p0 [tilespmem:s9], [sflag:$0x7], $0x3E8, $0x38;
	[tilespmem:$0x1E278] =	vst v63  }
0x25: {  	_ =	swait.ge @!p0 [sflag:s6], $0x3E8  }
0x26: {  	[sflag:s6] =	ssyncset.done @!p0 $0x0  }
0x27: {  	[sflag:s6] =	ssyncadd.s32 @!p0 $0xFFFFFC18  }
0x28: {  	[tilespmem:$0xA300] =	vst v0  }
0x29: {  	[tilespmem:$0xA310] =	vst v0  }
0x2a: {  	[tilespmem:$0xA320] =	vst v0  }
0x2b: {  	[tilespmem:$0xA330] =	vst v0  }
0x2c: {  	s11 =	simm.s32 $0x0;
	s12 =	rddreg [dreg:$0x8];
	[tilespmem:$0xA340] =	vst v0  }
0x2d: {  	[tilespmem:s11], [sflag:$0x7] =	stream.linear.gather [hbm4b:s12+s11], $0x2800, $0x38;
	[tilespmem:$0x1E278] =	vst v63  }
0x2e: {  	_ =	swait.ge [sflag:s17], $0x2800  }
0x2f: {  	[sflag:s17] =	ssyncset.done $0x0  }
0x30: {  	[sflag:s17] =	ssyncadd.s32 $0xFFFFD800  }
0x31: {  	[bflag:$0x0] =	sbarrier.arrive $0xFFFF  }
0x32: {  	v1 =	vld [tilespmem:$0x0];
	_ =	sdelay $0x1  }
0x33: {  	v2 =	vld [tilespmem:$0x10];
	_ =	sdelay $0x1  }
0x34: {  	v3 =	vld [tilespmem:$0x20]  }
0x35: {  	v4 =	vand.u32 $0xFFFF, v1  }
0x36: {  	v63 =	vld [tilespmem:$0x30];
	v1 =	vshrl.u32 v1, $0x10;
	[tilespmem:$0x2800] =	vst v4  }
0x37: {  	[tilespmem:$0x2980] =	vst v1;
	v1 =	vand.u32 $0xFFFF, v2  }
0x38: {  	[tilespmem:$0x2810] =	vst v1;
	v1 =	vshrl.u32 v2, $0x10;
	v2 =	vld [tilespmem:$0x40]  }
0x39: {  	[tilespmem:$0x2990] =	vst v1;
	v1 =	vand.u32 $0xFFFF, v3  }
0x3a: {  	[tilespmem:$0x2820] =	vst v1;
	v1 =	vshrl.u32 v3, $0x10  }
0x3b: {  	[tilespmem:$0x29A0] =	vst v1;
	v1 =	vand.u32 $0xFFFF, v63  }
0x3c: {  	[tilespmem:$0x2830] =	vst v1;
	v1 =	vshrl.u32 v63, $0x10  }
0x3d: {  	[tilespmem:$0x29B0] =	vst v1;
	v1 =	vand.u32 $0xFFFF, v2  }
0x3e: {  	[tilespmem:$0x2840] =	vst v1;
	v1 =	vshrl.u32 v2, $0x10  }
0x3f: {  	s7 =	simm.s32 $0x0;
	s9 =	simm.s32 $0x0;
	s6 =	simm.s32 $0xA0;
	[tilespmem:$0x29C0] =	vst v1  }
0x40: {  	[tilespmem:s20], [sflag:$0x1] =	stream.indirect.gather [hbm4b:s5+s18], $0x80, s19, s18, $0xb8;
	[tilespmem:$0x1E278] =	vst v63  }
.LBB2_2:
0x41: {  	p3 =	seq.s32 s9, $0x0  }
0x42: {  	p4 =	sne.s32 @!p3 s8, $0x1F  }
0x43: {  	s10 =	simm.s32 @!p3 $0x5;
	p5 =	por p4, p3  }
0x44: {  	_ =	swait.ge @!p3 [sflag:s10], $0x2800;
	p5 =	sgt.u32 @!p5 s9, $0xB  }
0x45: {  	[sflag:s10] =	ssyncset.done @!p3 $0x0;
	p4 =	por @!p3 p4, !p5  }
0x46: {  	[sflag:s10] =	ssyncadd.s32 @!p3 $0xFFFFD800;
	p4 =	por p3, !p4  }
0x47: {  	_ =	swait.ge @!p4 [sflag:s0], $0x50  }
0x48: {  	[sflag:s0] =	ssyncset.done @!p4 $0x0  }
0x49: {  	[sflag:s0] =	ssyncadd.s32 @!p4 $0xFFFFFFB0  }
0x4a: {  	v1 =	vld [tilespmem:s6+$0xFFFFFFB0];
	_ =	sdelay $0x4  }
0x4b: {  	v2 =	vand.u32 $0xFFFF, v1  }
0x4c: {  	v1 =	vshrl.u32 v1, $0x10;
	[tilespmem:$0x2880] =	vst v2  }
0x4d: {  	[tilespmem:$0x2A00] =	vst v1  }
0x4e: {  	v1 =	vld [tilespmem:s6+$0xFFFFFFC0];
	_ =	sdelay $0x4  }
0x4f: {  	v2 =	vand.u32 $0xFFFF, v1  }
0x50: {  	v1 =	vshrl.u32 v1, $0x10;
	[tilespmem:$0x2890] =	vst v2  }
0x51: {  	[tilespmem:$0x2A10] =	vst v1  }
0x52: {  	v1 =	vld [tilespmem:s6+$0xFFFFFFD0];
	_ =	sdelay $0x4  }
0x53: {  	v2 =	vand.u32 $0xFFFF, v1  }
0x54: {  	v1 =	vshrl.u32 v1, $0x10;
	[tilespmem:$0x28A0] =	vst v2  }
0x55: {  	[tilespmem:$0x2A20] =	vst v1  }
0x56: {  	v1 =	vld [tilespmem:s6+$0xFFFFFFE0];
	_ =	sdelay $0x4  }
0x57: {  	v2 =	vand.u32 $0xFFFF, v1  }
0x58: {  	v1 =	vshrl.u32 v1, $0x10;
	[tilespmem:$0x28B0] =	vst v2  }
0x59: {  	[tilespmem:$0x2A30] =	vst v1  }
0x5a: {  	v1 =	vld [tilespmem:s6+$0xFFFFFFF0];
	_ =	sdelay $0x4  }
0x5b: {  	v2 =	vand.u32 $0xFFFF, v1  }
0x5c: {  	v1 =	vshrl.u32 v1, $0x10;
	[tilespmem:$0x28C0] =	vst v2  }
0x5d: {  	p6 =	sgt.u32 s9, $0xA;
	[tilespmem:$0x2A40] =	vst v1  }
0x5e: {  	[tilespmem:s22], [sflag:$0x2] =	stream.indirect.gather [hbm4b:s5+s18], $0x80, s21, s18, $0xb8;
	[tilespmem:$0x1E278] =	vst v63  }
0x5f: {  	p3 =	por !p1, !p6;
	_ =	swait.ge [sflag:s23], $0x2800  }
0x60: {  	p3 =	por !p3, !p3;
	[sflag:s23] =	ssyncset.done $0x0  }
0x61: {  	s10 =	simm.s32 @!p3 $0x50;
	p4 =	seq.s32 @!p3 s9, $0x0;
	[sflag:s23] =	ssyncadd.s32 $0xFFFFD800  }
0x62: {  	[spmem:s2] =	stream.indirect.scatter.add.f32 [tilespmem:s20], [sflag:$0x4], $0x80, s24, s18, $0xb8;
	[tilespmem:$0x1E278] =	vst v63  }
0x63: {  	s11 =	simm.s32 @!p3 $0x2980;
	s12 =	simm.s32 @!p3 $0xA300;
	p4 =	por p4, p3  }
0x64: {  	[spmem:s3] =	stream.indirect.scatter.add.f32 @!p3 [tilespmem:s12], [sflag:$0x4], $0x1, s11, s10, $0xb8;
	[tilespmem:$0x1E278] =	vst v63  }
0x65: {  	s11 =	simm.s32 @!p4 $0x6  }
0x66: {  	_ =	swait.ge @!p4 [sflag:s11], $0x2800  }
0x67: {  	[sflag:s11] =	ssyncset.done @!p4 $0x0  }
0x68: {  	[sflag:s11] =	ssyncadd.s32 @!p4 $0xFFFFD800  }
0x69: {  	_ =	swait.ge @!p4 [sflag:s11], $0x50  }
0x6a: {  	[sflag:s11] =	ssyncset.done @!p4 $0x0  }
0x6b: {  	[sflag:s11] =	ssyncadd.s32 @!p4 $0xFFFFFFB0;
	s11 =	simm.s32 @p3 $0x6  }
0x6c: {  	_ =	swait.ge @p3 [sflag:s11], $0x2800  }
0x6d: {  	[sflag:s11] =	ssyncset.done @p3 $0x0  }
0x6e: {  	[sflag:s11] =	ssyncadd.s32 @p3 $0xFFFFD800  }
0x6f: {  	v1 =	vld [tilespmem:s6+$0x0];
	_ =	sdelay $0x4  }
0x70: {  	v2 =	vand.u32 $0xFFFF, v1  }
0x71: {  	v1 =	vshrl.u32 v1, $0x10;
	[tilespmem:$0x2900] =	vst v2  }
0x72: {  	[tilespmem:$0x2A80] =	vst v1  }
0x73: {  	v1 =	vld [tilespmem:s6+$0x10];
	_ =	sdelay $0x4  }
0x74: {  	v2 =	vand.u32 $0xFFFF, v1  }
0x75: {  	v1 =	vshrl.u32 v1, $0x10;
	[tilespmem:$0x2910] =	vst v2  }
0x76: {  	[tilespmem:$0x2A90] =	vst v1  }
0x77: {  	v1 =	vld [tilespmem:s6+$0x20];
	_ =	sdelay $0x4  }
0x78: {  	v2 =	vand.u32 $0xFFFF, v1  }
0x79: {  	v1 =	vshrl.u32 v1, $0x10;
	[tilespmem:$0x2920] =	vst v2  }
0x7a: {  	[tilespmem:$0x2AA0] =	vst v1  }
0x7b: {  	v1 =	vld [tilespmem:s6+$0x30];
	_ =	sdelay $0x4  }
0x7c: {  	v2 =	vand.u32 $0xFFFF, v1  }
0x7d: {  	v1 =	vshrl.u32 v1, $0x10;
	[tilespmem:$0x2930] =	vst v2  }
0x7e: {  	[tilespmem:$0x2AB0] =	vst v1  }
0x7f: {  	v1 =	vld [tilespmem:s6+$0x40];
	_ =	sdelay $0x4  }
0x80: {  	v2 =	vand.u32 $0xFFFF, v1  }
0x81: {  	v1 =	vshrl.u32 v1, $0x10;
	[tilespmem:$0x2940] =	vst v2  }
0x82: {  	[tilespmem:$0x2AC0] =	vst v1  }
0x83: {  	[tilespmem:s26], [sflag:$0x3] =	stream.indirect.gather [hbm4b:s5+s18], $0x80, s25, s18, $0xb8;
	[tilespmem:$0x1E278] =	vst v63  }
0x84: {  	_ =	swait.ge [sflag:s28], $0x2800  }
0x85: {  	[sflag:s28] =	ssyncset.done $0x0  }
0x86: {  	[sflag:s28] =	ssyncadd.s32 $0xFFFFD800  }
0x87: {  	[spmem:s2] =	stream.indirect.scatter.add.f32 [tilespmem:s22], [sflag:$0x5], $0x80, s29, s18, $0xb8;
	[tilespmem:$0x1E278] =	vst v63  }
0x88: {  	s11 =	simm.s32 @!p3 $0x2A00  }
0x89: {  	[spmem:s3] =	stream.indirect.scatter.add.f32 @!p3 [tilespmem:s12], [sflag:$0x5], $0x1, s11, s10, $0xb8;
	[tilespmem:$0x1E278] =	vst v63  }
0x8a: {  	s10 =	simm.s32 @!p3 $0x4  }
0x8b: {  	_ =	swait.ge @!p3 [sflag:s10], $0x2800  }
0x8c: {  	[sflag:s10] =	ssyncset.done @!p3 $0x0  }
0x8d: {  	[sflag:s10] =	ssyncadd.s32 @!p3 $0xFFFFD800  }
0x8e: {  	_ =	swait.ge @!p3 [sflag:s10], $0x50  }
0x8f: {  	[sflag:s10] =	ssyncset.done @!p3 $0x0  }
0x90: {  	[sflag:s10] =	ssyncadd.s32 @!p3 $0xFFFFFFB0;
	s10 =	simm.s32 @p3 $0x4  }
0x91: {  	_ =	swait.ge @p3 [sflag:s10], $0x2800  }
0x92: {  	[sflag:s10] =	ssyncset.done @p3 $0x0  }
0x93: {  	[sflag:s10] =	ssyncadd.s32 @p3 $0xFFFFD800  }
0x94: {  	v1 =	vld [tilespmem:s6+$0x50];
	_ =	sdelay $0x4  }
0x95: {  	v2 =	vand.u32 $0xFFFF, v1  }
0x96: {  	v1 =	vshrl.u32 v1, $0x10;
	[tilespmem:$0x2800] =	vst v2  }
0x97: {  	s12 =	sand.u32 $0x3FF0, s7;
	[tilespmem:$0x2980] =	vst v1  }
0x98: {  	v1 =	vld [tilespmem:s12+$0x100];
	_ =	sdelay $0x4  }
0x99: {  	v2 =	vand.u32 $0xFFFF, v1  }
0x9a: {  	v1 =	vshrl.u32 v1, $0x10;
	[tilespmem:$0x2810] =	vst v2  }
0x9b: {  	[tilespmem:$0x2990] =	vst v1  }
0x9c: {  	v1 =	vld [tilespmem:s6+$0x70];
	_ =	sdelay $0x4  }
0x9d: {  	v2 =	vand.u32 $0xFFFF, v1  }
0x9e: {  	v1 =	vshrl.u32 v1, $0x10;
	[tilespmem:$0x2820] =	vst v2  }
0x9f: {  	[tilespmem:$0x29A0] =	vst v1  }
0xa0: {  	v1 =	vld [tilespmem:s6+$0x80];
	_ =	sdelay $0x4  }
0xa1: {  	v2 =	vand.u32 $0xFFFF, v1  }
0xa2: {  	v1 =	vshrl.u32 v1, $0x10;
	[tilespmem:$0x2830] =	vst v2  }
0xa3: {  	[tilespmem:$0x29B0] =	vst v1  }
0xa4: {  	v1 =	vld [tilespmem:s6+$0x90];
	_ =	sdelay $0x4  }
0xa5: {  	v2 =	vand.u32 $0xFFFF, v1  }
0xa6: {  	v1 =	vshrl.u32 v1, $0x10;
	[tilespmem:$0x2840] =	vst v2  }
0xa7: {  	[tilespmem:$0x29C0] =	vst v1  }
0xa8: {  	[tilespmem:s20], [sflag:$0x1] =	stream.indirect.gather [hbm4b:s5+s18], $0x80, s19, s18, $0xb8;
	[tilespmem:$0x1E278] =	vst v63  }
0xa9: {  	_ =	swait.ge [sflag:s30], $0x2800  }
0xaa: {  	[sflag:s30] =	ssyncset.done $0x0  }
0xab: {  	p3 =	sgt.u32 @!p2 s9, $0x9;
	[sflag:s30] =	ssyncadd.s32 $0xFFFFD800  }
0xac: {  	[spmem:s2] =	stream.indirect.scatter.add.f32 [tilespmem:s26], [sflag:$0x6], $0x80, s31, s18, $0xb8;
	[tilespmem:$0x1E278] =	vst v63  }
0xad: {  	s9 =	sadd.s32 $0x1, s9;
	p3 =	por p2, !p3  }
0xae: {  	[spmem:s3] =	stream.indirect.scatter.add.f32 @p3 [tilespmem:s1], [sflag:$0x6], $0x1, s31, s18, $0xb8;
	[tilespmem:$0x1E278] =	vst v63  }
0xaf: {  	p3 =	sne.s32 s9, $0x2A  }
.Ltmp0:
0xb0: {  	_ = 	snop;
	(pc) =	sbr.rel @p3 .LBB2_2-.Ltmp0, $2  }
0xb1: {  	_ =	sdelay $0x2  }
0xb2: {  	s7 =	sadd.s32 $0xF0, s7;
	s6 =	sadd.s32 $0xF0, s6  }
0xb3: {  	_ =	swait.ge [sflag:s0], $0x2800  }
0xb4: {  	[sflag:s0] =	ssyncset.done $0x0  }
0xb5: {  	s6 =	simm.s32 @!p1 $0x5;
	[sflag:s0] =	ssyncadd.s32 $0xFFFFD800  }
0xb6: {  	_ =	swait.ge @!p1 [sflag:s6], $0x50  }
0xb7: {  	[sflag:s6] =	ssyncset.done @!p1 $0x0  }
0xb8: {  	[sflag:s6] =	ssyncadd.s32 @!p1 $0xFFFFFFB0  }
0xb9: {  	v1 =	vld [tilespmem:$0x27B0];
	_ =	sdelay $0x1  }
0xba: {  	v2 =	vld [tilespmem:$0x27C0];
	_ =	sdelay $0x1  }
0xbb: {  	v3 =	vld [tilespmem:$0x27D0]  }
0xbc: {  	v4 =	vand.u32 $0xFFFF, v1  }
0xbd: {  	v63 =	vld [tilespmem:$0x27E0];
	v1 =	vshrl.u32 v1, $0x10;
	[tilespmem:$0x2880] =	vst v4  }
0xbe: {  	[tilespmem:$0x2A00] =	vst v1;
	v1 =	vand.u32 $0xFFFF, v2  }
0xbf: {  	[tilespmem:$0x2890] =	vst v1;
	v1 =	vshrl.u32 v2, $0x10;
	v2 =	vld [tilespmem:$0x27F0]  }
0xc0: {  	[tilespmem:$0x2A10] =	vst v1;
	v1 =	vand.u32 $0xFFFF, v3  }
0xc1: {  	[tilespmem:$0x28A0] =	vst v1;
	v1 =	vshrl.u32 v3, $0x10  }
0xc2: {  	[tilespmem:$0x2A20] =	vst v1;
	v1 =	vand.u32 $0xFFFF, v63  }
0xc3: {  	[tilespmem:$0x28B0] =	vst v1;
	v1 =	vshrl.u32 v63, $0x10  }
0xc4: {  	[tilespmem:$0x2A30] =	vst v1;
	v1 =	vand.u32 $0xFFFF, v2  }
0xc5: {  	[tilespmem:$0x28C0] =	vst v1;
	v1 =	vshrl.u32 v2, $0x10  }
0xc6: {  	[tilespmem:$0x2A40] =	vst v1  }
0xc7: {  	[tilespmem:s22], [sflag:$0x2] =	stream.indirect.gather [hbm4b:s5+s18], $0x80, s21, s18, $0xb8;
	[tilespmem:$0x1E278] =	vst v63  }
0xc8: {  	_ =	swait.ge [sflag:s23], $0x2800  }
0xc9: {  	[sflag:s23] =	ssyncset.done $0x0  }
0xca: {  	s7 =	simm.s32 @p1 $0x2;
	[sflag:s23] =	ssyncadd.s32 $0xFFFFD800  }
0xcb: {  	[spmem:s2] =	stream.indirect.scatter.add.f32 [tilespmem:s20], [sflag:$0x4], $0x80, s24, s18, $0xb8;
	[tilespmem:$0x1E278] =	vst v63  }
0xcc: {  	_ =	swait.ge @p1 [sflag:s7], $0x2800  }
0xcd: {  	s9 =	simm.s32 @p1 $0x2A00;
	[sflag:s7] =	ssyncset.done @p1 $0x0  }
0xce: {  	s10 =	simm.s32 @p1 $0x5300;
	[sflag:s7] =	ssyncadd.s32 @p1 $0xFFFFD800;
	s7 =	simm.s32 @p1 $0x50  }
0xcf: {  	[spmem:s2] =	stream.indirect.scatter.add.f32 @p1 [tilespmem:s10], [sflag:$0x5], $0x80, s9, s7, $0xb8;
	[tilespmem:$0x1E278] =	vst v63  }
0xd0: {  	s7 =	simm.s32 @p1 $0x6  }
0xd1: {  	_ =	swait.ge @p1 [sflag:s7], $0x2800  }
0xd2: {  	[sflag:s7] =	ssyncset.done @p1 $0x0  }
0xd3: {  	[sflag:s7] =	ssyncadd.s32 @p1 $0xFFFFD800;
	s7 =	simm.s32 @p1 $0x4  }
0xd4: {  	_ =	swait.ge @p1 [sflag:s7], $0x2800  }
0xd5: {  	[sflag:s7] =	ssyncset.done @p1 $0x0  }
0xd6: {  	[sflag:s7] =	ssyncadd.s32 @p1 $0xFFFFD800;
	s7 =	simm.s32 @p1 $0x5  }
0xd7: {  	_ =	swait.ge @p1 [sflag:s7], $0x2800  }
0xd8: {  	s9 =	simm.s32 @!p1 $0x2980;
	[sflag:s7] =	ssyncset.done @p1 $0x0  }
0xd9: {  	s10 =	simm.s32 @!p1 $0xA300;
	[sflag:s7] =	ssyncadd.s32 @p1 $0xFFFFD800;
	s7 =	simm.s32 @!p1 $0x50  }
0xda: {  	[spmem:s3] =	stream.indirect.scatter.add.f32 @!p1 [tilespmem:s10], [sflag:$0x4], $0x1, s9, s7, $0xb8;
	[tilespmem:$0x1E278] =	vst v63  }
0xdb: {  	s9 =	simm.s32 @!p1 $0x2  }
0xdc: {  	_ =	swait.ge @!p1 [sflag:s9], $0x2800  }
0xdd: {  	[sflag:s9] =	ssyncset.done @!p1 $0x0  }
0xde: {  	s11 =	simm.s32 @!p1 $0x5300;
	[sflag:s9] =	ssyncadd.s32 @!p1 $0xFFFFD800;
	s9 =	simm.s32 @!p1 $0x2A00  }
0xdf: {  	[spmem:s2] =	stream.indirect.scatter.add.f32 @!p1 [tilespmem:s11], [sflag:$0x5], $0x80, s9, s7, $0xb8;
	[tilespmem:$0x1E278] =	vst v63  }
0xe0: {  	_ = 	snop  }
0xe1: {  	[spmem:s3] =	stream.indirect.scatter.add.f32 @!p1 [tilespmem:s10], [sflag:$0x5], $0x1, s9, s7, $0xb8;
	[tilespmem:$0x1E278] =	vst v63  }
0xe2: {  	s7 =	simm.s32 @!p1 $0x6  }
0xe3: {  	_ =	swait.ge @!p1 [sflag:s7], $0x2800  }
0xe4: {  	[sflag:s7] =	ssyncset.done @!p1 $0x0  }
0xe5: {  	[sflag:s7] =	ssyncadd.s32 @!p1 $0xFFFFD800  }
0xe6: {  	_ =	swait.ge @!p1 [sflag:s7], $0x50  }
0xe7: {  	[sflag:s7] =	ssyncset.done @!p1 $0x0  }
0xe8: {  	[sflag:s7] =	ssyncadd.s32 @!p1 $0xFFFFFFB0;
	s7 =	simm.s32 @!p1 $0x4  }
0xe9: {  	_ =	swait.ge @!p1 [sflag:s7], $0x2800  }
0xea: {  	[sflag:s7] =	ssyncset.done @!p1 $0x0  }
0xeb: {  	[sflag:s7] =	ssyncadd.s32 @!p1 $0xFFFFD800  }
0xec: {  	_ =	swait.ge @!p1 [sflag:s7], $0x50  }
0xed: {  	[sflag:s7] =	ssyncset.done @!p1 $0x0  }
0xee: {  	[sflag:s7] =	ssyncadd.s32 @!p1 $0xFFFFFFB0  }
0xef: {  	_ =	swait.ge @!p1 [sflag:s6], $0x2800  }
0xf0: {  	[sflag:s6] =	ssyncset.done @!p1 $0x0  }
0xf1: {  	[sflag:s6] =	ssyncadd.s32 @!p1 $0xFFFFD800  }
0xf2: {  	_ =	swait.ge @!p1 [sflag:s6], $0x50  }
0xf3: {  	[sflag:s6] =	ssyncset.done @!p1 $0x0  }
0xf4: {  	[sflag:s6] =	ssyncadd.s32 @!p1 $0xFFFFFFB0  }
0xf5: {  	[bflag:$0x0] =	sbarrier.arrive $0xFFFF  }
0xf6: {  	s6 =	rddreg [dreg:$0x9]  }
0xf7: {  	[hbm:s6], [sflag:s15] =	dma.local @!p0 [spmem:s16], $0x3E80  }
0xf8: {  	s6 =	simm.s32 @!p0 $0x7  }
0xf9: {  	_ =	swait.ge @!p0 [sflag:s6], $0x3E80  }
0xfa: {  	[sflag:s6] =	ssyncset.done @!p0 $0x0  }
0xfb: {  	s7 =	simm.s32 @!p0 $0xA380;
	s9 =	rddreg [dreg:$0xa];
	[sflag:s6] =	ssyncadd.s32 @!p0 $0xFFFFC180  }
0xfc: {  	[tilespmem:s7], [sflag:$0x7] =	stream.linear.gather @!p0 [spmem:s9], $0x3E8, $0x38;
	[tilespmem:$0x1E278] =	vst v63  }
0xfd: {  	s4 =	sadd.s32 $0x1, s4;
	_ =	swait.ge @!p0 [sflag:s6], $0x3E8  }
0xfe: {  	p3 =	sne.s32 s4, s14;
	[sflag:s6] =	ssyncset.done @!p0 $0x0  }
.Ltmp1:
0xff: {  	s9 =	simm.s32 @!p0 $0x0;
	[sflag:s6] =	ssyncadd.s32 @!p0 $0xFFFFFC18;
	(pc) =	sbr.rel @p3 .LBB2_1-.Ltmp1, $4  }
0x100: {  	[hbm4b:s13+s9] =	stream.linear.scatter @!p0 [tilespmem:s7], [sflag:$0x7], $0x3E8, $0x38;
	[tilespmem:$0x1E278] =	vst v63  }
0x101: {  	_ =	swait.ge @!p0 [sflag:s6], $0x3E8  }
0x102: {  	[sflag:s6] =	ssyncset.done @!p0 $0x0  }
0x103: {  	[sflag:s6] =	ssyncadd.s32 @!p0 $0xFFFFFC18  }
0x104: {  	_ =	sfence.sel $0x180000  }
0x105: {  	[bflag:$0x0] =	sbarrier.arrive $0xFFFF  }
0x106: {  	_ =	strace $0x90000047  }
0x107: {  	s0 =	stileid.u32;
	[bflag:$0x2] =	sbarrier.arrive $0xFFFF  }
0x108: {  	p0 =	sne.s32 s0, $0x0;
	s0 =	rddreg [dreg:$0x4]  }
0x109: {  	s0 =	sadd.s32 @!p0 $0x100000, s0  }
0x10a: {  	[sflag:s0] =	ssyncadd.tile.s32 @!p0 $0x1;
	_ =	shalt  }
.Lfunc_end2:
_tile_overlayer_lowered:
.L_overlay_start_2:
0x10b: {  	(tag) =	ssettag $0x2  }
0x10c: {  	s0 =	rddreg [dreg:$0x0];
	s2 =	stileid.u32  }
0x10d: {  	s1 =	rddreg [dreg:$0x1];
	p0 =	sne.s32 s2, $0x0  }
0x10e: {  	s3 =	rddreg [dreg:$0x2];
	[bflag:$0x3] =	sbarrier.arrive $0xFFFF;
	s2 =	simm.s32 @!p0 $0x1C07  }
0x10f: {  	[timem:s3], [sflag:s2] =	dma.local @!p0 [hbm:s0], s1  }
0x110: {  	s0 =	simm.s32 @!p0 $0x7  }
0x111: {  	_ =	swait.ge @!p0 [sflag:s0], s1  }
0x112: {  	s1 =	ssub.s32 @!p0 $0x0, s1;
	[sflag:s0] =	ssyncset.done @!p0 $0x0  }
0x113: {  	[sflag:s0] =	ssyncadd.s32 @!p0 s1  }
0x114: {  	[bflag:$0x3] =	sbarrier.arrive $0xFFFF  }
0x115: {  	_ =	shalt  }

</sc_bundles>
